<compile_context>
chip_gen: v7x
topology: tpu7x:2x2x1
jax: 0.10.2.dev20260603
libtpu: 0.0.44.dev20260713+nightly
codegen_flags: <defaults>
</compile_context>

<pallas_src>
import functools

import jax
import jax.numpy as jnp
from jax import lax
from jax.experimental import pallas as pl
from jax.experimental.pallas import tpu as pltpu
from jax.experimental.pallas import tpu_sc as plsc

N = 10000
E = 320000
D = 128
DE = 16
EH = 128
OE = 16
NH = 128
ON = 128

NC = 2
NS = 16
NW = NC * NS

WROWS = 80
EPAD = NW * WROWS * 128

NPAD = 10240
STRIPE = NPAD // NS

BE = 4096
BN = 2000

_SQRT_HALF = 0.7071067811865476


def _ln_gelu(x, g, b):
    mu = jnp.mean(x, axis=-1, keepdims=True)
    xc = x - mu
    var = jnp.mean(xc * xc, axis=-1, keepdims=True)
    y = xc * lax.rsqrt(var + 1e-5) * g + b
    return 0.5 * y * (1.0 + lax.erf(y * _SQRT_HALF))


def _sc_gather(x, row_p, col_p, half):
    mesh = plsc.VectorSubcoreMesh(core_axis_name="c", subcore_axis_name="s",
                                  num_cores=NC, num_subcores=NS)

    @functools.partial(
        pl.kernel,
        out_type=[
            jax.ShapeDtypeStruct((EPAD // 4, D), jnp.float32),
            jax.ShapeDtypeStruct((EPAD // 4, D), jnp.float32),
        ],
        mesh=mesh,
        scratch_types=[
            pltpu.VMEM((128,), jnp.int32),
            pltpu.VMEM((128,), jnp.int32),
            pltpu.VMEM((128, D), jnp.float32),
            pltpu.VMEM((128, D), jnp.float32),
            pltpu.SemaphoreType.DMA,
            pltpu.SemaphoreType.DMA,
        ],
        compiler_params=pltpu.CompilerParams(use_tc_tiling_on_sc=False),
    )
    def gather_k(x_hbm, row_hbm, col_hbm, gs_hbm, gt_hbm,
                 idxr_v, idxc_v, s_v, t_v, sem_s, sem_t):
        wid = lax.axis_index("s") * NC + lax.axis_index("c")
        base = wid * (WROWS // 4 * 128)

        def body(j, carry):
            off = base + j * 128
            pltpu.sync_copy(row_hbm.at[pl.ds(half * (EPAD // 4) + off, 128)],
                            idxr_v)
            pltpu.sync_copy(col_hbm.at[pl.ds(half * (EPAD // 4) + off, 128)],
                            idxc_v)
            cps = pltpu.async_copy(x_hbm.at[idxr_v], s_v, sem_s)
            cpt = pltpu.async_copy(x_hbm.at[idxc_v], t_v, sem_t)
            cps.wait()
            pltpu.sync_copy(s_v, gs_hbm.at[pl.ds(off, 128)])
            cpt.wait()
            pltpu.sync_copy(t_v, gt_hbm.at[pl.ds(off, 128)])
            return carry

        lax.fori_loop(0, WROWS // 4, body, 0)

    return gather_k(x, row_p, col_p)


def _sc_segment_sum(eout_p, col2d):
    mesh = plsc.VectorSubcoreMesh(core_axis_name="c", subcore_axis_name="s",
                                  num_cores=NC, num_subcores=NS)
    CR = 8

    @functools.partial(
        pl.kernel,
        out_type=jax.ShapeDtypeStruct((NC, NPAD, OE), jnp.float32),
        mesh=mesh,
        scratch_types=[
            pltpu.VMEM((CR, 128), jnp.int32),
            pltpu.VMEM((CR * 128, OE), jnp.float32),
            pltpu.VMEM((STRIPE, OE), jnp.float32),
            pltpu.VMEM_SHARED((NPAD, OE), jnp.float32),
        ],
        compiler_params=pltpu.CompilerParams(use_tc_tiling_on_sc=False),
    )
    def scatter_k(eout1_hbm, eout2_hbm, eout3_hbm, eout4_hbm, col_hbm,
                  out_hbm, idx_v, rows_v, zb_v, acc_sp):
        cid = lax.axis_index("c")
        sid = lax.axis_index("s")
        wid = sid * NC + cid

        def zbody(i, carry):
            zb_v[i] = jnp.zeros((OE,), jnp.float32)
            return carry

        lax.fori_loop(0, STRIPE, zbody, 0)
        pltpu.sync_copy(zb_v, acc_sp.at[pl.ds(sid * STRIPE, STRIPE)])
        plsc.subcore_barrier()

        base_row = wid * WROWS

        qrows = EPAD // 4 // 128

        def body(j, carry):
            r0 = base_row + j * CR
            pltpu.sync_copy(col_hbm.at[pl.ds(r0, CR)], idx_v)
            for qi, src_hbm in enumerate((eout1_hbm, eout2_hbm, eout3_hbm,
                                          eout4_hbm)):
                @pl.when((r0 >= qi * qrows) & (r0 < (qi + 1) * qrows))
                def _(qi=qi, src_hbm=src_hbm):
                    pltpu.sync_copy(
                        src_hbm.at[pl.ds((r0 - qi * qrows) * 128, CR * 128)],
                        rows_v)

            def inner(k, c2):
                pltpu.sync_copy(rows_v.at[pl.ds(k * 128, 128)],
                                acc_sp.at[idx_v.at[k]], add=True)
                return c2

            lax.fori_loop(0, CR, inner, 0)
            return carry

        lax.fori_loop(0, WROWS // CR, body, 0)
        plsc.subcore_barrier()

        pltpu.sync_copy(acc_sp.at[pl.ds(sid * STRIPE, STRIPE)], zb_v)
        pltpu.sync_copy(zb_v, out_hbm.at[cid].at[pl.ds(sid * STRIPE, STRIPE)])

    return scatter_k(eout_p[0], eout_p[1], eout_p[2], eout_p[3], col2d)


def _edge_body(hoff_ref, gs_ref, gt_ref, ef_ref, A_ref, Bm_ref, Wef_ref,
               wsq_ref, wdist_ref, eb1_ref, eg1_ref, ebt1_ref, eW2_ref,
               eb2_ref, eg2_ref, ebt2_ref, out_ref):
    s = gs_ref[...]
    t = gt_ref[...]
    diff = s - t
    sq = jnp.sum(diff * diff, axis=1, keepdims=True)
    dist = jnp.sqrt(sq + 1e-12)
    h = (jnp.dot(s, A_ref[...], preferred_element_type=jnp.float32)
         + jnp.dot(t, Bm_ref[...], preferred_element_type=jnp.float32)
         + jnp.dot(ef_ref[...], Wef_ref[...], preferred_element_type=jnp.float32)
         + sq * wsq_ref[...] + dist * wdist_ref[...] + eb1_ref[...])
    h = _ln_gelu(h, eg1_ref[...], ebt1_ref[...])
    h2 = jnp.dot(h, eW2_ref[...], preferred_element_type=jnp.float32) + eb2_ref[...]
    h2 = _ln_gelu(h2, eg2_ref[...], ebt2_ref[...])
    gid = (hoff_ref[0] + pl.program_id(0) * BE
           + lax.broadcasted_iota(jnp.int32, (BE, 1), 0))
    out_ref[...] = jnp.where(gid < E, h2, 0.0)


def _tc_edge(hoff, gs, gt, ef_p, A, Bm, Wef, wsq, wdist, eb1, eg1, ebt1,
             eW2, eb2, eg2, ebt2):
    full = lambda shape: pl.BlockSpec(shape, lambda i: (0, 0))
    return pl.pallas_call(
        _edge_body,
        grid=(EPAD // 4 // BE,),
        in_specs=[
            pl.BlockSpec(memory_space=pltpu.SMEM),
            pl.BlockSpec((BE, D), lambda i: (i, 0)),
            pl.BlockSpec((BE, D), lambda i: (i, 0)),
            pl.BlockSpec((BE, DE), lambda i: (i, 0)),
            full((D, EH)), full((D, EH)), full((DE, EH)),
            full((1, EH)), full((1, EH)), full((1, EH)), full((1, EH)),
            full((1, EH)),
            full((EH, OE)), full((1, OE)), full((1, OE)), full((1, OE)),
        ],
        out_specs=pl.BlockSpec((BE, OE), lambda i: (i, 0)),
        out_shape=jax.ShapeDtypeStruct((EPAD // 4, OE), jnp.float32),
    )(hoff, gs, gt, ef_p, A, Bm, Wef, wsq, wdist, eb1, eg1, ebt1,
      eW2, eb2, eg2, ebt2)


def _node_body(x_ref, ap_ref, W1x_ref, W1a_ref, nb1_ref, ng1_ref, nbt1_ref,
               nW2_ref, nb2_ref, ng2_ref, nbt2_ref, out_ref):
    x = x_ref[...]
    a = ap_ref[0] + ap_ref[1]
    h = (jnp.dot(x, W1x_ref[...], preferred_element_type=jnp.float32)
         + jnp.dot(a, W1a_ref[...], preferred_element_type=jnp.float32)
         + nb1_ref[...])
    h = _ln_gelu(h, ng1_ref[...], nbt1_ref[...])
    o = jnp.dot(h, nW2_ref[...], preferred_element_type=jnp.float32) + nb2_ref[...]
    out_ref[...] = _ln_gelu(o, ng2_ref[...], nbt2_ref[...])


def _tc_node(x, ap, W1x, W1a, nb1, ng1, nbt1, nW2, nb2, ng2, nbt2):
    full = lambda shape: pl.BlockSpec(shape, lambda i: (0, 0))
    full3 = lambda shape: pl.BlockSpec(shape, lambda i: (0, i, 0))
    return pl.pallas_call(
        _node_body,
        grid=(N // BN,),
        in_specs=[
            pl.BlockSpec((BN, D), lambda i: (i, 0)),
            full3((NC, BN, OE)),
            full((D, NH)), full((OE, NH)),
            full((1, NH)), full((1, NH)), full((1, NH)),
            full((NH, ON)), full((1, ON)), full((1, ON)), full((1, ON)),
        ],
        out_specs=pl.BlockSpec((BN, ON), lambda i: (i, 0)),
        out_shape=jax.ShapeDtypeStruct((N, ON), jnp.float32),
    )(x, ap, W1x, W1a, nb1, ng1, nbt1, nW2, nb2, ng2, nbt2)


def kernel(node_features, edge_index, edge_features,
           eW1, eb1, eg1, ebt1, eW2, eb2, eg2, ebt2,
           nW1, nb1, ng1, nbt1, nW2, nb2, ng2, nbt2):
    row = edge_index[0].astype(jnp.int32)
    col = edge_index[1].astype(jnp.int32)
    row_p = jnp.pad(row, (0, EPAD - E))
    col_p = jnp.pad(col, (0, EPAD - E))
    ef_p = jnp.pad(edge_features, ((0, EPAD - E), (0, 0)))

    A = eW1[0:D] + eW1[2 * D:3 * D]
    Bm = eW1[D:2 * D] - eW1[2 * D:3 * D]
    wsq = eW1[3 * D:3 * D + 1]
    wdist = eW1[3 * D + 1:3 * D + 2]
    Wef = eW1[3 * D + 2:]

    r2 = lambda v: v.reshape(1, -1)

    Q = EPAD // 4
    eargs = (A, Bm, Wef, wsq, wdist, r2(eb1), r2(eg1), r2(ebt1), eW2,
             r2(eb2), r2(eg2), r2(ebt2))
    eq = []
    for q in range(4):
        gsq, gtq = _sc_gather(node_features, row_p, col_p, q)
        eq.append(_tc_edge(jnp.full((1,), q * Q, jnp.int32), gsq, gtq,
                           ef_p[q * Q:(q + 1) * Q], *eargs))
    e_out = jnp.concatenate(eq, axis=0)[:E]

    col2d = col_p.reshape(EPAD // 128, 128)
    partials = _sc_segment_sum(tuple(eq), col2d)

    W1x = nW1[0:D]
    W1a = nW1[D:]
    n_out = _tc_node(node_features, partials, W1x, W1a,
                     r2(nb1), r2(ng1), r2(nbt1),
                     nW2, r2(nb2), r2(ng2), r2(nbt2))
    return (n_out, e_out)

# --- scband reference (transcript-rebuilt; emitter-appended) ---
"""Pipeline reference for scband-nee-18854906429830 (READ-ONLY COPY).

The authoritative reference and input builder live on the scoring server;
editing this copy changes nothing except your own understanding.
"""

import jax, jax.numpy as jnp
import numpy as np

N = 10000
E = 320000
D = 128
DE = 16
EH = 128
OE = 16
NH = 128
ON = 128


def _ln(x, g, b):
    mu = jnp.mean(x, axis=-1, keepdims=True)
    var = jnp.mean((x - mu) ** 2, axis=-1, keepdims=True)
    return (x - mu) / jnp.sqrt(var + 1e-5) * g + b


def _gelu(x):
    return jax.nn.gelu(x, approximate=False)


def setup_inputs(seed: int = 0):
    key = jax.random.key(seed)
    ks = jax.random.split(key, 8)
    node_features = jax.random.normal(ks[0], (N, D), dtype=jnp.float32)
    edge_index = jax.random.randint(ks[1], (2, E), 0, N)
    edge_features = jax.random.normal(ks[2], (E, DE), dtype=jnp.float32)

    def lin(k, fin, fout):
        return jax.random.normal(k, (fin, fout), dtype=jnp.float32) / jnp.sqrt(fin)

    ein = 3 * D + 2 + DE
    eW1 = lin(ks[3], ein, EH)
    eb1 = jnp.zeros((EH,), dtype=jnp.float32)
    eg1 = jnp.ones((EH,), dtype=jnp.float32)
    ebt1 = jnp.zeros((EH,), dtype=jnp.float32)
    eW2 = lin(ks[4], EH, OE)
    eb2 = jnp.zeros((OE,), dtype=jnp.float32)
    eg2 = jnp.ones((OE,), dtype=jnp.float32)
    ebt2 = jnp.zeros((OE,), dtype=jnp.float32)
    nin = D + OE
    nW1 = lin(ks[5], nin, NH)
    nb1 = jnp.zeros((NH,), dtype=jnp.float32)
    ng1 = jnp.ones((NH,), dtype=jnp.float32)
    nbt1 = jnp.zeros((NH,), dtype=jnp.float32)
    nW2 = lin(ks[6], NH, ON)
    nb2 = jnp.zeros((ON,), dtype=jnp.float32)
    ng2 = jnp.ones((ON,), dtype=jnp.float32)
    nbt2 = jnp.zeros((ON,), dtype=jnp.float32)
    return {
        "node_features": node_features,
        "edge_index": edge_index,
        "edge_features": edge_features,
        "eW1": eW1, "eb1": eb1, "eg1": eg1, "ebt1": ebt1,
        "eW2": eW2, "eb2": eb2, "eg2": eg2, "ebt2": ebt2,
        "nW1": nW1, "nb1": nb1, "ng1": ng1, "nbt1": nbt1,
        "nW2": nW2, "nb2": nb2, "ng2": ng2, "nbt2": nbt2,
    }


def reference(node_features, edge_index, edge_features,
              eW1, eb1, eg1, ebt1, eW2, eb2, eg2, ebt2,
              nW1, nb1, ng1, nbt1, nW2, nb2, ng2, nbt2):
    row = edge_index[0]
    col = edge_index[1]
    src = jnp.take(node_features, row, axis=0)
    dst = jnp.take(node_features, col, axis=0)
    # node2node_diff: difference vector, squared distance, distance -> D + 2 features
    diff = src - dst
    sq = jnp.sum(diff ** 2, axis=1, keepdims=True)
    dist = jnp.sqrt(sq + 1e-12)
    direct_info = jnp.concatenate([diff, sq, dist], axis=1)
    # edge model
    eh = jnp.concatenate([src, dst, direct_info, edge_features], axis=1)
    eh = _gelu(_ln(eh @ eW1 + eb1, eg1, ebt1))
    e_out = _gelu(_ln(eh @ eW2 + eb2, eg2, ebt2))
    # node model: unsorted_segment_sum over destination nodes (col)
    agg = jax.ops.segment_sum(e_out, col, num_segments=node_features.shape[0])
    nh = jnp.concatenate([node_features, agg], axis=1)
    nh = _gelu(_ln(nh @ nW1 + nb1, ng1, nbt1))
    n_out = _gelu(_ln(nh @ nW2 + nb2, ng2, nbt2))
    return (n_out, e_out)

if __name__ == "__main__":
    import jax
    _d = setup_inputs()
    print(jax.jit(kernel)(*tuple(_d.values())))

</pallas_src>

<mosaic_0001>
#map = affine_map<(d0, d1) -> (0, 0)>
#map1 = affine_map<(d0, d1) -> (0)>
module attributes {stable_mosaic.version = 14 : i64} {
  func.func @gather_k(%arg0: i32, %arg1: i32, %arg2: memref<10000x128xf32, #tpu.memory_space<hbm>>, %arg3: memref<327680xi32, #tpu.memory_space<hbm>>, %arg4: memref<327680xi32, #tpu.memory_space<hbm>>, %arg5: memref<81920x128xf32, #tpu.memory_space<hbm>>, %arg6: memref<81920x128xf32, #tpu.memory_space<hbm>>, %arg7: memref<128xi32, #tpu.memory_space<vmem>>, %arg8: memref<128xi32, #tpu.memory_space<vmem>>, %arg9: memref<128x128xf32, #tpu.memory_space<vmem>>, %arg10: memref<128x128xf32, #tpu.memory_space<vmem>>, %arg11: memref<!tpu.dma_semaphore, #tpu.memory_space<semaphore_mem>>, %arg12: memref<!tpu.dma_semaphore, #tpu.memory_space<semaphore_mem>>) attributes {dimension_semantics = [#tpu.dimension_semantics<core_parallel>, #tpu.dimension_semantics<subcore_parallel>], iteration_bounds = array<i64: 2, 16>, scalar_prefetch = 0 : i64, scratch_operands = 6 : i64, tpu.core_type = #tpu.core_type<sc_vector_subcore>, window_params = [{transform_indices = #map}, {transform_indices = #map1}, {transform_indices = #map1}, {transform_indices = #map}, {transform_indices = #map}]} {
    %mul3A = arith.constant 2 : i32
    %mul3A_0 = arith.muli %arg1, %mul3A : i32
    %add3A = arith.addi %mul3A_0, %arg0 : i32
    %mul3A_1 = arith.constant 2560 : i32
    %mul3A_2 = arith.muli %add3A, %mul3A_1 : i32
    %scan3A = arith.constant 0 : i32
    %scan3A_3 = arith.constant 0 : i32
    %scan3A_4 = arith.constant 20 : i32
    %scan3A_5 = arith.addi %scan3A_3, %scan3A_4 : i32
    %scan3A_6 = arith.constant 1 : i32
    scf.for %scan3A_8 = %scan3A_3 to %scan3A_5 step %scan3A_6  : i32 {
      %mul3A_9 = arith.constant 128 : i32
      %mul3A_10 = arith.muli %scan3A_8, %mul3A_9 : i32
      %add3A_11 = arith.addi %mul3A_2, %mul3A_10 : i32
      %add3A_12 = arith.constant 0 : i32
      %add3A_13 = arith.addi %add3A_12, %add3A_11 : i32
      "tpu.region"() ({
        %run_scoped3A = tpu.sem_alloc : memref<!tpu.dma_semaphore, #tpu.memory_space<semaphore_mem>>
        %dma_start3A_26 = tpu.memref_slice %arg3[%add3A_13] : memref<327680xi32, #tpu.memory_space<hbm>> -> memref<128xi32, #tpu.memory_space<hbm>>
        %dma_start3A_27 = tpu.memref_slice %arg3[%add3A_13] : memref<327680xi32, #tpu.memory_space<hbm>> -> memref<128xi32, #tpu.memory_space<hbm>>
        tpu.enqueue_dma source(%dma_start3A_27 : memref<128xi32, #tpu.memory_space<hbm>>) target(%arg7 : memref<128xi32, #tpu.memory_space<vmem>>) target_semaphore(%run_scoped3A : memref<!tpu.dma_semaphore, #tpu.memory_space<semaphore_mem>>)
        %dma_wait3A_28 = tpu.memref_slice %arg3[%add3A_13] : memref<327680xi32, #tpu.memory_space<hbm>> -> memref<128xi32, #tpu.memory_space<hbm>>
        %dma_wait3A_29 = tpu.memref_slice %arg3[%add3A_13] : memref<327680xi32, #tpu.memory_space<hbm>> -> memref<128xi32, #tpu.memory_space<hbm>>
        tpu.wait_dma2 semaphore(%run_scoped3A : memref<!tpu.dma_semaphore, #tpu.memory_space<semaphore_mem>>) src(%dma_wait3A_29 : memref<128xi32, #tpu.memory_space<hbm>>) dst(%arg7 : memref<128xi32, #tpu.memory_space<vmem>>)
        tpu.yield
      }) : () -> ()
      %add3A_14 = arith.constant 0 : i32
      %add3A_15 = arith.addi %add3A_14, %add3A_11 : i32
      "tpu.region"() ({
        %run_scoped3A = tpu.sem_alloc : memref<!tpu.dma_semaphore, #tpu.memory_space<semaphore_mem>>
        %dma_start3A_26 = tpu.memref_slice %arg4[%add3A_15] : memref<327680xi32, #tpu.memory_space<hbm>> -> memref<128xi32, #tpu.memory_space<hbm>>
        %dma_start3A_27 = tpu.memref_slice %arg4[%add3A_15] : memref<327680xi32, #tpu.memory_space<hbm>> -> memref<128xi32, #tpu.memory_space<hbm>>
        tpu.enqueue_dma source(%dma_start3A_27 : memref<128xi32, #tpu.memory_space<hbm>>) target(%arg8 : memref<128xi32, #tpu.memory_space<vmem>>) target_semaphore(%run_scoped3A : memref<!tpu.dma_semaphore, #tpu.memory_space<semaphore_mem>>)
        %dma_wait3A_28 = tpu.memref_slice %arg4[%add3A_15] : memref<327680xi32, #tpu.memory_space<hbm>> -> memref<128xi32, #tpu.memory_space<hbm>>
        %dma_wait3A_29 = tpu.memref_slice %arg4[%add3A_15] : memref<327680xi32, #tpu.memory_space<hbm>> -> memref<128xi32, #tpu.memory_space<hbm>>
        tpu.wait_dma2 semaphore(%run_scoped3A : memref<!tpu.dma_semaphore, #tpu.memory_space<semaphore_mem>>) src(%dma_wait3A_29 : memref<128xi32, #tpu.memory_space<hbm>>) dst(%arg8 : memref<128xi32, #tpu.memory_space<vmem>>)
        tpu.yield
      }) : () -> ()
      %dma_start3A = arith.constant 0 : i32
      %dma_start3A_16 = arith.constant 0 : i32
      %dma_start3A_17 = tpu.memref_slice %arg2[%dma_start3A, %dma_start3A_16] : memref<10000x128xf32, #tpu.memory_space<hbm>> -> memref<10000x128xf32, #tpu.memory_space<hbm>>
      tpu.enqueue_indirect_dma source(%dma_start3A_17 : memref<10000x128xf32, #tpu.memory_space<hbm>>) target(%arg9 : memref<128x128xf32, #tpu.memory_space<vmem>>) offsets(%arg7 : memref<128xi32, #tpu.memory_space<vmem>>) semaphore(%arg11 : memref<!tpu.dma_semaphore, #tpu.memory_space<semaphore_mem>>)
      %dma_start3A_18 = arith.constant 0 : i32
      %dma_start3A_19 = arith.constant 0 : i32
      %dma_start3A_20 = tpu.memref_slice %arg2[%dma_start3A_18, %dma_start3A_19] : memref<10000x128xf32, #tpu.memory_space<hbm>> -> memref<10000x128xf32, #tpu.memory_space<hbm>>
      tpu.enqueue_indirect_dma source(%dma_start3A_20 : memref<10000x128xf32, #tpu.memory_space<hbm>>) target(%arg10 : memref<128x128xf32, #tpu.memory_space<vmem>>) offsets(%arg8 : memref<128xi32, #tpu.memory_space<vmem>>) semaphore(%arg12 : memref<!tpu.dma_semaphore, #tpu.memory_space<semaphore_mem>>)
      %dma_wait3A = arith.constant 0 : i32
      %dma_wait3A_21 = arith.constant 0 : i32
      %dma_wait3A_22 = tpu.memref_slice %arg2[%dma_wait3A, %dma_wait3A_21] : memref<10000x128xf32, #tpu.memory_space<hbm>> -> memref<10000x128xf32, #tpu.memory_space<hbm>>
      tpu.wait_indirect_dma semaphore(%arg11 : memref<!tpu.dma_semaphore, #tpu.memory_space<semaphore_mem>>) src(%dma_wait3A_22 : memref<10000x128xf32, #tpu.memory_space<hbm>>) dst(%arg9 : memref<128x128xf32, #tpu.memory_space<vmem>>)
      "tpu.region"() ({
        %run_scoped3A = tpu.sem_alloc : memref<!tpu.dma_semaphore, #tpu.memory_space<semaphore_mem>>
        %dma_start3A_26 = arith.constant 0 : i32
        %dma_start3A_27 = tpu.memref_slice %arg5[%add3A_11, %dma_start3A_26] : memref<81920x128xf32, #tpu.memory_space<hbm>> -> memref<128x128xf32, #tpu.memory_space<hbm>>
        %dma_start3A_28 = arith.constant 0 : i32
        %dma_start3A_29 = tpu.memref_slice %arg5[%add3A_11, %dma_start3A_28] : memref<81920x128xf32, #tpu.memory_space<hbm>> -> memref<128x128xf32, #tpu.memory_space<hbm>>
        tpu.enqueue_dma source(%arg9 : memref<128x128xf32, #tpu.memory_space<vmem>>) target(%dma_start3A_29 : memref<128x128xf32, #tpu.memory_space<hbm>>) target_semaphore(%run_scoped3A : memref<!tpu.dma_semaphore, #tpu.memory_space<semaphore_mem>>)
        %dma_wait3A_30 = arith.constant 0 : i32
        %dma_wait3A_31 = tpu.memref_slice %arg5[%add3A_11, %dma_wait3A_30] : memref<81920x128xf32, #tpu.memory_space<hbm>> -> memref<128x128xf32, #tpu.memory_space<hbm>>
        %dma_wait3A_32 = arith.constant 0 : i32
        %dma_wait3A_33 = tpu.memref_slice %arg5[%add3A_11, %dma_wait3A_32] : memref<81920x128xf32, #tpu.memory_space<hbm>> -> memref<128x128xf32, #tpu.memory_space<hbm>>
        tpu.wait_dma2 semaphore(%run_scoped3A : memref<!tpu.dma_semaphore, #tpu.memory_space<semaphore_mem>>) src(%arg9 : memref<128x128xf32, #tpu.memory_space<vmem>>) dst(%dma_wait3A_33 : memref<128x128xf32, #tpu.memory_space<hbm>>)
        tpu.yield
      }) : () -> ()
      %dma_wait3A_23 = arith.constant 0 : i32
      %dma_wait3A_24 = arith.constant 0 : i32
      %dma_wait3A_25 = tpu.memref_slice %arg2[%dma_wait3A_23, %dma_wait3A_24] : memref<10000x128xf32, #tpu.memory_space<hbm>> -> memref<10000x128xf32, #tpu.memory_space<hbm>>
      tpu.wait_indirect_dma semaphore(%arg12 : memref<!tpu.dma_semaphore, #tpu.memory_space<semaphore_mem>>) src(%dma_wait3A_25 : memref<10000x128xf32, #tpu.memory_space<hbm>>) dst(%arg10 : memref<128x128xf32, #tpu.memory_space<vmem>>)
      "tpu.region"() ({
        %run_scoped3A = tpu.sem_alloc : memref<!tpu.dma_semaphore, #tpu.memory_space<semaphore_mem>>
        %dma_start3A_26 = arith.constant 0 : i32
        %dma_start3A_27 = tpu.memref_slice %arg6[%add3A_11, %dma_start3A_26] : memref<81920x128xf32, #tpu.memory_space<hbm>> -> memref<128x128xf32, #tpu.memory_space<hbm>>
        %dma_start3A_28 = arith.constant 0 : i32
        %dma_start3A_29 = tpu.memref_slice %arg6[%add3A_11, %dma_start3A_28] : memref<81920x128xf32, #tpu.memory_space<hbm>> -> memref<128x128xf32, #tpu.memory_space<hbm>>
        tpu.enqueue_dma source(%arg10 : memref<128x128xf32, #tpu.memory_space<vmem>>) target(%dma_start3A_29 : memref<128x128xf32, #tpu.memory_space<hbm>>) target_semaphore(%run_scoped3A : memref<!tpu.dma_semaphore, #tpu.memory_space<semaphore_mem>>)
        %dma_wait3A_30 = arith.constant 0 : i32
        %dma_wait3A_31 = tpu.memref_slice %arg6[%add3A_11, %dma_wait3A_30] : memref<81920x128xf32, #tpu.memory_space<hbm>> -> memref<128x128xf32, #tpu.memory_space<hbm>>
        %dma_wait3A_32 = arith.constant 0 : i32
        %dma_wait3A_33 = tpu.memref_slice %arg6[%add3A_11, %dma_wait3A_32] : memref<81920x128xf32, #tpu.memory_space<hbm>> -> memref<128x128xf32, #tpu.memory_space<hbm>>
        tpu.wait_dma2 semaphore(%run_scoped3A : memref<!tpu.dma_semaphore, #tpu.memory_space<semaphore_mem>>) src(%arg10 : memref<128x128xf32, #tpu.memory_space<vmem>>) dst(%dma_wait3A_33 : memref<128x128xf32, #tpu.memory_space<hbm>>)
        tpu.yield
      }) : () -> ()
    }
    %scan3A_7 = arith.constant 20 : i32
    return
  }
}

#map = affine_map<(d0, d1) -> (0, 0)>
#map1 = affine_map<(d0, d1) -> (0)>
module attributes {stable_mosaic.version = 14 : i64} {
  func.func @gather_k(%arg0: i32, %arg1: i32, %arg2: memref<10000x128xf32, #tpu.memory_space<hbm>>, %arg3: memref<327680xi32, #tpu.memory_space<hbm>>, %arg4: memref<327680xi32, #tpu.memory_space<hbm>>, %arg5: memref<81920x128xf32, #tpu.memory_space<hbm>>, %arg6: memref<81920x128xf32, #tpu.memory_space<hbm>>, %arg7: memref<128xi32, #tpu.memory_space<vmem>>, %arg8: memref<128xi32, #tpu.memory_space<vmem>>, %arg9: memref<128x128xf32, #tpu.memory_space<vmem>>, %arg10: memref<128x128xf32, #tpu.memory_space<vmem>>, %arg11: memref<!tpu.dma_semaphore, #tpu.memory_space<semaphore_mem>>, %arg12: memref<!tpu.dma_semaphore, #tpu.memory_space<semaphore_mem>>) attributes {dimension_semantics = [#tpu.dimension_semantics<core_parallel>, #tpu.dimension_semantics<subcore_parallel>], iteration_bounds = array<i64: 2, 16>, scalar_prefetch = 0 : i64, scratch_operands = 6 : i64, tpu.core_type = #tpu.core_type<sc_vector_subcore>, window_params = [{transform_indices = #map}, {transform_indices = #map1}, {transform_indices = #map1}, {transform_indices = #map}, {transform_indices = #map}]} {
    %mul3A = arith.constant 2 : i32
    %mul3A_0 = arith.muli %arg1, %mul3A : i32
    %add3A = arith.addi %mul3A_0, %arg0 : i32
    %mul3A_1 = arith.constant 2560 : i32
    %mul3A_2 = arith.muli %add3A, %mul3A_1 : i32
    %scan3A = arith.constant 0 : i32
    %scan3A_3 = arith.constant 0 : i32
    %scan3A_4 = arith.constant 20 : i32
    %scan3A_5 = arith.addi %scan3A_3, %scan3A_4 : i32
    %scan3A_6 = arith.constant 1 : i32
    scf.for %scan3A_8 = %scan3A_3 to %scan3A_5 step %scan3A_6  : i32 {
      %mul3A_9 = arith.constant 128 : i32
      %mul3A_10 = arith.muli %scan3A_8, %mul3A_9 : i32
      %add3A_11 = arith.addi %mul3A_2, %mul3A_10 : i32
      %add3A_12 = arith.constant 81920 : i32
      %add3A_13 = arith.addi %add3A_12, %add3A_11 : i32
      "tpu.region"() ({
        %run_scoped3A = tpu.sem_alloc : memref<!tpu.dma_semaphore, #tpu.memory_space<semaphore_mem>>
        %dma_start3A_26 = tpu.memref_slice %arg3[%add3A_13] : memref<327680xi32, #tpu.memory_space<hbm>> -> memref<128xi32, #tpu.memory_space<hbm>>
        %dma_start3A_27 = tpu.memref_slice %arg3[%add3A_13] : memref<327680xi32, #tpu.memory_space<hbm>> -> memref<128xi32, #tpu.memory_space<hbm>>
        tpu.enqueue_dma source(%dma_start3A_27 : memref<128xi32, #tpu.memory_space<hbm>>) target(%arg7 : memref<128xi32, #tpu.memory_space<vmem>>) target_semaphore(%run_scoped3A : memref<!tpu.dma_semaphore, #tpu.memory_space<semaphore_mem>>)
        %dma_wait3A_28 = tpu.memref_slice %arg3[%add3A_13] : memref<327680xi32, #tpu.memory_space<hbm>> -> memref<128xi32, #tpu.memory_space<hbm>>
        %dma_wait3A_29 = tpu.memref_slice %arg3[%add3A_13] : memref<327680xi32, #tpu.memory_space<hbm>> -> memref<128xi32, #tpu.memory_space<hbm>>
        tpu.wait_dma2 semaphore(%run_scoped3A : memref<!tpu.dma_semaphore, #tpu.memory_space<semaphore_mem>>) src(%dma_wait3A_29 : memref<128xi32, #tpu.memory_space<hbm>>) dst(%arg7 : memref<128xi32, #tpu.memory_space<vmem>>)
        tpu.yield
      }) : () -> ()
      %add3A_14 = arith.constant 81920 : i32
      %add3A_15 = arith.addi %add3A_14, %add3A_11 : i32
      "tpu.region"() ({
        %run_scoped3A = tpu.sem_alloc : memref<!tpu.dma_semaphore, #tpu.memory_space<semaphore_mem>>
        %dma_start3A_26 = tpu.memref_slice %arg4[%add3A_15] : memref<327680xi32, #tpu.memory_space<hbm>> -> memref<128xi32, #tpu.memory_space<hbm>>
        %dma_start3A_27 = tpu.memref_slice %arg4[%add3A_15] : memref<327680xi32, #tpu.memory_space<hbm>> -> memref<128xi32, #tpu.memory_space<hbm>>
        tpu.enqueue_dma source(%dma_start3A_27 : memref<128xi32, #tpu.memory_space<hbm>>) target(%arg8 : memref<128xi32, #tpu.memory_space<vmem>>) target_semaphore(%run_scoped3A : memref<!tpu.dma_semaphore, #tpu.memory_space<semaphore_mem>>)
        %dma_wait3A_28 = tpu.memref_slice %arg4[%add3A_15] : memref<327680xi32, #tpu.memory_space<hbm>> -> memref<128xi32, #tpu.memory_space<hbm>>
        %dma_wait3A_29 = tpu.memref_slice %arg4[%add3A_15] : memref<327680xi32, #tpu.memory_space<hbm>> -> memref<128xi32, #tpu.memory_space<hbm>>
        tpu.wait_dma2 semaphore(%run_scoped3A : memref<!tpu.dma_semaphore, #tpu.memory_space<semaphore_mem>>) src(%dma_wait3A_29 : memref<128xi32, #tpu.memory_space<hbm>>) dst(%arg8 : memref<128xi32, #tpu.memory_space<vmem>>)
        tpu.yield
      }) : () -> ()
      %dma_start3A = arith.constant 0 : i32
      %dma_start3A_16 = arith.constant 0 : i32
      %dma_start3A_17 = tpu.memref_slice %arg2[%dma_start3A, %dma_start3A_16] : memref<10000x128xf32, #tpu.memory_space<hbm>> -> memref<10000x128xf32, #tpu.memory_space<hbm>>
      tpu.enqueue_indirect_dma source(%dma_start3A_17 : memref<10000x128xf32, #tpu.memory_space<hbm>>) target(%arg9 : memref<128x128xf32, #tpu.memory_space<vmem>>) offsets(%arg7 : memref<128xi32, #tpu.memory_space<vmem>>) semaphore(%arg11 : memref<!tpu.dma_semaphore, #tpu.memory_space<semaphore_mem>>)
      %dma_start3A_18 = arith.constant 0 : i32
      %dma_start3A_19 = arith.constant 0 : i32
      %dma_start3A_20 = tpu.memref_slice %arg2[%dma_start3A_18, %dma_start3A_19] : memref<10000x128xf32, #tpu.memory_space<hbm>> -> memref<10000x128xf32, #tpu.memory_space<hbm>>
      tpu.enqueue_indirect_dma source(%dma_start3A_20 : memref<10000x128xf32, #tpu.memory_space<hbm>>) target(%arg10 : memref<128x128xf32, #tpu.memory_space<vmem>>) offsets(%arg8 : memref<128xi32, #tpu.memory_space<vmem>>) semaphore(%arg12 : memref<!tpu.dma_semaphore, #tpu.memory_space<semaphore_mem>>)
      %dma_wait3A = arith.constant 0 : i32
      %dma_wait3A_21 = arith.constant 0 : i32
      %dma_wait3A_22 = tpu.memref_slice %arg2[%dma_wait3A, %dma_wait3A_21] : memref<10000x128xf32, #tpu.memory_space<hbm>> -> memref<10000x128xf32, #tpu.memory_space<hbm>>
      tpu.wait_indirect_dma semaphore(%arg11 : memref<!tpu.dma_semaphore, #tpu.memory_space<semaphore_mem>>) src(%dma_wait3A_22 : memref<10000x128xf32, #tpu.memory_space<hbm>>) dst(%arg9 : memref<128x128xf32, #tpu.memory_space<vmem>>)
      "tpu.region"() ({
        %run_scoped3A = tpu.sem_alloc : memref<!tpu.dma_semaphore, #tpu.memory_space<semaphore_mem>>
        %dma_start3A_26 = arith.constant 0 : i32
        %dma_start3A_27 = tpu.memref_slice %arg5[%add3A_11, %dma_start3A_26] : memref<81920x128xf32, #tpu.memory_space<hbm>> -> memref<128x128xf32, #tpu.memory_space<hbm>>
        %dma_start3A_28 = arith.constant 0 : i32
        %dma_start3A_29 = tpu.memref_slice %arg5[%add3A_11, %dma_start3A_28] : memref<81920x128xf32, #tpu.memory_space<hbm>> -> memref<128x128xf32, #tpu.memory_space<hbm>>
        tpu.enqueue_dma source(%arg9 : memref<128x128xf32, #tpu.memory_space<vmem>>) target(%dma_start3A_29 : memref<128x128xf32, #tpu.memory_space<hbm>>) target_semaphore(%run_scoped3A : memref<!tpu.dma_semaphore, #tpu.memory_space<semaphore_mem>>)
        %dma_wait3A_30 = arith.constant 0 : i32
        %dma_wait3A_31 = tpu.memref_slice %arg5[%add3A_11, %dma_wait3A_30] : memref<81920x128xf32, #tpu.memory_space<hbm>> -> memref<128x128xf32, #tpu.memory_space<hbm>>
        %dma_wait3A_32 = arith.constant 0 : i32
        %dma_wait3A_33 = tpu.memref_slice %arg5[%add3A_11, %dma_wait3A_32] : memref<81920x128xf32, #tpu.memory_space<hbm>> -> memref<128x128xf32, #tpu.memory_space<hbm>>
        tpu.wait_dma2 semaphore(%run_scoped3A : memref<!tpu.dma_semaphore, #tpu.memory_space<semaphore_mem>>) src(%arg9 : memref<128x128xf32, #tpu.memory_space<vmem>>) dst(%dma_wait3A_33 : memref<128x128xf32, #tpu.memory_space<hbm>>)
        tpu.yield
      }) : () -> ()
      %dma_wait3A_23 = arith.constant 0 : i32
      %dma_wait3A_24 = arith.constant 0 : i32
      %dma_wait3A_25 = tpu.memref_slice %arg2[%dma_wait3A_23, %dma_wait3A_24] : memref<10000x128xf32, #tpu.memory_space<hbm>> -> memref<10000x128xf32, #tpu.memory_space<hbm>>
      tpu.wait_indirect_dma semaphore(%arg12 : memref<!tpu.dma_semaphore, #tpu.memory_space<semaphore_mem>>) src(%dma_wait3A_25 : memref<10000x128xf32, #tpu.memory_space<hbm>>) dst(%arg10 : memref<128x128xf32, #tpu.memory_space<vmem>>)
      "tpu.region"() ({
        %run_scoped3A = tpu.sem_alloc : memref<!tpu.dma_semaphore, #tpu.memory_space<semaphore_mem>>
        %dma_start3A_26 = arith.constant 0 : i32
        %dma_start3A_27 = tpu.memref_slice %arg6[%add3A_11, %dma_start3A_26] : memref<81920x128xf32, #tpu.memory_space<hbm>> -> memref<128x128xf32, #tpu.memory_space<hbm>>
        %dma_start3A_28 = arith.constant 0 : i32
        %dma_start3A_29 = tpu.memref_slice %arg6[%add3A_11, %dma_start3A_28] : memref<81920x128xf32, #tpu.memory_space<hbm>> -> memref<128x128xf32, #tpu.memory_space<hbm>>
        tpu.enqueue_dma source(%arg10 : memref<128x128xf32, #tpu.memory_space<vmem>>) target(%dma_start3A_29 : memref<128x128xf32, #tpu.memory_space<hbm>>) target_semaphore(%run_scoped3A : memref<!tpu.dma_semaphore, #tpu.memory_space<semaphore_mem>>)
        %dma_wait3A_30 = arith.constant 0 : i32
        %dma_wait3A_31 = tpu.memref_slice %arg6[%add3A_11, %dma_wait3A_30] : memref<81920x128xf32, #tpu.memory_space<hbm>> -> memref<128x128xf32, #tpu.memory_space<hbm>>
        %dma_wait3A_32 = arith.constant 0 : i32
        %dma_wait3A_33 = tpu.memref_slice %arg6[%add3A_11, %dma_wait3A_32] : memref<81920x128xf32, #tpu.memory_space<hbm>> -> memref<128x128xf32, #tpu.memory_space<hbm>>
        tpu.wait_dma2 semaphore(%run_scoped3A : memref<!tpu.dma_semaphore, #tpu.memory_space<semaphore_mem>>) src(%arg10 : memref<128x128xf32, #tpu.memory_space<vmem>>) dst(%dma_wait3A_33 : memref<128x128xf32, #tpu.memory_space<hbm>>)
        tpu.yield
      }) : () -> ()
    }
    %scan3A_7 = arith.constant 20 : i32
    return
  }
}

#map = affine_map<(d0, d1) -> (0, 0)>
#map1 = affine_map<(d0, d1) -> (0)>
module attributes {stable_mosaic.version = 14 : i64} {
  func.func @gather_k(%arg0: i32, %arg1: i32, %arg2: memref<10000x128xf32, #tpu.memory_space<hbm>>, %arg3: memref<327680xi32, #tpu.memory_space<hbm>>, %arg4: memref<327680xi32, #tpu.memory_space<hbm>>, %arg5: memref<81920x128xf32, #tpu.memory_space<hbm>>, %arg6: memref<81920x128xf32, #tpu.memory_space<hbm>>, %arg7: memref<128xi32, #tpu.memory_space<vmem>>, %arg8: memref<128xi32, #tpu.memory_space<vmem>>, %arg9: memref<128x128xf32, #tpu.memory_space<vmem>>, %arg10: memref<128x128xf32, #tpu.memory_space<vmem>>, %arg11: memref<!tpu.dma_semaphore, #tpu.memory_space<semaphore_mem>>, %arg12: memref<!tpu.dma_semaphore, #tpu.memory_space<semaphore_mem>>) attributes {dimension_semantics = [#tpu.dimension_semantics<core_parallel>, #tpu.dimension_semantics<subcore_parallel>], iteration_bounds = array<i64: 2, 16>, scalar_prefetch = 0 : i64, scratch_operands = 6 : i64, tpu.core_type = #tpu.core_type<sc_vector_subcore>, window_params = [{transform_indices = #map}, {transform_indices = #map1}, {transform_indices = #map1}, {transform_indices = #map}, {transform_indices = #map}]} {
    %mul3A = arith.constant 2 : i32
    %mul3A_0 = arith.muli %arg1, %mul3A : i32
    %add3A = arith.addi %mul3A_0, %arg0 : i32
    %mul3A_1 = arith.constant 2560 : i32
    %mul3A_2 = arith.muli %add3A, %mul3A_1 : i32
    %scan3A = arith.constant 0 : i32
    %scan3A_3 = arith.constant 0 : i32
    %scan3A_4 = arith.constant 20 : i32
    %scan3A_5 = arith.addi %scan3A_3, %scan3A_4 : i32
    %scan3A_6 = arith.constant 1 : i32
    scf.for %scan3A_8 = %scan3A_3 to %scan3A_5 step %scan3A_6  : i32 {
      %mul3A_9 = arith.constant 128 : i32
      %mul3A_10 = arith.muli %scan3A_8, %mul3A_9 : i32
      %add3A_11 = arith.addi %mul3A_2, %mul3A_10 : i32
      %add3A_12 = arith.constant 163840 : i32
      %add3A_13 = arith.addi %add3A_12, %add3A_11 : i32
      "tpu.region"() ({
        %run_scoped3A = tpu.sem_alloc : memref<!tpu.dma_semaphore, #tpu.memory_space<semaphore_mem>>
        %dma_start3A_26 = tpu.memref_slice %arg3[%add3A_13] : memref<327680xi32, #tpu.memory_space<hbm>> -> memref<128xi32, #tpu.memory_space<hbm>>
        %dma_start3A_27 = tpu.memref_slice %arg3[%add3A_13] : memref<327680xi32, #tpu.memory_space<hbm>> -> memref<128xi32, #tpu.memory_space<hbm>>
        tpu.enqueue_dma source(%dma_start3A_27 : memref<128xi32, #tpu.memory_space<hbm>>) target(%arg7 : memref<128xi32, #tpu.memory_space<vmem>>) target_semaphore(%run_scoped3A : memref<!tpu.dma_semaphore, #tpu.memory_space<semaphore_mem>>)
        %dma_wait3A_28 = tpu.memref_slice %arg3[%add3A_13] : memref<327680xi32, #tpu.memory_space<hbm>> -> memref<128xi32, #tpu.memory_space<hbm>>
        %dma_wait3A_29 = tpu.memref_slice %arg3[%add3A_13] : memref<327680xi32, #tpu.memory_space<hbm>> -> memref<128xi32, #tpu.memory_space<hbm>>
        tpu.wait_dma2 semaphore(%run_scoped3A : memref<!tpu.dma_semaphore, #tpu.memory_space<semaphore_mem>>) src(%dma_wait3A_29 : memref<128xi32, #tpu.memory_space<hbm>>) dst(%arg7 : memref<128xi32, #tpu.memory_space<vmem>>)
        tpu.yield
      }) : () -> ()
      %add3A_14 = arith.constant 163840 : i32
      %add3A_15 = arith.addi %add3A_14, %add3A_11 : i32
      "tpu.region"() ({
        %run_scoped3A = tpu.sem_alloc : memref<!tpu.dma_semaphore, #tpu.memory_space<semaphore_mem>>
        %dma_start3A_26 = tpu.memref_slice %arg4[%add3A_15] : memref<327680xi32, #tpu.memory_space<hbm>> -> memref<128xi32, #tpu.memory_space<hbm>>
        %dma_start3A_27 = tpu.memref_slice %arg4[%add3A_15] : memref<327680xi32, #tpu.memory_space<hbm>> -> memref<128xi32, #tpu.memory_space<hbm>>
        tpu.enqueue_dma source(%dma_start3A_27 : memref<128xi32, #tpu.memory_space<hbm>>) target(%arg8 : memref<128xi32, #tpu.memory_space<vmem>>) target_semaphore(%run_scoped3A : memref<!tpu.dma_semaphore, #tpu.memory_space<semaphore_mem>>)
        %dma_wait3A_28 = tpu.memref_slice %arg4[%add3A_15] : memref<327680xi32, #tpu.memory_space<hbm>> -> memref<128xi32, #tpu.memory_space<hbm>>
        %dma_wait3A_29 = tpu.memref_slice %arg4[%add3A_15] : memref<327680xi32, #tpu.memory_space<hbm>> -> memref<128xi32, #tpu.memory_space<hbm>>
        tpu.wait_dma2 semaphore(%run_scoped3A : memref<!tpu.dma_semaphore, #tpu.memory_space<semaphore_mem>>) src(%dma_wait3A_29 : memref<128xi32, #tpu.memory_space<hbm>>) dst(%arg8 : memref<128xi32, #tpu.memory_space<vmem>>)
        tpu.yield
      }) : () -> ()
      %dma_start3A = arith.constant 0 : i32
      %dma_start3A_16 = arith.constant 0 : i32
      %dma_start3A_17 = tpu.memref_slice %arg2[%dma_start3A, %dma_start3A_16] : memref<10000x128xf32, #tpu.memory_space<hbm>> -> memref<10000x128xf32, #tpu.memory_space<hbm>>
      tpu.enqueue_indirect_dma source(%dma_start3A_17 : memref<10000x128xf32, #tpu.memory_space<hbm>>) target(%arg9 : memref<128x128xf32, #tpu.memory_space<vmem>>) offsets(%arg7 : memref<128xi32, #tpu.memory_space<vmem>>) semaphore(%arg11 : memref<!tpu.dma_semaphore, #tpu.memory_space<semaphore_mem>>)
      %dma_start3A_18 = arith.constant 0 : i32
      %dma_start3A_19 = arith.constant 0 : i32
      %dma_start3A_20 = tpu.memref_slice %arg2[%dma_start3A_18, %dma_start3A_19] : memref<10000x128xf32, #tpu.memory_space<hbm>> -> memref<10000x128xf32, #tpu.memory_space<hbm>>
      tpu.enqueue_indirect_dma source(%dma_start3A_20 : memref<10000x128xf32, #tpu.memory_space<hbm>>) target(%arg10 : memref<128x128xf32, #tpu.memory_space<vmem>>) offsets(%arg8 : memref<128xi32, #tpu.memory_space<vmem>>) semaphore(%arg12 : memref<!tpu.dma_semaphore, #tpu.memory_space<semaphore_mem>>)
      %dma_wait3A = arith.constant 0 : i32
      %dma_wait3A_21 = arith.constant 0 : i32
      %dma_wait3A_22 = tpu.memref_slice %arg2[%dma_wait3A, %dma_wait3A_21] : memref<10000x128xf32, #tpu.memory_space<hbm>> -> memref<10000x128xf32, #tpu.memory_space<hbm>>
      tpu.wait_indirect_dma semaphore(%arg11 : memref<!tpu.dma_semaphore, #tpu.memory_space<semaphore_mem>>) src(%dma_wait3A_22 : memref<10000x128xf32, #tpu.memory_space<hbm>>) dst(%arg9 : memref<128x128xf32, #tpu.memory_space<vmem>>)
      "tpu.region"() ({
        %run_scoped3A = tpu.sem_alloc : memref<!tpu.dma_semaphore, #tpu.memory_space<semaphore_mem>>
        %dma_start3A_26 = arith.constant 0 : i32
        %dma_start3A_27 = tpu.memref_slice %arg5[%add3A_11, %dma_start3A_26] : memref<81920x128xf32, #tpu.memory_space<hbm>> -> memref<128x128xf32, #tpu.memory_space<hbm>>
        %dma_start3A_28 = arith.constant 0 : i32
        %dma_start3A_29 = tpu.memref_slice %arg5[%add3A_11, %dma_start3A_28] : memref<81920x128xf32, #tpu.memory_space<hbm>> -> memref<128x128xf32, #tpu.memory_space<hbm>>
        tpu.enqueue_dma source(%arg9 : memref<128x128xf32, #tpu.memory_space<vmem>>) target(%dma_start3A_29 : memref<128x128xf32, #tpu.memory_space<hbm>>) target_semaphore(%run_scoped3A : memref<!tpu.dma_semaphore, #tpu.memory_space<semaphore_mem>>)
        %dma_wait3A_30 = arith.constant 0 : i32
        %dma_wait3A_31 = tpu.memref_slice %arg5[%add3A_11, %dma_wait3A_30] : memref<81920x128xf32, #tpu.memory_space<hbm>> -> memref<128x128xf32, #tpu.memory_space<hbm>>
        %dma_wait3A_32 = arith.constant 0 : i32
        %dma_wait3A_33 = tpu.memref_slice %arg5[%add3A_11, %dma_wait3A_32] : memref<81920x128xf32, #tpu.memory_space<hbm>> -> memref<128x128xf32, #tpu.memory_space<hbm>>
        tpu.wait_dma2 semaphore(%run_scoped3A : memref<!tpu.dma_semaphore, #tpu.memory_space<semaphore_mem>>) src(%arg9 : memref<128x128xf32, #tpu.memory_space<vmem>>) dst(%dma_wait3A_33 : memref<128x128xf32, #tpu.memory_space<hbm>>)
        tpu.yield
      }) : () -> ()
      %dma_wait3A_23 = arith.constant 0 : i32
      %dma_wait3A_24 = arith.constant 0 : i32
      %dma_wait3A_25 = tpu.memref_slice %arg2[%dma_wait3A_23, %dma_wait3A_24] : memref<10000x128xf32, #tpu.memory_space<hbm>> -> memref<10000x128xf32, #tpu.memory_space<hbm>>
      tpu.wait_indirect_dma semaphore(%arg12 : memref<!tpu.dma_semaphore, #tpu.memory_space<semaphore_mem>>) src(%dma_wait3A_25 : memref<10000x128xf32, #tpu.memory_space<hbm>>) dst(%arg10 : memref<128x128xf32, #tpu.memory_space<vmem>>)
      "tpu.region"() ({
        %run_scoped3A = tpu.sem_alloc : memref<!tpu.dma_semaphore, #tpu.memory_space<semaphore_mem>>
        %dma_start3A_26 = arith.constant 0 : i32
        %dma_start3A_27 = tpu.memref_slice %arg6[%add3A_11, %dma_start3A_26] : memref<81920x128xf32, #tpu.memory_space<hbm>> -> memref<128x128xf32, #tpu.memory_space<hbm>>
        %dma_start3A_28 = arith.constant 0 : i32
        %dma_start3A_29 = tpu.memref_slice %arg6[%add3A_11, %dma_start3A_28] : memref<81920x128xf32, #tpu.memory_space<hbm>> -> memref<128x128xf32, #tpu.memory_space<hbm>>
        tpu.enqueue_dma source(%arg10 : memref<128x128xf32, #tpu.memory_space<vmem>>) target(%dma_start3A_29 : memref<128x128xf32, #tpu.memory_space<hbm>>) target_semaphore(%run_scoped3A : memref<!tpu.dma_semaphore, #tpu.memory_space<semaphore_mem>>)
        %dma_wait3A_30 = arith.constant 0 : i32
        %dma_wait3A_31 = tpu.memref_slice %arg6[%add3A_11, %dma_wait3A_30] : memref<81920x128xf32, #tpu.memory_space<hbm>> -> memref<128x128xf32, #tpu.memory_space<hbm>>
        %dma_wait3A_32 = arith.constant 0 : i32
        %dma_wait3A_33 = tpu.memref_slice %arg6[%add3A_11, %dma_wait3A_32] : memref<81920x128xf32, #tpu.memory_space<hbm>> -> memref<128x128xf32, #tpu.memory_space<hbm>>
        tpu.wait_dma2 semaphore(%run_scoped3A : memref<!tpu.dma_semaphore, #tpu.memory_space<semaphore_mem>>) src(%arg10 : memref<128x128xf32, #tpu.memory_space<vmem>>) dst(%dma_wait3A_33 : memref<128x128xf32, #tpu.memory_space<hbm>>)
        tpu.yield
      }) : () -> ()
    }
    %scan3A_7 = arith.constant 20 : i32
    return
  }
}

#map = affine_map<(d0, d1) -> (0, 0)>
#map1 = affine_map<(d0, d1) -> (0)>
module attributes {stable_mosaic.version = 14 : i64} {
  func.func @gather_k(%arg0: i32, %arg1: i32, %arg2: memref<10000x128xf32, #tpu.memory_space<hbm>>, %arg3: memref<327680xi32, #tpu.memory_space<hbm>>, %arg4: memref<327680xi32, #tpu.memory_space<hbm>>, %arg5: memref<81920x128xf32, #tpu.memory_space<hbm>>, %arg6: memref<81920x128xf32, #tpu.memory_space<hbm>>, %arg7: memref<128xi32, #tpu.memory_space<vmem>>, %arg8: memref<128xi32, #tpu.memory_space<vmem>>, %arg9: memref<128x128xf32, #tpu.memory_space<vmem>>, %arg10: memref<128x128xf32, #tpu.memory_space<vmem>>, %arg11: memref<!tpu.dma_semaphore, #tpu.memory_space<semaphore_mem>>, %arg12: memref<!tpu.dma_semaphore, #tpu.memory_space<semaphore_mem>>) attributes {dimension_semantics = [#tpu.dimension_semantics<core_parallel>, #tpu.dimension_semantics<subcore_parallel>], iteration_bounds = array<i64: 2, 16>, scalar_prefetch = 0 : i64, scratch_operands = 6 : i64, tpu.core_type = #tpu.core_type<sc_vector_subcore>, window_params = [{transform_indices = #map}, {transform_indices = #map1}, {transform_indices = #map1}, {transform_indices = #map}, {transform_indices = #map}]} {
    %mul3A = arith.constant 2 : i32
    %mul3A_0 = arith.muli %arg1, %mul3A : i32
    %add3A = arith.addi %mul3A_0, %arg0 : i32
    %mul3A_1 = arith.constant 2560 : i32
    %mul3A_2 = arith.muli %add3A, %mul3A_1 : i32
    %scan3A = arith.constant 0 : i32
    %scan3A_3 = arith.constant 0 : i32
    %scan3A_4 = arith.constant 20 : i32
    %scan3A_5 = arith.addi %scan3A_3, %scan3A_4 : i32
    %scan3A_6 = arith.constant 1 : i32
    scf.for %scan3A_8 = %scan3A_3 to %scan3A_5 step %scan3A_6  : i32 {
      %mul3A_9 = arith.constant 128 : i32
      %mul3A_10 = arith.muli %scan3A_8, %mul3A_9 : i32
      %add3A_11 = arith.addi %mul3A_2, %mul3A_10 : i32
      %add3A_12 = arith.constant 245760 : i32
      %add3A_13 = arith.addi %add3A_12, %add3A_11 : i32
      "tpu.region"() ({
        %run_scoped3A = tpu.sem_alloc : memref<!tpu.dma_semaphore, #tpu.memory_space<semaphore_mem>>
        %dma_start3A_26 = tpu.memref_slice %arg3[%add3A_13] : memref<327680xi32, #tpu.memory_space<hbm>> -> memref<128xi32, #tpu.memory_space<hbm>>
        %dma_start3A_27 = tpu.memref_slice %arg3[%add3A_13] : memref<327680xi32, #tpu.memory_space<hbm>> -> memref<128xi32, #tpu.memory_space<hbm>>
        tpu.enqueue_dma source(%dma_start3A_27 : memref<128xi32, #tpu.memory_space<hbm>>) target(%arg7 : memref<128xi32, #tpu.memory_space<vmem>>) target_semaphore(%run_scoped3A : memref<!tpu.dma_semaphore, #tpu.memory_space<semaphore_mem>>)
        %dma_wait3A_28 = tpu.memref_slice %arg3[%add3A_13] : memref<327680xi32, #tpu.memory_space<hbm>> -> memref<128xi32, #tpu.memory_space<hbm>>
        %dma_wait3A_29 = tpu.memref_slice %arg3[%add3A_13] : memref<327680xi32, #tpu.memory_space<hbm>> -> memref<128xi32, #tpu.memory_space<hbm>>
        tpu.wait_dma2 semaphore(%run_scoped3A : memref<!tpu.dma_semaphore, #tpu.memory_space<semaphore_mem>>) src(%dma_wait3A_29 : memref<128xi32, #tpu.memory_space<hbm>>) dst(%arg7 : memref<128xi32, #tpu.memory_space<vmem>>)
        tpu.yield
      }) : () -> ()
      %add3A_14 = arith.constant 245760 : i32
      %add3A_15 = arith.addi %add3A_14, %add3A_11 : i32
      "tpu.region"() ({
        %run_scoped3A = tpu.sem_alloc : memref<!tpu.dma_semaphore, #tpu.memory_space<semaphore_mem>>
        %dma_start3A_26 = tpu.memref_slice %arg4[%add3A_15] : memref<327680xi32, #tpu.memory_space<hbm>> -> memref<128xi32, #tpu.memory_space<hbm>>
        %dma_start3A_27 = tpu.memref_slice %arg4[%add3A_15] : memref<327680xi32, #tpu.memory_space<hbm>> -> memref<128xi32, #tpu.memory_space<hbm>>
        tpu.enqueue_dma source(%dma_start3A_27 : memref<128xi32, #tpu.memory_space<hbm>>) target(%arg8 : memref<128xi32, #tpu.memory_space<vmem>>) target_semaphore(%run_scoped3A : memref<!tpu.dma_semaphore, #tpu.memory_space<semaphore_mem>>)
        %dma_wait3A_28 = tpu.memref_slice %arg4[%add3A_15] : memref<327680xi32, #tpu.memory_space<hbm>> -> memref<128xi32, #tpu.memory_space<hbm>>
        %dma_wait3A_29 = tpu.memref_slice %arg4[%add3A_15] : memref<327680xi32, #tpu.memory_space<hbm>> -> memref<128xi32, #tpu.memory_space<hbm>>
        tpu.wait_dma2 semaphore(%run_scoped3A : memref<!tpu.dma_semaphore, #tpu.memory_space<semaphore_mem>>) src(%dma_wait3A_29 : memref<128xi32, #tpu.memory_space<hbm>>) dst(%arg8 : memref<128xi32, #tpu.memory_space<vmem>>)
        tpu.yield
      }) : () -> ()
      %dma_start3A = arith.constant 0 : i32
      %dma_start3A_16 = arith.constant 0 : i32
      %dma_start3A_17 = tpu.memref_slice %arg2[%dma_start3A, %dma_start3A_16] : memref<10000x128xf32, #tpu.memory_space<hbm>> -> memref<10000x128xf32, #tpu.memory_space<hbm>>
      tpu.enqueue_indirect_dma source(%dma_start3A_17 : memref<10000x128xf32, #tpu.memory_space<hbm>>) target(%arg9 : memref<128x128xf32, #tpu.memory_space<vmem>>) offsets(%arg7 : memref<128xi32, #tpu.memory_space<vmem>>) semaphore(%arg11 : memref<!tpu.dma_semaphore, #tpu.memory_space<semaphore_mem>>)
      %dma_start3A_18 = arith.constant 0 : i32
      %dma_start3A_19 = arith.constant 0 : i32
      %dma_start3A_20 = tpu.memref_slice %arg2[%dma_start3A_18, %dma_start3A_19] : memref<10000x128xf32, #tpu.memory_space<hbm>> -> memref<10000x128xf32, #tpu.memory_space<hbm>>
      tpu.enqueue_indirect_dma source(%dma_start3A_20 : memref<10000x128xf32, #tpu.memory_space<hbm>>) target(%arg10 : memref<128x128xf32, #tpu.memory_space<vmem>>) offsets(%arg8 : memref<128xi32, #tpu.memory_space<vmem>>) semaphore(%arg12 : memref<!tpu.dma_semaphore, #tpu.memory_space<semaphore_mem>>)
      %dma_wait3A = arith.constant 0 : i32
      %dma_wait3A_21 = arith.constant 0 : i32
      %dma_wait3A_22 = tpu.memref_slice %arg2[%dma_wait3A, %dma_wait3A_21] : memref<10000x128xf32, #tpu.memory_space<hbm>> -> memref<10000x128xf32, #tpu.memory_space<hbm>>
      tpu.wait_indirect_dma semaphore(%arg11 : memref<!tpu.dma_semaphore, #tpu.memory_space<semaphore_mem>>) src(%dma_wait3A_22 : memref<10000x128xf32, #tpu.memory_space<hbm>>) dst(%arg9 : memref<128x128xf32, #tpu.memory_space<vmem>>)
      "tpu.region"() ({
        %run_scoped3A = tpu.sem_alloc : memref<!tpu.dma_semaphore, #tpu.memory_space<semaphore_mem>>
        %dma_start3A_26 = arith.constant 0 : i32
        %dma_start3A_27 = tpu.memref_slice %arg5[%add3A_11, %dma_start3A_26] : memref<81920x128xf32, #tpu.memory_space<hbm>> -> memref<128x128xf32, #tpu.memory_space<hbm>>
        %dma_start3A_28 = arith.constant 0 : i32
        %dma_start3A_29 = tpu.memref_slice %arg5[%add3A_11, %dma_start3A_28] : memref<81920x128xf32, #tpu.memory_space<hbm>> -> memref<128x128xf32, #tpu.memory_space<hbm>>
        tpu.enqueue_dma source(%arg9 : memref<128x128xf32, #tpu.memory_space<vmem>>) target(%dma_start3A_29 : memref<128x128xf32, #tpu.memory_space<hbm>>) target_semaphore(%run_scoped3A : memref<!tpu.dma_semaphore, #tpu.memory_space<semaphore_mem>>)
        %dma_wait3A_30 = arith.constant 0 : i32
        %dma_wait3A_31 = tpu.memref_slice %arg5[%add3A_11, %dma_wait3A_30] : memref<81920x128xf32, #tpu.memory_space<hbm>> -> memref<128x128xf32, #tpu.memory_space<hbm>>
        %dma_wait3A_32 = arith.constant 0 : i32
        %dma_wait3A_33 = tpu.memref_slice %arg5[%add3A_11, %dma_wait3A_32] : memref<81920x128xf32, #tpu.memory_space<hbm>> -> memref<128x128xf32, #tpu.memory_space<hbm>>
        tpu.wait_dma2 semaphore(%run_scoped3A : memref<!tpu.dma_semaphore, #tpu.memory_space<semaphore_mem>>) src(%arg9 : memref<128x128xf32, #tpu.memory_space<vmem>>) dst(%dma_wait3A_33 : memref<128x128xf32, #tpu.memory_space<hbm>>)
        tpu.yield
      }) : () -> ()
      %dma_wait3A_23 = arith.constant 0 : i32
      %dma_wait3A_24 = arith.constant 0 : i32
      %dma_wait3A_25 = tpu.memref_slice %arg2[%dma_wait3A_23, %dma_wait3A_24] : memref<10000x128xf32, #tpu.memory_space<hbm>> -> memref<10000x128xf32, #tpu.memory_space<hbm>>
      tpu.wait_indirect_dma semaphore(%arg12 : memref<!tpu.dma_semaphore, #tpu.memory_space<semaphore_mem>>) src(%dma_wait3A_25 : memref<10000x128xf32, #tpu.memory_space<hbm>>) dst(%arg10 : memref<128x128xf32, #tpu.memory_space<vmem>>)
      "tpu.region"() ({
        %run_scoped3A = tpu.sem_alloc : memref<!tpu.dma_semaphore, #tpu.memory_space<semaphore_mem>>
        %dma_start3A_26 = arith.constant 0 : i32
        %dma_start3A_27 = tpu.memref_slice %arg6[%add3A_11, %dma_start3A_26] : memref<81920x128xf32, #tpu.memory_space<hbm>> -> memref<128x128xf32, #tpu.memory_space<hbm>>
        %dma_start3A_28 = arith.constant 0 : i32
        %dma_start3A_29 = tpu.memref_slice %arg6[%add3A_11, %dma_start3A_28] : memref<81920x128xf32, #tpu.memory_space<hbm>> -> memref<128x128xf32, #tpu.memory_space<hbm>>
        tpu.enqueue_dma source(%arg10 : memref<128x128xf32, #tpu.memory_space<vmem>>) target(%dma_start3A_29 : memref<128x128xf32, #tpu.memory_space<hbm>>) target_semaphore(%run_scoped3A : memref<!tpu.dma_semaphore, #tpu.memory_space<semaphore_mem>>)
        %dma_wait3A_30 = arith.constant 0 : i32
        %dma_wait3A_31 = tpu.memref_slice %arg6[%add3A_11, %dma_wait3A_30] : memref<81920x128xf32, #tpu.memory_space<hbm>> -> memref<128x128xf32, #tpu.memory_space<hbm>>
        %dma_wait3A_32 = arith.constant 0 : i32
        %dma_wait3A_33 = tpu.memref_slice %arg6[%add3A_11, %dma_wait3A_32] : memref<81920x128xf32, #tpu.memory_space<hbm>> -> memref<128x128xf32, #tpu.memory_space<hbm>>
        tpu.wait_dma2 semaphore(%run_scoped3A : memref<!tpu.dma_semaphore, #tpu.memory_space<semaphore_mem>>) src(%arg10 : memref<128x128xf32, #tpu.memory_space<vmem>>) dst(%dma_wait3A_33 : memref<128x128xf32, #tpu.memory_space<hbm>>)
        tpu.yield
      }) : () -> ()
    }
    %scan3A_7 = arith.constant 20 : i32
    return
  }
}

#map = affine_map<(d0, d1) -> (0, 0)>
#map1 = affine_map<(d0, d1) -> (0, 0, 0)>
module attributes {stable_mosaic.version = 14 : i64} {
  func.func @scatter_k(%arg0: i32, %arg1: i32, %arg2: memref<81920x16xf32, #tpu.memory_space<hbm>>, %arg3: memref<81920x16xf32, #tpu.memory_space<hbm>>, %arg4: memref<81920x16xf32, #tpu.memory_space<hbm>>, %arg5: memref<81920x16xf32, #tpu.memory_space<hbm>>, %arg6: memref<2560x128xi32, #tpu.memory_space<hbm>>, %arg7: memref<2x10240x16xf32, #tpu.memory_space<hbm>>, %arg8: memref<8x128xi32, #tpu.memory_space<vmem>>, %arg9: memref<1024x16xf32, #tpu.memory_space<vmem>>, %arg10: memref<640x16xf32, #tpu.memory_space<vmem>>, %arg11: memref<10240x16xf32, #tpu.memory_space<vmem_shared>>) attributes {dimension_semantics = [#tpu.dimension_semantics<core_parallel>, #tpu.dimension_semantics<subcore_parallel>], iteration_bounds = array<i64: 2, 16>, scalar_prefetch = 0 : i64, scratch_operands = 4 : i64, tpu.core_type = #tpu.core_type<sc_vector_subcore>, window_params = [{transform_indices = #map}, {transform_indices = #map}, {transform_indices = #map}, {transform_indices = #map}, {transform_indices = #map}, {transform_indices = #map1}]} {
    %mul3A = arith.constant 2 : i32
    %mul3A_0 = arith.muli %arg1, %mul3A : i32
    %add3A = arith.addi %mul3A_0, %arg0 : i32
    %scan3A = arith.constant 0 : i32
    %scan3A_1 = arith.constant 0 : i32
    %scan3A_2 = arith.constant 640 : i32
    %scan3A_3 = arith.addi %scan3A_1, %scan3A_2 : i32
    %scan3A_4 = arith.constant 1 : i32
    scf.for %scan3A_21 = %scan3A_1 to %scan3A_3 step %scan3A_4  : i32 {
      %broadcast_in_dim3A = arith.constant 0.000000e+00 : f32
      %broadcast_in_dim3A_22 = vector.broadcast %broadcast_in_dim3A : f32 to vector<16xf32>
      %swap3A = arith.index_cast %scan3A_21 : i32 to index
      %swap3A_23 = arith.constant 0 : index
      %swap3A_24 = tpu.vector_load %arg10[%swap3A, %swap3A_23] {strides = array<i32>} : memref<640x16xf32, #tpu.memory_space<vmem>>, vector<1x16xf32>,
      %swap3A_25 = vector.shape_cast %swap3A_24 : vector<1x16xf32> to vector<16xf32>
      %swap3A_26 = vector.shape_cast %broadcast_in_dim3A_22 : vector<16xf32> to vector<1x16xf32>
      tpu.vector_store %arg10[%swap3A, %swap3A_23], %swap3A_26 {strides = array<i32>} : memref<640x16xf32, #tpu.memory_space<vmem>>, vector<1x16xf32>,
    }
    %scan3A_5 = arith.constant 640 : i32
    %mul3A_6 = arith.constant 640 : i32
    %mul3A_7 = arith.muli %arg1, %mul3A_6 : i32
    "tpu.region"() ({
      %run_scoped3A = tpu.sem_alloc : memref<!tpu.dma_semaphore, #tpu.memory_space<semaphore_mem>>
      %dma_start3A = arith.constant 0 : i32
      %dma_start3A_21 = tpu.memref_slice %arg11[%mul3A_7, %dma_start3A] : memref<10240x16xf32, #tpu.memory_space<vmem_shared>> -> memref<640x16xf32, #tpu.memory_space<vmem_shared>>
      %dma_start3A_22 = arith.constant 0 : i32
      %dma_start3A_23 = tpu.memref_slice %arg11[%mul3A_7, %dma_start3A_22] : memref<10240x16xf32, #tpu.memory_space<vmem_shared>> -> memref<640x16xf32, #tpu.memory_space<vmem_shared>>
      tpu.enqueue_dma source(%arg10 : memref<640x16xf32, #tpu.memory_space<vmem>>) target(%dma_start3A_23 : memref<640x16xf32, #tpu.memory_space<vmem_shared>>) target_semaphore(%run_scoped3A : memref<!tpu.dma_semaphore, #tpu.memory_space<semaphore_mem>>)
      %dma_wait3A = arith.constant 0 : i32
      %dma_wait3A_24 = tpu.memref_slice %arg11[%mul3A_7, %dma_wait3A] : memref<10240x16xf32, #tpu.memory_space<vmem_shared>> -> memref<640x16xf32, #tpu.memory_space<vmem_shared>>
      %dma_wait3A_25 = arith.constant 0 : i32
      %dma_wait3A_26 = tpu.memref_slice %arg11[%mul3A_7, %dma_wait3A_25] : memref<10240x16xf32, #tpu.memory_space<vmem_shared>> -> memref<640x16xf32, #tpu.memory_space<vmem_shared>>
      tpu.wait_dma2 semaphore(%run_scoped3A : memref<!tpu.dma_semaphore, #tpu.memory_space<semaphore_mem>>) src(%arg10 : memref<640x16xf32, #tpu.memory_space<vmem>>) dst(%dma_wait3A_26 : memref<640x16xf32, #tpu.memory_space<vmem_shared>>)
      tpu.yield
    }) : () -> ()
    %barrier3A = arith.constant 0 : index
    tpu.barrier barrier_id(%barrier3A)
    %mul3A_8 = arith.constant 80 : i32
    %mul3A_9 = arith.muli %add3A, %mul3A_8 : i32
    %scan3A_10 = arith.constant 0 : i32
    %scan3A_11 = arith.constant 0 : i32
    %scan3A_12 = arith.constant 10 : i32
    %scan3A_13 = arith.addi %scan3A_11, %scan3A_12 : i32
    %scan3A_14 = arith.constant 1 : i32
    scf.for %scan3A_21 = %scan3A_11 to %scan3A_13 step %scan3A_14  : i32 {
      %mul3A_22 = arith.constant 8 : i32
      %mul3A_23 = arith.muli %scan3A_21, %mul3A_22 : i32
      %add3A_24 = arith.addi %mul3A_9, %mul3A_23 : i32
      "tpu.region"() ({
        %run_scoped3A = tpu.sem_alloc : memref<!tpu.dma_semaphore, #tpu.memory_space<semaphore_mem>>
        %dma_start3A = arith.constant 0 : i32
        %dma_start3A_58 = tpu.memref_slice %arg6[%add3A_24, %dma_start3A] : memref<2560x128xi32, #tpu.memory_space<hbm>> -> memref<8x128xi32, #tpu.memory_space<hbm>>
        %dma_start3A_59 = arith.constant 0 : i32
        %dma_start3A_60 = tpu.memref_slice %arg6[%add3A_24, %dma_start3A_59] : memref<2560x128xi32, #tpu.memory_space<hbm>> -> memref<8x128xi32, #tpu.memory_space<hbm>>
        tpu.enqueue_dma source(%dma_start3A_60 : memref<8x128xi32, #tpu.memory_space<hbm>>) target(%arg8 : memref<8x128xi32, #tpu.memory_space<vmem>>) target_semaphore(%run_scoped3A : memref<!tpu.dma_semaphore, #tpu.memory_space<semaphore_mem>>)
        %dma_wait3A = arith.constant 0 : i32
        %dma_wait3A_61 = tpu.memref_slice %arg6[%add3A_24, %dma_wait3A] : memref<2560x128xi32, #tpu.memory_space<hbm>> -> memref<8x128xi32, #tpu.memory_space<hbm>>
        %dma_wait3A_62 = arith.constant 0 : i32
        %dma_wait3A_63 = tpu.memref_slice %arg6[%add3A_24, %dma_wait3A_62] : memref<2560x128xi32, #tpu.memory_space<hbm>> -> memref<8x128xi32, #tpu.memory_space<hbm>>
        tpu.wait_dma2 semaphore(%run_scoped3A : memref<!tpu.dma_semaphore, #tpu.memory_space<semaphore_mem>>) src(%dma_wait3A_63 : memref<8x128xi32, #tpu.memory_space<hbm>>) dst(%arg8 : memref<8x128xi32, #tpu.memory_space<vmem>>)
        tpu.yield
      }) : () -> ()
      %ge3A = arith.constant 0 : i32
      %ge3A_25 = arith.cmpi sge, %add3A_24, %ge3A : i32
      %lt3A = arith.constant 640 : i32
      %lt3A_26 = arith.cmpi slt, %add3A_24, %lt3A : i32
      %and3A = arith.andi %ge3A_25, %lt3A_26 : i1
      %convert_element_type3A = arith.extui %and3A : i1 to i32
      %cond3A = arith.constant 0 : i32
      %cond3A_27 = arith.cmpi ne, %convert_element_type3A, %cond3A : i32
      scf.if %cond3A_27 {
        %sub3A = arith.constant 0 : i32
        %sub3A_58 = arith.subi %add3A_24, %sub3A : i32
        %mul3A_59 = arith.constant 128 : i32
        %mul3A_60 = arith.muli %sub3A_58, %mul3A_59 : i32
        "tpu.region"() ({
          %run_scoped3A = tpu.sem_alloc : memref<!tpu.dma_semaphore, #tpu.memory_space<semaphore_mem>>
          %dma_start3A = arith.constant 0 : i32
          %dma_start3A_61 = tpu.memref_slice %arg2[%mul3A_60, %dma_start3A] : memref<81920x16xf32, #tpu.memory_space<hbm>> -> memref<1024x16xf32, #tpu.memory_space<hbm>>
          %dma_start3A_62 = arith.constant 0 : i32
          %dma_start3A_63 = tpu.memref_slice %arg2[%mul3A_60, %dma_start3A_62] : memref<81920x16xf32, #tpu.memory_space<hbm>> -> memref<1024x16xf32, #tpu.memory_space<hbm>>
          tpu.enqueue_dma source(%dma_start3A_63 : memref<1024x16xf32, #tpu.memory_space<hbm>>) target(%arg9 : memref<1024x16xf32, #tpu.memory_space<vmem>>) target_semaphore(%run_scoped3A : memref<!tpu.dma_semaphore, #tpu.memory_space<semaphore_mem>>)
          %dma_wait3A = arith.constant 0 : i32
          %dma_wait3A_64 = tpu.memref_slice %arg2[%mul3A_60, %dma_wait3A] : memref<81920x16xf32, #tpu.memory_space<hbm>> -> memref<1024x16xf32, #tpu.memory_space<hbm>>
          %dma_wait3A_65 = arith.constant 0 : i32
          %dma_wait3A_66 = tpu.memref_slice %arg2[%mul3A_60, %dma_wait3A_65] : memref<81920x16xf32, #tpu.memory_space<hbm>> -> memref<1024x16xf32, #tpu.memory_space<hbm>>
          tpu.wait_dma2 semaphore(%run_scoped3A : memref<!tpu.dma_semaphore, #tpu.memory_space<semaphore_mem>>) src(%dma_wait3A_66 : memref<1024x16xf32, #tpu.memory_space<hbm>>) dst(%arg9 : memref<1024x16xf32, #tpu.memory_space<vmem>>)
          tpu.yield
        }) : () -> ()
      } else {
      }
      %ge3A_28 = arith.constant 640 : i32
      %ge3A_29 = arith.cmpi sge, %add3A_24, %ge3A_28 : i32
      %lt3A_30 = arith.constant 1280 : i32
      %lt3A_31 = arith.cmpi slt, %add3A_24, %lt3A_30 : i32
      %and3A_32 = arith.andi %ge3A_29, %lt3A_31 : i1
      %convert_element_type3A_33 = arith.extui %and3A_32 : i1 to i32
      %cond3A_34 = arith.constant 0 : i32
      %cond3A_35 = arith.cmpi ne, %convert_element_type3A_33, %cond3A_34 : i32
      scf.if %cond3A_35 {
        %sub3A = arith.constant 640 : i32
        %sub3A_58 = arith.subi %add3A_24, %sub3A : i32
        %mul3A_59 = arith.constant 128 : i32
        %mul3A_60 = arith.muli %sub3A_58, %mul3A_59 : i32
        "tpu.region"() ({
          %run_scoped3A = tpu.sem_alloc : memref<!tpu.dma_semaphore, #tpu.memory_space<semaphore_mem>>
          %dma_start3A = arith.constant 0 : i32
          %dma_start3A_61 = tpu.memref_slice %arg3[%mul3A_60, %dma_start3A] : memref<81920x16xf32, #tpu.memory_space<hbm>> -> memref<1024x16xf32, #tpu.memory_space<hbm>>
          %dma_start3A_62 = arith.constant 0 : i32
          %dma_start3A_63 = tpu.memref_slice %arg3[%mul3A_60, %dma_start3A_62] : memref<81920x16xf32, #tpu.memory_space<hbm>> -> memref<1024x16xf32, #tpu.memory_space<hbm>>
          tpu.enqueue_dma source(%dma_start3A_63 : memref<1024x16xf32, #tpu.memory_space<hbm>>) target(%arg9 : memref<1024x16xf32, #tpu.memory_space<vmem>>) target_semaphore(%run_scoped3A : memref<!tpu.dma_semaphore, #tpu.memory_space<semaphore_mem>>)
          %dma_wait3A = arith.constant 0 : i32
          %dma_wait3A_64 = tpu.memref_slice %arg3[%mul3A_60, %dma_wait3A] : memref<81920x16xf32, #tpu.memory_space<hbm>> -> memref<1024x16xf32, #tpu.memory_space<hbm>>
          %dma_wait3A_65 = arith.constant 0 : i32
          %dma_wait3A_66 = tpu.memref_slice %arg3[%mul3A_60, %dma_wait3A_65] : memref<81920x16xf32, #tpu.memory_space<hbm>> -> memref<1024x16xf32, #tpu.memory_space<hbm>>
          tpu.wait_dma2 semaphore(%run_scoped3A : memref<!tpu.dma_semaphore, #tpu.memory_space<semaphore_mem>>) src(%dma_wait3A_66 : memref<1024x16xf32, #tpu.memory_space<hbm>>) dst(%arg9 : memref<1024x16xf32, #tpu.memory_space<vmem>>)
          tpu.yield
        }) : () -> ()
      } else {
      }
      %ge3A_36 = arith.constant 1280 : i32
      %ge3A_37 = arith.cmpi sge, %add3A_24, %ge3A_36 : i32
      %lt3A_38 = arith.constant 1920 : i32
      %lt3A_39 = arith.cmpi slt, %add3A_24, %lt3A_38 : i32
      %and3A_40 = arith.andi %ge3A_37, %lt3A_39 : i1
      %convert_element_type3A_41 = arith.extui %and3A_40 : i1 to i32
      %cond3A_42 = arith.constant 0 : i32
      %cond3A_43 = arith.cmpi ne, %convert_element_type3A_41, %cond3A_42 : i32
      scf.if %cond3A_43 {
        %sub3A = arith.constant 1280 : i32
        %sub3A_58 = arith.subi %add3A_24, %sub3A : i32
        %mul3A_59 = arith.constant 128 : i32
        %mul3A_60 = arith.muli %sub3A_58, %mul3A_59 : i32
        "tpu.region"() ({
          %run_scoped3A = tpu.sem_alloc : memref<!tpu.dma_semaphore, #tpu.memory_space<semaphore_mem>>
          %dma_start3A = arith.constant 0 : i32
          %dma_start3A_61 = tpu.memref_slice %arg4[%mul3A_60, %dma_start3A] : memref<81920x16xf32, #tpu.memory_space<hbm>> -> memref<1024x16xf32, #tpu.memory_space<hbm>>
          %dma_start3A_62 = arith.constant 0 : i32
          %dma_start3A_63 = tpu.memref_slice %arg4[%mul3A_60, %dma_start3A_62] : memref<81920x16xf32, #tpu.memory_space<hbm>> -> memref<1024x16xf32, #tpu.memory_space<hbm>>
          tpu.enqueue_dma source(%dma_start3A_63 : memref<1024x16xf32, #tpu.memory_space<hbm>>) target(%arg9 : memref<1024x16xf32, #tpu.memory_space<vmem>>) target_semaphore(%run_scoped3A : memref<!tpu.dma_semaphore, #tpu.memory_space<semaphore_mem>>)
          %dma_wait3A = arith.constant 0 : i32
          %dma_wait3A_64 = tpu.memref_slice %arg4[%mul3A_60, %dma_wait3A] : memref<81920x16xf32, #tpu.memory_space<hbm>> -> memref<1024x16xf32, #tpu.memory_space<hbm>>
          %dma_wait3A_65 = arith.constant 0 : i32
          %dma_wait3A_66 = tpu.memref_slice %arg4[%mul3A_60, %dma_wait3A_65] : memref<81920x16xf32, #tpu.memory_space<hbm>> -> memref<1024x16xf32, #tpu.memory_space<hbm>>
          tpu.wait_dma2 semaphore(%run_scoped3A : memref<!tpu.dma_semaphore, #tpu.memory_space<semaphore_mem>>) src(%dma_wait3A_66 : memref<1024x16xf32, #tpu.memory_space<hbm>>) dst(%arg9 : memref<1024x16xf32, #tpu.memory_space<vmem>>)
          tpu.yield
        }) : () -> ()
      } else {
      }
      %ge3A_44 = arith.constant 1920 : i32
      %ge3A_45 = arith.cmpi sge, %add3A_24, %ge3A_44 : i32
      %lt3A_46 = arith.constant 2560 : i32
      %lt3A_47 = arith.cmpi slt, %add3A_24, %lt3A_46 : i32
      %and3A_48 = arith.andi %ge3A_45, %lt3A_47 : i1
      %convert_element_type3A_49 = arith.extui %and3A_48 : i1 to i32
      %cond3A_50 = arith.constant 0 : i32
      %cond3A_51 = arith.cmpi ne, %convert_element_type3A_49, %cond3A_50 : i32
      scf.if %cond3A_51 {
        %sub3A = arith.constant 1920 : i32
        %sub3A_58 = arith.subi %add3A_24, %sub3A : i32
        %mul3A_59 = arith.constant 128 : i32
        %mul3A_60 = arith.muli %sub3A_58, %mul3A_59 : i32
        "tpu.region"() ({
          %run_scoped3A = tpu.sem_alloc : memref<!tpu.dma_semaphore, #tpu.memory_space<semaphore_mem>>
          %dma_start3A = arith.constant 0 : i32
          %dma_start3A_61 = tpu.memref_slice %arg5[%mul3A_60, %dma_start3A] : memref<81920x16xf32, #tpu.memory_space<hbm>> -> memref<1024x16xf32, #tpu.memory_space<hbm>>
          %dma_start3A_62 = arith.constant 0 : i32
          %dma_start3A_63 = tpu.memref_slice %arg5[%mul3A_60, %dma_start3A_62] : memref<81920x16xf32, #tpu.memory_space<hbm>> -> memref<1024x16xf32, #tpu.memory_space<hbm>>
          tpu.enqueue_dma source(%dma_start3A_63 : memref<1024x16xf32, #tpu.memory_space<hbm>>) target(%arg9 : memref<1024x16xf32, #tpu.memory_space<vmem>>) target_semaphore(%run_scoped3A : memref<!tpu.dma_semaphore, #tpu.memory_space<semaphore_mem>>)
          %dma_wait3A = arith.constant 0 : i32
          %dma_wait3A_64 = tpu.memref_slice %arg5[%mul3A_60, %dma_wait3A] : memref<81920x16xf32, #tpu.memory_space<hbm>> -> memref<1024x16xf32, #tpu.memory_space<hbm>>
          %dma_wait3A_65 = arith.constant 0 : i32
          %dma_wait3A_66 = tpu.memref_slice %arg5[%mul3A_60, %dma_wait3A_65] : memref<81920x16xf32, #tpu.memory_space<hbm>> -> memref<1024x16xf32, #tpu.memory_space<hbm>>
          tpu.wait_dma2 semaphore(%run_scoped3A : memref<!tpu.dma_semaphore, #tpu.memory_space<semaphore_mem>>) src(%dma_wait3A_66 : memref<1024x16xf32, #tpu.memory_space<hbm>>) dst(%arg9 : memref<1024x16xf32, #tpu.memory_space<vmem>>)
          tpu.yield
        }) : () -> ()
      } else {
      }
      %scan3A_52 = arith.constant 0 : i32
      %scan3A_53 = arith.constant 0 : i32
      %scan3A_54 = arith.constant 8 : i32
      %scan3A_55 = arith.addi %scan3A_53, %scan3A_54 : i32
      %scan3A_56 = arith.constant 1 : i32
      scf.for %scan3A_58 = %scan3A_53 to %scan3A_55 step %scan3A_56  : i32 {
        %mul3A_59 = arith.constant 128 : i32
        %mul3A_60 = arith.muli %scan3A_58, %mul3A_59 : i32
        "tpu.region"() ({
          %run_scoped3A = tpu.sem_alloc : memref<!tpu.dma_semaphore, #tpu.memory_space<semaphore_mem>>
          %dma_start3A = arith.constant 0 : i32
          %dma_start3A_61 = tpu.memref_slice %arg9[%mul3A_60, %dma_start3A] : memref<1024x16xf32, #tpu.memory_space<vmem>> -> memref<128x16xf32, #tpu.memory_space<vmem>>
          %dma_start3A_62 = arith.constant 0 : i32
          %dma_start3A_63 = tpu.memref_slice %arg8[%scan3A_58, %dma_start3A_62] : memref<8x128xi32, #tpu.memory_space<vmem>> -> memref<1x128xi32, #tpu.memory_space<vmem>>
          %dma_start3A_64 = tpu.memref_squeeze %dma_start3A_63 : memref<1x128xi32, #tpu.memory_space<vmem>> -> memref<128xi32, #tpu.memory_space<vmem>>
          %dma_start3A_65 = arith.constant 0 : i32
          %dma_start3A_66 = arith.constant 0 : i32
          %dma_start3A_67 = tpu.memref_slice %arg11[%dma_start3A_65, %dma_start3A_66] : memref<10240x16xf32, #tpu.memory_space<vmem_shared>> -> memref<10240x16xf32, #tpu.memory_space<vmem_shared>>
          tpu.enqueue_indirect_dma source(%dma_start3A_61 : memref<128x16xf32, #tpu.memory_space<vmem>>) target(%dma_start3A_67 : memref<10240x16xf32, #tpu.memory_space<vmem_shared>>) offsets(%dma_start3A_64 : memref<128xi32, #tpu.memory_space<vmem>>) semaphore(%run_scoped3A : memref<!tpu.dma_semaphore, #tpu.memory_space<semaphore_mem>>) {add = true}
          %dma_wait3A = arith.constant 0 : i32
          %dma_wait3A_68 = tpu.memref_slice %arg9[%mul3A_60, %dma_wait3A] : memref<1024x16xf32, #tpu.memory_space<vmem>> -> memref<128x16xf32, #tpu.memory_space<vmem>>
          %dma_wait3A_69 = arith.constant 0 : i32
          %dma_wait3A_70 = tpu.memref_slice %arg8[%scan3A_58, %dma_wait3A_69] : memref<8x128xi32, #tpu.memory_space<vmem>> -> memref<1x128xi32, #tpu.memory_space<vmem>>
          %dma_wait3A_71 = tpu.memref_squeeze %dma_wait3A_70 : memref<1x128xi32, #tpu.memory_space<vmem>> -> memref<128xi32, #tpu.memory_space<vmem>>
          %dma_wait3A_72 = arith.constant 0 : i32
          %dma_wait3A_73 = arith.constant 0 : i32
          %dma_wait3A_74 = tpu.memref_slice %arg11[%dma_wait3A_72, %dma_wait3A_73] : memref<10240x16xf32, #tpu.memory_space<vmem_shared>> -> memref<10240x16xf32, #tpu.memory_space<vmem_shared>>
          tpu.wait_indirect_dma semaphore(%run_scoped3A : memref<!tpu.dma_semaphore, #tpu.memory_space<semaphore_mem>>) src(%dma_wait3A_68 : memref<128x16xf32, #tpu.memory_space<vmem>>) dst(%dma_wait3A_74 : memref<10240x16xf32, #tpu.memory_space<vmem_shared>>)
          tpu.yield
        }) : () -> ()
      }
      %scan3A_57 = arith.constant 8 : i32
    }
    %scan3A_15 = arith.constant 10 : i32
    %barrier3A_16 = arith.constant 0 : index
    tpu.barrier barrier_id(%barrier3A_16)
    %mul3A_17 = arith.constant 640 : i32
    %mul3A_18 = arith.muli %arg1, %mul3A_17 : i32
    "tpu.region"() ({
      %run_scoped3A = tpu.sem_alloc : memref<!tpu.dma_semaphore, #tpu.memory_space<semaphore_mem>>
      %dma_start3A = arith.constant 0 : i32
      %dma_start3A_21 = tpu.memref_slice %arg11[%mul3A_18, %dma_start3A] : memref<10240x16xf32, #tpu.memory_space<vmem_shared>> -> memref<640x16xf32, #tpu.memory_space<vmem_shared>>
      %dma_start3A_22 = arith.constant 0 : i32
      %dma_start3A_23 = tpu.memref_slice %arg11[%mul3A_18, %dma_start3A_22] : memref<10240x16xf32, #tpu.memory_space<vmem_shared>> -> memref<640x16xf32, #tpu.memory_space<vmem_shared>>
      tpu.enqueue_dma source(%dma_start3A_23 : memref<640x16xf32, #tpu.memory_space<vmem_shared>>) target(%arg10 : memref<640x16xf32, #tpu.memory_space<vmem>>) target_semaphore(%run_scoped3A : memref<!tpu.dma_semaphore, #tpu.memory_space<semaphore_mem>>)
      %dma_wait3A = arith.constant 0 : i32
      %dma_wait3A_24 = tpu.memref_slice %arg11[%mul3A_18, %dma_wait3A] : memref<10240x16xf32, #tpu.memory_space<vmem_shared>> -> memref<640x16xf32, #tpu.memory_space<vmem_shared>>
      %dma_wait3A_25 = arith.constant 0 : i32
      %dma_wait3A_26 = tpu.memref_slice %arg11[%mul3A_18, %dma_wait3A_25] : memref<10240x16xf32, #tpu.memory_space<vmem_shared>> -> memref<640x16xf32, #tpu.memory_space<vmem_shared>>
      tpu.wait_dma2 semaphore(%run_scoped3A : memref<!tpu.dma_semaphore, #tpu.memory_space<semaphore_mem>>) src(%dma_wait3A_26 : memref<640x16xf32, #tpu.memory_space<vmem_shared>>) dst(%arg10 : memref<640x16xf32, #tpu.memory_space<vmem>>)
      tpu.yield
    }) : () -> ()
    %mul3A_19 = arith.constant 640 : i32
    %mul3A_20 = arith.muli %arg1, %mul3A_19 : i32
    "tpu.region"() ({
      %run_scoped3A = tpu.sem_alloc : memref<!tpu.dma_semaphore, #tpu.memory_space<semaphore_mem>>
      %dma_start3A = arith.constant 0 : i32
      %dma_start3A_21 = arith.constant 0 : i32
      %dma_start3A_22 = tpu.memref_slice %arg7[%arg0, %dma_start3A, %dma_start3A_21] : memref<2x10240x16xf32, #tpu.memory_space<hbm>> -> memref<1x10240x16xf32, #tpu.memory_space<hbm>>
      %dma_start3A_23 = tpu.memref_squeeze %dma_start3A_22 : memref<1x10240x16xf32, #tpu.memory_space<hbm>> -> memref<10240x16xf32, #tpu.memory_space<hbm>>
      %dma_start3A_24 = arith.constant 0 : i32
      %dma_start3A_25 = tpu.memref_slice %dma_start3A_23[%mul3A_20, %dma_start3A_24] : memref<10240x16xf32, #tpu.memory_space<hbm>> -> memref<640x16xf32, #tpu.memory_space<hbm>>
      %dma_start3A_26 = arith.constant 0 : i32
      %dma_start3A_27 = arith.constant 0 : i32
      %dma_start3A_28 = tpu.memref_slice %arg7[%arg0, %dma_start3A_26, %dma_start3A_27] : memref<2x10240x16xf32, #tpu.memory_space<hbm>> -> memref<1x10240x16xf32, #tpu.memory_space<hbm>>
      %dma_start3A_29 = tpu.memref_squeeze %dma_start3A_28 : memref<1x10240x16xf32, #tpu.memory_space<hbm>> -> memref<10240x16xf32, #tpu.memory_space<hbm>>
      %dma_start3A_30 = arith.constant 0 : i32
      %dma_start3A_31 = tpu.memref_slice %dma_start3A_29[%mul3A_20, %dma_start3A_30] : memref<10240x16xf32, #tpu.memory_space<hbm>> -> memref<640x16xf32, #tpu.memory_space<hbm>>
      tpu.enqueue_dma source(%arg10 : memref<640x16xf32, #tpu.memory_space<vmem>>) target(%dma_start3A_31 : memref<640x16xf32, #tpu.memory_space<hbm>>) target_semaphore(%run_scoped3A : memref<!tpu.dma_semaphore, #tpu.memory_space<semaphore_mem>>)
      %dma_wait3A = arith.constant 0 : i32
      %dma_wait3A_32 = arith.constant 0 : i32
      %dma_wait3A_33 = tpu.memref_slice %arg7[%arg0, %dma_wait3A, %dma_wait3A_32] : memref<2x10240x16xf32, #tpu.memory_space<hbm>> -> memref<1x10240x16xf32, #tpu.memory_space<hbm>>
      %dma_wait3A_34 = tpu.memref_squeeze %dma_wait3A_33 : memref<1x10240x16xf32, #tpu.memory_space<hbm>> -> memref<10240x16xf32, #tpu.memory_space<hbm>>
      %dma_wait3A_35 = arith.constant 0 : i32
      %dma_wait3A_36 = tpu.memref_slice %dma_wait3A_34[%mul3A_20, %dma_wait3A_35] : memref<10240x16xf32, #tpu.memory_space<hbm>> -> memref<640x16xf32, #tpu.memory_space<hbm>>
      %dma_wait3A_37 = arith.constant 0 : i32
      %dma_wait3A_38 = arith.constant 0 : i32
      %dma_wait3A_39 = tpu.memref_slice %arg7[%arg0, %dma_wait3A_37, %dma_wait3A_38] : memref<2x10240x16xf32, #tpu.memory_space<hbm>> -> memref<1x10240x16xf32, #tpu.memory_space<hbm>>
      %dma_wait3A_40 = tpu.memref_squeeze %dma_wait3A_39 : memref<1x10240x16xf32, #tpu.memory_space<hbm>> -> memref<10240x16xf32, #tpu.memory_space<hbm>>
      %dma_wait3A_41 = arith.constant 0 : i32
      %dma_wait3A_42 = tpu.memref_slice %dma_wait3A_40[%mul3A_20, %dma_wait3A_41] : memref<10240x16xf32, #tpu.memory_space<hbm>> -> memref<640x16xf32, #tpu.memory_space<hbm>>
      tpu.wait_dma2 semaphore(%run_scoped3A : memref<!tpu.dma_semaphore, #tpu.memory_space<semaphore_mem>>) src(%arg10 : memref<640x16xf32, #tpu.memory_space<vmem>>) dst(%dma_wait3A_42 : memref<640x16xf32, #tpu.memory_space<hbm>>)
      tpu.yield
    }) : () -> ()
    return
  }
}

module attributes {stable_mosaic.version = 14 : i64} {
  func.func @_edge_body(%arg0: i32, %arg1: memref<1xi32, #tpu.memory_space<smem>>, %arg2: memref<4096x128xf32, #tpu.memory_space<vmem>>, %arg3: memref<4096x128xf32, #tpu.memory_space<vmem>>, %arg4: memref<4096x16xf32, #tpu.memory_space<vmem>>, %arg5: memref<128x128xf32, #tpu.memory_space<vmem>>, %arg6: memref<128x128xf32, #tpu.memory_space<vmem>>, %arg7: memref<16x128xf32, #tpu.memory_space<vmem>>, %arg8: memref<1x128xf32, #tpu.memory_space<vmem>>, %arg9: memref<1x128xf32, #tpu.memory_space<vmem>>, %arg10: memref<1x128xf32, #tpu.memory_space<vmem>>, %arg11: memref<1x128xf32, #tpu.memory_space<vmem>>, %arg12: memref<1x128xf32, #tpu.memory_space<vmem>>, %arg13: memref<128x16xf32, #tpu.memory_space<vmem>>, %arg14: memref<1x16xf32, #tpu.memory_space<vmem>>, %arg15: memref<1x16xf32, #tpu.memory_space<vmem>>, %arg16: memref<1x16xf32, #tpu.memory_space<vmem>>, %arg17: memref<4096x16xf32, #tpu.memory_space<vmem>>) attributes {dimension_semantics = [#tpu.dimension_semantics<arbitrary>], iteration_bounds = array<i64: 20>, scalar_prefetch = 0 : i64, scratch_operands = 0 : i64, tpu.core_type = #tpu.core_type<tc>, window_params = [{transform_indices = @transform_0, window_bounds = array<i64: 1>}, {transform_indices = @transform_1, window_bounds = array<i64: 4096, 128>}, {transform_indices = @transform_2, window_bounds = array<i64: 4096, 128>}, {transform_indices = @transform_3, window_bounds = array<i64: 4096, 16>}, {pipeline_mode = #tpu.pipeline_mode<synchronous>, transform_indices = @transform_4, window_bounds = array<i64: 128, 128>}, {pipeline_mode = #tpu.pipeline_mode<synchronous>, transform_indices = @transform_5, window_bounds = array<i64: 128, 128>}, {pipeline_mode = #tpu.pipeline_mode<synchronous>, transform_indices = @transform_6, window_bounds = array<i64: 16, 128>}, {pipeline_mode = #tpu.pipeline_mode<synchronous>, transform_indices = @transform_7, window_bounds = array<i64: 1, 128>}, {pipeline_mode = #tpu.pipeline_mode<synchronous>, transform_indices = @transform_8, window_bounds = array<i64: 1, 128>}, {pipeline_mode = #tpu.pipeline_mode<synchronous>, transform_indices = @transform_9, window_bounds = array<i64: 1, 128>}, {pipeline_mode = #tpu.pipeline_mode<synchronous>, transform_indices = @transform_10, window_bounds = array<i64: 1, 128>}, {pipeline_mode = #tpu.pipeline_mode<synchronous>, transform_indices = @transform_11, window_bounds = array<i64: 1, 128>}, {pipeline_mode = #tpu.pipeline_mode<synchronous>, transform_indices = @transform_12, window_bounds = array<i64: 128, 16>}, {pipeline_mode = #tpu.pipeline_mode<synchronous>, transform_indices = @transform_13, window_bounds = array<i64: 1, 16>}, {pipeline_mode = #tpu.pipeline_mode<synchronous>, transform_indices = @transform_14, window_bounds = array<i64: 1, 16>}, {pipeline_mode = #tpu.pipeline_mode<synchronous>, transform_indices = @transform_15, window_bounds = array<i64: 1, 16>}, {transform_indices = @transform_16, window_bounds = array<i64: 4096, 16>}]} {
    %get3A = arith.constant 0 : index
    %get3A_0 = arith.constant 0 : index
    %get3A_1 = vector.load %arg2[%get3A, %get3A_0] : memref<4096x128xf32, #tpu.memory_space<vmem>>, vector<4096x128xf32>
    %get3A_2 = arith.constant 0 : index
    %get3A_3 = arith.constant 0 : index
    %get3A_4 = vector.load %arg3[%get3A_2, %get3A_3] : memref<4096x128xf32, #tpu.memory_space<vmem>>, vector<4096x128xf32>
    %sub3A = arith.subf %get3A_1, %get3A_4 : vector<4096x128xf32>
    %mul3A = arith.mulf %sub3A, %sub3A : vector<4096x128xf32>
    %reduce_sum3A = arith.constant dense<0.000000e+00> : vector<4096xf32>
    %reduce_sum3A_5 = vector.multi_reduction <add>, %mul3A, %reduce_sum3A [1] : vector<4096x128xf32> to vector<4096xf32>
    %broadcast_in_dim3A = vector.shape_cast %reduce_sum3A_5 : vector<4096xf32> to vector<4096x1xf32>
    %add3A = arith.constant 9.99999996E-13 : f32
    %add3A_6 = vector.broadcast %add3A : f32 to vector<4096x1xf32>
    %add3A_7 = arith.addf %broadcast_in_dim3A, %add3A_6 : vector<4096x1xf32>
    %sqrt3A = math.sqrt %add3A_7 : vector<4096x1xf32>
    %get3A_8 = arith.constant 0 : index
    %get3A_9 = arith.constant 0 : index
    %get3A_10 = vector.load %arg5[%get3A_8, %get3A_9] : memref<128x128xf32, #tpu.memory_space<vmem>>, vector<128x128xf32>
    %dot_general3A = arith.constant dense<0.000000e+00> : vector<4096x128xf32>
    %dot_general3A_11 = tpu.matmul %get3A_1, %get3A_10, %dot_general3A {dimension_numbers = #tpu.dot_dimension_numbers<[1], [0], [0], [1], [0, 0, 1, 1], [], []>, transpose_lhs_hint = false} : vector<4096x128xf32>, vector<128x128xf32>, vector<4096x128xf32> -> vector<4096x128xf32>
    %get3A_12 = arith.constant 0 : index
    %get3A_13 = arith.constant 0 : index
    %get3A_14 = vector.load %arg6[%get3A_12, %get3A_13] : memref<128x128xf32, #tpu.memory_space<vmem>>, vector<128x128xf32>
    %dot_general3A_15 = arith.constant dense<0.000000e+00> : vector<4096x128xf32>
    %dot_general3A_16 = tpu.matmul %get3A_4, %get3A_14, %dot_general3A_15 {dimension_numbers = #tpu.dot_dimension_numbers<[1], [0], [0], [1], [0, 0, 1, 1], [], []>, transpose_lhs_hint = false} : vector<4096x128xf32>, vector<128x128xf32>, vector<4096x128xf32> -> vector<4096x128xf32>
    %add3A_17 = arith.addf %dot_general3A_11, %dot_general3A_16 : vector<4096x128xf32>
    %get3A_18 = arith.constant 0 : index
    %get3A_19 = arith.constant 0 : index
    %get3A_20 = vector.load %arg4[%get3A_18, %get3A_19] : memref<4096x16xf32, #tpu.memory_space<vmem>>, vector<4096x16xf32>
    %get3A_21 = arith.constant 0 : index
    %get3A_22 = arith.constant 0 : index
    %get3A_23 = vector.load %arg7[%get3A_21, %get3A_22] : memref<16x128xf32, #tpu.memory_space<vmem>>, vector<16x128xf32>
    %dot_general3A_24 = arith.constant dense<0.000000e+00> : vector<4096x128xf32>
    %dot_general3A_25 = tpu.matmul %get3A_20, %get3A_23, %dot_general3A_24 {dimension_numbers = #tpu.dot_dimension_numbers<[1], [0], [0], [1], [0, 0, 1, 1], [], []>, transpose_lhs_hint = false} : vector<4096x16xf32>, vector<16x128xf32>, vector<4096x128xf32> -> vector<4096x128xf32>
    %add3A_26 = arith.addf %add3A_17, %dot_general3A_25 : vector<4096x128xf32>
    %get3A_27 = arith.constant 0 : index
    %get3A_28 = arith.constant 0 : index
    %get3A_29 = vector.load %arg8[%get3A_27, %get3A_28] : memref<1x128xf32, #tpu.memory_space<vmem>>, vector<1x128xf32>
    %mul3A_30 = vector.broadcast %broadcast_in_dim3A : vector<4096x1xf32> to vector<4096x128xf32>
    %mul3A_31 = vector.broadcast %get3A_29 : vector<1x128xf32> to vector<4096x128xf32>
    %mul3A_32 = arith.mulf %mul3A_30, %mul3A_31 : vector<4096x128xf32>
    %add3A_33 = arith.addf %add3A_26, %mul3A_32 : vector<4096x128xf32>
    %get3A_34 = arith.constant 0 : index
    %get3A_35 = arith.constant 0 : index
    %get3A_36 = vector.load %arg9[%get3A_34, %get3A_35] : memref<1x128xf32, #tpu.memory_space<vmem>>, vector<1x128xf32>
    %mul3A_37 = vector.broadcast %sqrt3A : vector<4096x1xf32> to vector<4096x128xf32>
    %mul3A_38 = vector.broadcast %get3A_36 : vector<1x128xf32> to vector<4096x128xf32>
    %mul3A_39 = arith.mulf %mul3A_37, %mul3A_38 : vector<4096x128xf32>
    %add3A_40 = arith.addf %add3A_33, %mul3A_39 : vector<4096x128xf32>
    %get3A_41 = arith.constant 0 : index
    %get3A_42 = arith.constant 0 : index
    %get3A_43 = vector.load %arg10[%get3A_41, %get3A_42] : memref<1x128xf32, #tpu.memory_space<vmem>>, vector<1x128xf32>
    %add3A_44 = vector.broadcast %get3A_43 : vector<1x128xf32> to vector<4096x128xf32>
    %add3A_45 = arith.addf %add3A_40, %add3A_44 : vector<4096x128xf32>
    %get3A_46 = arith.constant 0 : index
    %get3A_47 = arith.constant 0 : index
    %get3A_48 = vector.load %arg11[%get3A_46, %get3A_47] : memref<1x128xf32, #tpu.memory_space<vmem>>, vector<1x128xf32>
    %get3A_49 = arith.constant 0 : index
    %get3A_50 = arith.constant 0 : index
    %get3A_51 = vector.load %arg12[%get3A_49, %get3A_50] : memref<1x128xf32, #tpu.memory_space<vmem>>, vector<1x128xf32>
    %reduce_sum3A_52 = arith.constant dense<0.000000e+00> : vector<4096xf32>
    %reduce_sum3A_53 = vector.multi_reduction <add>, %add3A_45, %reduce_sum3A_52 [1] : vector<4096x128xf32> to vector<4096xf32>
    %broadcast_in_dim3A_54 = vector.shape_cast %reduce_sum3A_53 : vector<4096xf32> to vector<4096x1xf32>
    %div3A = arith.constant 1.280000e+02 : f32
    %div3A_55 = vector.broadcast %div3A : f32 to vector<4096x1xf32>
    %div3A_56 = arith.divf %broadcast_in_dim3A_54, %div3A_55 : vector<4096x1xf32>
    %sub3A_57 = vector.broadcast %div3A_56 : vector<4096x1xf32> to vector<4096x128xf32>
    %sub3A_58 = arith.subf %add3A_45, %sub3A_57 : vector<4096x128xf32>
    %mul3A_59 = arith.mulf %sub3A_58, %sub3A_58 : vector<4096x128xf32>
    %reduce_sum3A_60 = arith.constant dense<0.000000e+00> : vector<4096xf32>
    %reduce_sum3A_61 = vector.multi_reduction <add>, %mul3A_59, %reduce_sum3A_60 [1] : vector<4096x128xf32> to vector<4096xf32>
    %broadcast_in_dim3A_62 = vector.shape_cast %reduce_sum3A_61 : vector<4096xf32> to vector<4096x1xf32>
    %div3A_63 = arith.constant 1.280000e+02 : f32
    %div3A_64 = vector.broadcast %div3A_63 : f32 to vector<4096x1xf32>
    %div3A_65 = arith.divf %broadcast_in_dim3A_62, %div3A_64 : vector<4096x1xf32>
    %add3A_66 = arith.constant 9.99999974E-6 : f32
    %add3A_67 = vector.broadcast %add3A_66 : f32 to vector<4096x1xf32>
    %add3A_68 = arith.addf %div3A_65, %add3A_67 : vector<4096x1xf32>
    %rsqrt3A = math.rsqrt %add3A_68 : vector<4096x1xf32>
    %mul3A_69 = vector.broadcast %rsqrt3A : vector<4096x1xf32> to vector<4096x128xf32>
    %mul3A_70 = arith.mulf %sub3A_58, %mul3A_69 : vector<4096x128xf32>
    %mul3A_71 = vector.broadcast %get3A_48 : vector<1x128xf32> to vector<4096x128xf32>
    %mul3A_72 = arith.mulf %mul3A_70, %mul3A_71 : vector<4096x128xf32>
    %add3A_73 = vector.broadcast %get3A_51 : vector<1x128xf32> to vector<4096x128xf32>
    %add3A_74 = arith.addf %mul3A_72, %add3A_73 : vector<4096x128xf32>
    %mul3A_75 = arith.constant 5.000000e-01 : f32
    %mul3A_76 = vector.broadcast %mul3A_75 : f32 to vector<4096x128xf32>
    %mul3A_77 = arith.mulf %mul3A_76, %add3A_74 : vector<4096x128xf32>
    %mul3A_78 = arith.constant 0.707106769 : f32
    %mul3A_79 = vector.broadcast %mul3A_78 : f32 to vector<4096x128xf32>
    %mul3A_80 = arith.mulf %add3A_74, %mul3A_79 : vector<4096x128xf32>
    %erf3A = math.erf %mul3A_80 : vector<4096x128xf32>
    %add3A_81 = arith.constant 1.000000e+00 : f32
    %add3A_82 = vector.broadcast %add3A_81 : f32 to vector<4096x128xf32>
    %add3A_83 = arith.addf %add3A_82, %erf3A : vector<4096x128xf32>
    %mul3A_84 = arith.mulf %mul3A_77, %add3A_83 : vector<4096x128xf32>
    %get3A_85 = arith.constant 0 : index
    %get3A_86 = arith.constant 0 : index
    %get3A_87 = vector.load %arg13[%get3A_85, %get3A_86] : memref<128x16xf32, #tpu.memory_space<vmem>>, vector<128x16xf32>
    %dot_general3A_88 = arith.constant dense<0.000000e+00> : vector<4096x16xf32>
    %dot_general3A_89 = tpu.matmul %mul3A_84, %get3A_87, %dot_general3A_88 {dimension_numbers = #tpu.dot_dimension_numbers<[1], [0], [0], [1], [0, 0, 1, 1], [], []>, transpose_lhs_hint = false} : vector<4096x128xf32>, vector<128x16xf32>, vector<4096x16xf32> -> vector<4096x16xf32>
    %get3A_90 = arith.constant 0 : index
    %get3A_91 = arith.constant 0 : index
    %get3A_92 = vector.load %arg14[%get3A_90, %get3A_91] : memref<1x16xf32, #tpu.memory_space<vmem>>, vector<1x16xf32>
    %add3A_93 = vector.broadcast %get3A_92 : vector<1x16xf32> to vector<4096x16xf32>
    %add3A_94 = arith.addf %dot_general3A_89, %add3A_93 : vector<4096x16xf32>
    %get3A_95 = arith.constant 0 : index
    %get3A_96 = arith.constant 0 : index
    %get3A_97 = vector.load %arg15[%get3A_95, %get3A_96] : memref<1x16xf32, #tpu.memory_space<vmem>>, vector<1x16xf32>
    %get3A_98 = arith.constant 0 : index
    %get3A_99 = arith.constant 0 : index
    %get3A_100 = vector.load %arg16[%get3A_98, %get3A_99] : memref<1x16xf32, #tpu.memory_space<vmem>>, vector<1x16xf32>
    %reduce_sum3A_101 = arith.constant dense<0.000000e+00> : vector<4096xf32>
    %reduce_sum3A_102 = vector.multi_reduction <add>, %add3A_94, %reduce_sum3A_101 [1] : vector<4096x16xf32> to vector<4096xf32>
    %broadcast_in_dim3A_103 = vector.shape_cast %reduce_sum3A_102 : vector<4096xf32> to vector<4096x1xf32>
    %div3A_104 = arith.constant 1.600000e+01 : f32
    %div3A_105 = vector.broadcast %div3A_104 : f32 to vector<4096x1xf32>
    %div3A_106 = arith.divf %broadcast_in_dim3A_103, %div3A_105 : vector<4096x1xf32>
    %sub3A_107 = vector.broadcast %div3A_106 : vector<4096x1xf32> to vector<4096x16xf32>
    %sub3A_108 = arith.subf %add3A_94, %sub3A_107 : vector<4096x16xf32>
    %mul3A_109 = arith.mulf %sub3A_108, %sub3A_108 : vector<4096x16xf32>
    %reduce_sum3A_110 = arith.constant dense<0.000000e+00> : vector<4096xf32>
    %reduce_sum3A_111 = vector.multi_reduction <add>, %mul3A_109, %reduce_sum3A_110 [1] : vector<4096x16xf32> to vector<4096xf32>
    %broadcast_in_dim3A_112 = vector.shape_cast %reduce_sum3A_111 : vector<4096xf32> to vector<4096x1xf32>
    %div3A_113 = arith.constant 1.600000e+01 : f32
    %div3A_114 = vector.broadcast %div3A_113 : f32 to vector<4096x1xf32>
    %div3A_115 = arith.divf %broadcast_in_dim3A_112, %div3A_114 : vector<4096x1xf32>
    %add3A_116 = arith.constant 9.99999974E-6 : f32
    %add3A_117 = vector.broadcast %add3A_116 : f32 to vector<4096x1xf32>
    %add3A_118 = arith.addf %div3A_115, %add3A_117 : vector<4096x1xf32>
    %rsqrt3A_119 = math.rsqrt %add3A_118 : vector<4096x1xf32>
    %mul3A_120 = vector.broadcast %rsqrt3A_119 : vector<4096x1xf32> to vector<4096x16xf32>
    %mul3A_121 = arith.mulf %sub3A_108, %mul3A_120 : vector<4096x16xf32>
    %mul3A_122 = vector.broadcast %get3A_97 : vector<1x16xf32> to vector<4096x16xf32>
    %mul3A_123 = arith.mulf %mul3A_121, %mul3A_122 : vector<4096x16xf32>
    %add3A_124 = vector.broadcast %get3A_100 : vector<1x16xf32> to vector<4096x16xf32>
    %add3A_125 = arith.addf %mul3A_123, %add3A_124 : vector<4096x16xf32>
    %mul3A_126 = arith.constant 5.000000e-01 : f32
    %mul3A_127 = vector.broadcast %mul3A_126 : f32 to vector<4096x16xf32>
    %mul3A_128 = arith.mulf %mul3A_127, %add3A_125 : vector<4096x16xf32>
    %mul3A_129 = arith.constant 0.707106769 : f32
    %mul3A_130 = vector.broadcast %mul3A_129 : f32 to vector<4096x16xf32>
    %mul3A_131 = arith.mulf %add3A_125, %mul3A_130 : vector<4096x16xf32>
    %erf3A_132 = math.erf %mul3A_131 : vector<4096x16xf32>
    %add3A_133 = arith.constant 1.000000e+00 : f32
    %add3A_134 = vector.broadcast %add3A_133 : f32 to vector<4096x16xf32>
    %add3A_135 = arith.addf %add3A_134, %erf3A_132 : vector<4096x16xf32>
    %mul3A_136 = arith.mulf %mul3A_128, %add3A_135 : vector<4096x16xf32>
    %get3A_137 = arith.constant 0 : index
    %get3A_138 = memref.load %arg1[%get3A_137] : memref<1xi32, #tpu.memory_space<smem>>
    %mul3A_139 = arith.constant 4096 : i32
    %mul3A_140 = arith.muli %arg0, %mul3A_139 : i32
    %add3A_141 = arith.addi %get3A_138, %mul3A_140 : i32
    %iota3A = tpu.iota {dimensions = array<i32: 0>} : vector<4096x1xi32>
    %add3A_142 = vector.broadcast %add3A_141 : i32 to vector<4096x1xi32>
    %add3A_143 = arith.addi %add3A_142, %iota3A : vector<4096x1xi32>
    %lt3A = arith.constant 320000 : i32
    %lt3A_144 = vector.broadcast %lt3A : i32 to vector<4096x1xi32>
    %lt3A_145 = arith.cmpi slt, %add3A_143, %lt3A_144 : vector<4096x1xi32>
    %jit3A = arith.constant 0.000000e+00 : f32
    %broadcast_in_dim3A_146 = vector.shape_cast %lt3A_145 : vector<4096x1xi1> to vector<4096x1xi1>
    %broadcast_in_dim3A_147 = vector.broadcast %broadcast_in_dim3A_146 : vector<4096x1xi1> to vector<4096x16xi1>
    %broadcast_in_dim3A_148 = vector.broadcast %jit3A : f32 to vector<4096x16xf32>
    %select_n3A = arith.select %broadcast_in_dim3A_147, %mul3A_136, %broadcast_in_dim3A_148 : vector<4096x16xi1>, vector<4096x16xf32>
    %swap3A = arith.constant 0 : index
    %swap3A_149 = arith.constant 0 : index
    %swap3A_150 = vector.load %arg17[%swap3A, %swap3A_149] : memref<4096x16xf32, #tpu.memory_space<vmem>>, vector<4096x16xf32>
    tpu.vector_store %arg17[%swap3A, %swap3A_149], %select_n3A {strides = array<i32>} : memref<4096x16xf32, #tpu.memory_space<vmem>>, vector<4096x16xf32>,
    return
  }
  func.func @transform_0(%arg0: i32) -> i32 {
    %c0_i32 = arith.constant 0 : i32
    %c0_i32_0 = arith.constant 0 : i32
    return %c0_i32 : i32
  }
  func.func @transform_1(%arg0: i32) -> (i32, i32) {
    %c0_i32 = arith.constant 0 : i32
    %c0_i32_0 = arith.constant 0 : i32
    return %arg0, %c0_i32 : i32, i32
  }
  func.func @transform_2(%arg0: i32) -> (i32, i32) {
    %c0_i32 = arith.constant 0 : i32
    %c0_i32_0 = arith.constant 0 : i32
    return %arg0, %c0_i32 : i32, i32
  }
  func.func @transform_3(%arg0: i32) -> (i32, i32) {
    %c0_i32 = arith.constant 0 : i32
    %c0_i32_0 = arith.constant 0 : i32
    return %arg0, %c0_i32 : i32, i32
  }
  func.func @transform_4(%arg0: i32) -> (i32, i32) {
    %c0_i32 = arith.constant 0 : i32
    %c0_i32_0 = arith.constant 0 : i32
    %c0_i32_1 = arith.constant 0 : i32
    return %c0_i32, %c0_i32_0 : i32, i32
  }
  func.func @transform_5(%arg0: i32) -> (i32, i32) {
    %c0_i32 = arith.constant 0 : i32
    %c0_i32_0 = arith.constant 0 : i32
    %c0_i32_1 = arith.constant 0 : i32
    return %c0_i32, %c0_i32_0 : i32, i32
  }
  func.func @transform_6(%arg0: i32) -> (i32, i32) {
    %c0_i32 = arith.constant 0 : i32
    %c0_i32_0 = arith.constant 0 : i32
    %c0_i32_1 = arith.constant 0 : i32
    return %c0_i32, %c0_i32_0 : i32, i32
  }
  func.func @transform_7(%arg0: i32) -> (i32, i32) {
    %c0_i32 = arith.constant 0 : i32
    %c0_i32_0 = arith.constant 0 : i32
    %c0_i32_1 = arith.constant 0 : i32
    return %c0_i32, %c0_i32_0 : i32, i32
  }
  func.func @transform_8(%arg0: i32) -> (i32, i32) {
    %c0_i32 = arith.constant 0 : i32
    %c0_i32_0 = arith.constant 0 : i32
    %c0_i32_1 = arith.constant 0 : i32
    return %c0_i32, %c0_i32_0 : i32, i32
  }
  func.func @transform_9(%arg0: i32) -> (i32, i32) {
    %c0_i32 = arith.constant 0 : i32
    %c0_i32_0 = arith.constant 0 : i32
    %c0_i32_1 = arith.constant 0 : i32
    return %c0_i32, %c0_i32_0 : i32, i32
  }
  func.func @transform_10(%arg0: i32) -> (i32, i32) {
    %c0_i32 = arith.constant 0 : i32
    %c0_i32_0 = arith.constant 0 : i32
    %c0_i32_1 = arith.constant 0 : i32
    return %c0_i32, %c0_i32_0 : i32, i32
  }
  func.func @transform_11(%arg0: i32) -> (i32, i32) {
    %c0_i32 = arith.constant 0 : i32
    %c0_i32_0 = arith.constant 0 : i32
    %c0_i32_1 = arith.constant 0 : i32
    return %c0_i32, %c0_i32_0 : i32, i32
  }
  func.func @transform_12(%arg0: i32) -> (i32, i32) {
    %c0_i32 = arith.constant 0 : i32
    %c0_i32_0 = arith.constant 0 : i32
    %c0_i32_1 = arith.constant 0 : i32
    return %c0_i32, %c0_i32_0 : i32, i32
  }
  func.func @transform_13(%arg0: i32) -> (i32, i32) {
    %c0_i32 = arith.constant 0 : i32
    %c0_i32_0 = arith.constant 0 : i32
    %c0_i32_1 = arith.constant 0 : i32
    return %c0_i32, %c0_i32_0 : i32, i32
  }
  func.func @transform_14(%arg0: i32) -> (i32, i32) {
    %c0_i32 = arith.constant 0 : i32
    %c0_i32_0 = arith.constant 0 : i32
    %c0_i32_1 = arith.constant 0 : i32
    return %c0_i32, %c0_i32_0 : i32, i32
  }
  func.func @transform_15(%arg0: i32) -> (i32, i32) {
    %c0_i32 = arith.constant 0 : i32
    %c0_i32_0 = arith.constant 0 : i32
    %c0_i32_1 = arith.constant 0 : i32
    return %c0_i32, %c0_i32_0 : i32, i32
  }
  func.func @transform_16(%arg0: i32) -> (i32, i32) {
    %c0_i32 = arith.constant 0 : i32
    %c0_i32_0 = arith.constant 0 : i32
    return %arg0, %c0_i32 : i32, i32
  }
}

module attributes {stable_mosaic.version = 14 : i64} {
  func.func @_node_body(%arg0: i32, %arg1: memref<2000x128xf32, #tpu.memory_space<vmem>>, %arg2: memref<2x2000x16xf32, #tpu.memory_space<vmem>>, %arg3: memref<128x128xf32, #tpu.memory_space<vmem>>, %arg4: memref<16x128xf32, #tpu.memory_space<vmem>>, %arg5: memref<1x128xf32, #tpu.memory_space<vmem>>, %arg6: memref<1x128xf32, #tpu.memory_space<vmem>>, %arg7: memref<1x128xf32, #tpu.memory_space<vmem>>, %arg8: memref<128x128xf32, #tpu.memory_space<vmem>>, %arg9: memref<1x128xf32, #tpu.memory_space<vmem>>, %arg10: memref<1x128xf32, #tpu.memory_space<vmem>>, %arg11: memref<1x128xf32, #tpu.memory_space<vmem>>, %arg12: memref<2000x128xf32, #tpu.memory_space<vmem>>) attributes {dimension_semantics = [#tpu.dimension_semantics<arbitrary>], iteration_bounds = array<i64: 5>, scalar_prefetch = 0 : i64, scratch_operands = 0 : i64, tpu.core_type = #tpu.core_type<tc>, window_params = [{transform_indices = @transform_0, window_bounds = array<i64: 2000, 128>}, {transform_indices = @transform_1, window_bounds = array<i64: 2, 2000, 16>}, {pipeline_mode = #tpu.pipeline_mode<synchronous>, transform_indices = @transform_2, window_bounds = array<i64: 128, 128>}, {pipeline_mode = #tpu.pipeline_mode<synchronous>, transform_indices = @transform_3, window_bounds = array<i64: 16, 128>}, {pipeline_mode = #tpu.pipeline_mode<synchronous>, transform_indices = @transform_4, window_bounds = array<i64: 1, 128>}, {pipeline_mode = #tpu.pipeline_mode<synchronous>, transform_indices = @transform_5, window_bounds = array<i64: 1, 128>}, {pipeline_mode = #tpu.pipeline_mode<synchronous>, transform_indices = @transform_6, window_bounds = array<i64: 1, 128>}, {pipeline_mode = #tpu.pipeline_mode<synchronous>, transform_indices = @transform_7, window_bounds = array<i64: 128, 128>}, {pipeline_mode = #tpu.pipeline_mode<synchronous>, transform_indices = @transform_8, window_bounds = array<i64: 1, 128>}, {pipeline_mode = #tpu.pipeline_mode<synchronous>, transform_indices = @transform_9, window_bounds = array<i64: 1, 128>}, {pipeline_mode = #tpu.pipeline_mode<synchronous>, transform_indices = @transform_10, window_bounds = array<i64: 1, 128>}, {transform_indices = @transform_11, window_bounds = array<i64: 2000, 128>}]} {
    %get3A = arith.constant 0 : index
    %get3A_0 = arith.constant 0 : index
    %get3A_1 = vector.load %arg1[%get3A, %get3A_0] : memref<2000x128xf32, #tpu.memory_space<vmem>>, vector<2000x128xf32>
    %get3A_2 = arith.constant 0 : index
    %get3A_3 = arith.constant 0 : index
    %get3A_4 = arith.constant 0 : index
    %get3A_5 = vector.load %arg2[%get3A_2, %get3A_3, %get3A_4] : memref<2x2000x16xf32, #tpu.memory_space<vmem>>, vector<1x2000x16xf32>
    %get3A_6 = vector.shape_cast %get3A_5 : vector<1x2000x16xf32> to vector<2000x16xf32>
    %get3A_7 = arith.constant 1 : index
    %get3A_8 = arith.constant 0 : index
    %get3A_9 = arith.constant 0 : index
    %get3A_10 = vector.load %arg2[%get3A_7, %get3A_8, %get3A_9] : memref<2x2000x16xf32, #tpu.memory_space<vmem>>, vector<1x2000x16xf32>
    %get3A_11 = vector.shape_cast %get3A_10 : vector<1x2000x16xf32> to vector<2000x16xf32>
    %add3A = arith.addf %get3A_6, %get3A_11 : vector<2000x16xf32>
    %get3A_12 = arith.constant 0 : index
    %get3A_13 = arith.constant 0 : index
    %get3A_14 = vector.load %arg3[%get3A_12, %get3A_13] : memref<128x128xf32, #tpu.memory_space<vmem>>, vector<128x128xf32>
    %dot_general3A = arith.constant dense<0.000000e+00> : vector<2000x128xf32>
    %dot_general3A_15 = tpu.matmul %get3A_1, %get3A_14, %dot_general3A {dimension_numbers = #tpu.dot_dimension_numbers<[1], [0], [0], [1], [0, 0, 1, 1], [], []>, transpose_lhs_hint = false} : vector<2000x128xf32>, vector<128x128xf32>, vector<2000x128xf32> -> vector<2000x128xf32>
    %get3A_16 = arith.constant 0 : index
    %get3A_17 = arith.constant 0 : index
    %get3A_18 = vector.load %arg4[%get3A_16, %get3A_17] : memref<16x128xf32, #tpu.memory_space<vmem>>, vector<16x128xf32>
    %dot_general3A_19 = arith.constant dense<0.000000e+00> : vector<2000x128xf32>
    %dot_general3A_20 = tpu.matmul %add3A, %get3A_18, %dot_general3A_19 {dimension_numbers = #tpu.dot_dimension_numbers<[1], [0], [0], [1], [0, 0, 1, 1], [], []>, transpose_lhs_hint = false} : vector<2000x16xf32>, vector<16x128xf32>, vector<2000x128xf32> -> vector<2000x128xf32>
    %add3A_21 = arith.addf %dot_general3A_15, %dot_general3A_20 : vector<2000x128xf32>
    %get3A_22 = arith.constant 0 : index
    %get3A_23 = arith.constant 0 : index
    %get3A_24 = vector.load %arg5[%get3A_22, %get3A_23] : memref<1x128xf32, #tpu.memory_space<vmem>>, vector<1x128xf32>
    %add3A_25 = vector.broadcast %get3A_24 : vector<1x128xf32> to vector<2000x128xf32>
    %add3A_26 = arith.addf %add3A_21, %add3A_25 : vector<2000x128xf32>
    %get3A_27 = arith.constant 0 : index
    %get3A_28 = arith.constant 0 : index
    %get3A_29 = vector.load %arg6[%get3A_27, %get3A_28] : memref<1x128xf32, #tpu.memory_space<vmem>>, vector<1x128xf32>
    %get3A_30 = arith.constant 0 : index
    %get3A_31 = arith.constant 0 : index
    %get3A_32 = vector.load %arg7[%get3A_30, %get3A_31] : memref<1x128xf32, #tpu.memory_space<vmem>>, vector<1x128xf32>
    %reduce_sum3A = arith.constant dense<0.000000e+00> : vector<2000xf32>
    %reduce_sum3A_33 = vector.multi_reduction <add>, %add3A_26, %reduce_sum3A [1] : vector<2000x128xf32> to vector<2000xf32>
    %broadcast_in_dim3A = vector.shape_cast %reduce_sum3A_33 : vector<2000xf32> to vector<2000x1xf32>
    %div3A = arith.constant 1.280000e+02 : f32
    %div3A_34 = vector.broadcast %div3A : f32 to vector<2000x1xf32>
    %div3A_35 = arith.divf %broadcast_in_dim3A, %div3A_34 : vector<2000x1xf32>
    %sub3A = vector.broadcast %div3A_35 : vector<2000x1xf32> to vector<2000x128xf32>
    %sub3A_36 = arith.subf %add3A_26, %sub3A : vector<2000x128xf32>
    %mul3A = arith.mulf %sub3A_36, %sub3A_36 : vector<2000x128xf32>
    %reduce_sum3A_37 = arith.constant dense<0.000000e+00> : vector<2000xf32>
    %reduce_sum3A_38 = vector.multi_reduction <add>, %mul3A, %reduce_sum3A_37 [1] : vector<2000x128xf32> to vector<2000xf32>
    %broadcast_in_dim3A_39 = vector.shape_cast %reduce_sum3A_38 : vector<2000xf32> to vector<2000x1xf32>
    %div3A_40 = arith.constant 1.280000e+02 : f32
    %div3A_41 = vector.broadcast %div3A_40 : f32 to vector<2000x1xf32>
    %div3A_42 = arith.divf %broadcast_in_dim3A_39, %div3A_41 : vector<2000x1xf32>
    %add3A_43 = arith.constant 9.99999974E-6 : f32
    %add3A_44 = vector.broadcast %add3A_43 : f32 to vector<2000x1xf32>
    %add3A_45 = arith.addf %div3A_42, %add3A_44 : vector<2000x1xf32>
    %rsqrt3A = math.rsqrt %add3A_45 : vector<2000x1xf32>
    %mul3A_46 = vector.broadcast %rsqrt3A : vector<2000x1xf32> to vector<2000x128xf32>
    %mul3A_47 = arith.mulf %sub3A_36, %mul3A_46 : vector<2000x128xf32>
    %mul3A_48 = vector.broadcast %get3A_29 : vector<1x128xf32> to vector<2000x128xf32>
    %mul3A_49 = arith.mulf %mul3A_47, %mul3A_48 : vector<2000x128xf32>
    %add3A_50 = vector.broadcast %get3A_32 : vector<1x128xf32> to vector<2000x128xf32>
    %add3A_51 = arith.addf %mul3A_49, %add3A_50 : vector<2000x128xf32>
    %mul3A_52 = arith.constant 5.000000e-01 : f32
    %mul3A_53 = vector.broadcast %mul3A_52 : f32 to vector<2000x128xf32>
    %mul3A_54 = arith.mulf %mul3A_53, %add3A_51 : vector<2000x128xf32>
    %mul3A_55 = arith.constant 0.707106769 : f32
    %mul3A_56 = vector.broadcast %mul3A_55 : f32 to vector<2000x128xf32>
    %mul3A_57 = arith.mulf %add3A_51, %mul3A_56 : vector<2000x128xf32>
    %erf3A = math.erf %mul3A_57 : vector<2000x128xf32>
    %add3A_58 = arith.constant 1.000000e+00 : f32
    %add3A_59 = vector.broadcast %add3A_58 : f32 to vector<2000x128xf32>
    %add3A_60 = arith.addf %add3A_59, %erf3A : vector<2000x128xf32>
    %mul3A_61 = arith.mulf %mul3A_54, %add3A_60 : vector<2000x128xf32>
    %get3A_62 = arith.constant 0 : index
    %get3A_63 = arith.constant 0 : index
    %get3A_64 = vector.load %arg8[%get3A_62, %get3A_63] : memref<128x128xf32, #tpu.memory_space<vmem>>, vector<128x128xf32>
    %dot_general3A_65 = arith.constant dense<0.000000e+00> : vector<2000x128xf32>
    %dot_general3A_66 = tpu.matmul %mul3A_61, %get3A_64, %dot_general3A_65 {dimension_numbers = #tpu.dot_dimension_numbers<[1], [0], [0], [1], [0, 0, 1, 1], [], []>, transpose_lhs_hint = false} : vector<2000x128xf32>, vector<128x128xf32>, vector<2000x128xf32> -> vector<2000x128xf32>
    %get3A_67 = arith.constant 0 : index
    %get3A_68 = arith.constant 0 : index
    %get3A_69 = vector.load %arg9[%get3A_67, %get3A_68] : memref<1x128xf32, #tpu.memory_space<vmem>>, vector<1x128xf32>
    %add3A_70 = vector.broadcast %get3A_69 : vector<1x128xf32> to vector<2000x128xf32>
    %add3A_71 = arith.addf %dot_general3A_66, %add3A_70 : vector<2000x128xf32>
    %get3A_72 = arith.constant 0 : index
    %get3A_73 = arith.constant 0 : index
    %get3A_74 = vector.load %arg10[%get3A_72, %get3A_73] : memref<1x128xf32, #tpu.memory_space<vmem>>, vector<1x128xf32>
    %get3A_75 = arith.constant 0 : index
    %get3A_76 = arith.constant 0 : index
    %get3A_77 = vector.load %arg11[%get3A_75, %get3A_76] : memref<1x128xf32, #tpu.memory_space<vmem>>, vector<1x128xf32>
    %reduce_sum3A_78 = arith.constant dense<0.000000e+00> : vector<2000xf32>
    %reduce_sum3A_79 = vector.multi_reduction <add>, %add3A_71, %reduce_sum3A_78 [1] : vector<2000x128xf32> to vector<2000xf32>
    %broadcast_in_dim3A_80 = vector.shape_cast %reduce_sum3A_79 : vector<2000xf32> to vector<2000x1xf32>
    %div3A_81 = arith.constant 1.280000e+02 : f32
    %div3A_82 = vector.broadcast %div3A_81 : f32 to vector<2000x1xf32>
    %div3A_83 = arith.divf %broadcast_in_dim3A_80, %div3A_82 : vector<2000x1xf32>
    %sub3A_84 = vector.broadcast %div3A_83 : vector<2000x1xf32> to vector<2000x128xf32>
    %sub3A_85 = arith.subf %add3A_71, %sub3A_84 : vector<2000x128xf32>
    %mul3A_86 = arith.mulf %sub3A_85, %sub3A_85 : vector<2000x128xf32>
    %reduce_sum3A_87 = arith.constant dense<0.000000e+00> : vector<2000xf32>
    %reduce_sum3A_88 = vector.multi_reduction <add>, %mul3A_86, %reduce_sum3A_87 [1] : vector<2000x128xf32> to vector<2000xf32>
    %broadcast_in_dim3A_89 = vector.shape_cast %reduce_sum3A_88 : vector<2000xf32> to vector<2000x1xf32>
    %div3A_90 = arith.constant 1.280000e+02 : f32
    %div3A_91 = vector.broadcast %div3A_90 : f32 to vector<2000x1xf32>
    %div3A_92 = arith.divf %broadcast_in_dim3A_89, %div3A_91 : vector<2000x1xf32>
    %add3A_93 = arith.constant 9.99999974E-6 : f32
    %add3A_94 = vector.broadcast %add3A_93 : f32 to vector<2000x1xf32>
    %add3A_95 = arith.addf %div3A_92, %add3A_94 : vector<2000x1xf32>
    %rsqrt3A_96 = math.rsqrt %add3A_95 : vector<2000x1xf32>
    %mul3A_97 = vector.broadcast %rsqrt3A_96 : vector<2000x1xf32> to vector<2000x128xf32>
    %mul3A_98 = arith.mulf %sub3A_85, %mul3A_97 : vector<2000x128xf32>
    %mul3A_99 = vector.broadcast %get3A_74 : vector<1x128xf32> to vector<2000x128xf32>
    %mul3A_100 = arith.mulf %mul3A_98, %mul3A_99 : vector<2000x128xf32>
    %add3A_101 = vector.broadcast %get3A_77 : vector<1x128xf32> to vector<2000x128xf32>
    %add3A_102 = arith.addf %mul3A_100, %add3A_101 : vector<2000x128xf32>
    %mul3A_103 = arith.constant 5.000000e-01 : f32
    %mul3A_104 = vector.broadcast %mul3A_103 : f32 to vector<2000x128xf32>
    %mul3A_105 = arith.mulf %mul3A_104, %add3A_102 : vector<2000x128xf32>
    %mul3A_106 = arith.constant 0.707106769 : f32
    %mul3A_107 = vector.broadcast %mul3A_106 : f32 to vector<2000x128xf32>
    %mul3A_108 = arith.mulf %add3A_102, %mul3A_107 : vector<2000x128xf32>
    %erf3A_109 = math.erf %mul3A_108 : vector<2000x128xf32>
    %add3A_110 = arith.constant 1.000000e+00 : f32
    %add3A_111 = vector.broadcast %add3A_110 : f32 to vector<2000x128xf32>
    %add3A_112 = arith.addf %add3A_111, %erf3A_109 : vector<2000x128xf32>
    %mul3A_113 = arith.mulf %mul3A_105, %add3A_112 : vector<2000x128xf32>
    %swap3A = arith.constant 0 : index
    %swap3A_114 = arith.constant 0 : index
    %swap3A_115 = vector.load %arg12[%swap3A, %swap3A_114] : memref<2000x128xf32, #tpu.memory_space<vmem>>, vector<2000x128xf32>
    tpu.vector_store %arg12[%swap3A, %swap3A_114], %mul3A_113 {strides = array<i32>} : memref<2000x128xf32, #tpu.memory_space<vmem>>, vector<2000x128xf32>,
    return
  }
  func.func @transform_0(%arg0: i32) -> (i32, i32) {
    %c0_i32 = arith.constant 0 : i32
    %c0_i32_0 = arith.constant 0 : i32
    return %arg0, %c0_i32 : i32, i32
  }
  func.func @transform_1(%arg0: i32) -> (i32, i32, i32) {
    %c0_i32 = arith.constant 0 : i32
    %c0_i32_0 = arith.constant 0 : i32
    %c0_i32_1 = arith.constant 0 : i32
    return %c0_i32, %arg0, %c0_i32_0 : i32, i32, i32
  }
  func.func @transform_2(%arg0: i32) -> (i32, i32) {
    %c0_i32 = arith.constant 0 : i32
    %c0_i32_0 = arith.constant 0 : i32
    %c0_i32_1 = arith.constant 0 : i32
    return %c0_i32, %c0_i32_0 : i32, i32
  }
  func.func @transform_3(%arg0: i32) -> (i32, i32) {
    %c0_i32 = arith.constant 0 : i32
    %c0_i32_0 = arith.constant 0 : i32
    %c0_i32_1 = arith.constant 0 : i32
    return %c0_i32, %c0_i32_0 : i32, i32
  }
  func.func @transform_4(%arg0: i32) -> (i32, i32) {
    %c0_i32 = arith.constant 0 : i32
    %c0_i32_0 = arith.constant 0 : i32
    %c0_i32_1 = arith.constant 0 : i32
    return %c0_i32, %c0_i32_0 : i32, i32
  }
  func.func @transform_5(%arg0: i32) -> (i32, i32) {
    %c0_i32 = arith.constant 0 : i32
    %c0_i32_0 = arith.constant 0 : i32
    %c0_i32_1 = arith.constant 0 : i32
    return %c0_i32, %c0_i32_0 : i32, i32
  }
  func.func @transform_6(%arg0: i32) -> (i32, i32) {
    %c0_i32 = arith.constant 0 : i32
    %c0_i32_0 = arith.constant 0 : i32
    %c0_i32_1 = arith.constant 0 : i32
    return %c0_i32, %c0_i32_0 : i32, i32
  }
  func.func @transform_7(%arg0: i32) -> (i32, i32) {
    %c0_i32 = arith.constant 0 : i32
    %c0_i32_0 = arith.constant 0 : i32
    %c0_i32_1 = arith.constant 0 : i32
    return %c0_i32, %c0_i32_0 : i32, i32
  }
  func.func @transform_8(%arg0: i32) -> (i32, i32) {
    %c0_i32 = arith.constant 0 : i32
    %c0_i32_0 = arith.constant 0 : i32
    %c0_i32_1 = arith.constant 0 : i32
    return %c0_i32, %c0_i32_0 : i32, i32
  }
  func.func @transform_9(%arg0: i32) -> (i32, i32) {
    %c0_i32 = arith.constant 0 : i32
    %c0_i32_0 = arith.constant 0 : i32
    %c0_i32_1 = arith.constant 0 : i32
    return %c0_i32, %c0_i32_0 : i32, i32
  }
  func.func @transform_10(%arg0: i32) -> (i32, i32) {
    %c0_i32 = arith.constant 0 : i32
    %c0_i32_0 = arith.constant 0 : i32
    %c0_i32_1 = arith.constant 0 : i32
    return %c0_i32, %c0_i32_0 : i32, i32
  }
  func.func @transform_11(%arg0: i32) -> (i32, i32) {
    %c0_i32 = arith.constant 0 : i32
    %c0_i32_0 = arith.constant 0 : i32
    return %arg0, %c0_i32 : i32, i32
  }
}

</mosaic_0001>

<sc_bundles>
// kernel: kernel.12.cloned.1.call-start
scs
__scs_entry_jumppad:
0x0: {  	(pc) =	sbr.rel $0x88, $3  }
0x1: {  	(tag) =	ssettag $0x0;
	lr =	simm.s32 $0x1  }
0x2: {  	[smem:$0x3F8E] =	sst lr;
	_ =	strace $0xD0000000  }
0x3: {  	_ = 	snop  }
0x4: {  	_ = 	snop  }
0x5: {  	_ = 	snop  }
0x6: {  	_ = 	snop  }
0x7: {  	_ = 	snop  }
__scs_overlays_trampoline_lowered:
0x8: {  	[smem:$0x3F9D] =	sst s0  }
0x9: {  	[smem:$0x3F9E] =	sst s1  }
0xa: {  	[smem:$0x3F9F] =	sst s2  }
0xb: {  	[smem:$0x3FA0] =	sst s3  }
0xc: {  	[smem:$0x3FA1] =	sst s4  }
0xd: {  	[smem:$0x3FA2] =	sst s5  }
0xe: {  	[smem:$0x3FA3] =	sst s6  }
0xf: {  	[smem:$0x3FA4] =	sst s7  }
0x10: {  	[smem:$0x3FA5] =	sst s8  }
0x11: {  	[smem:$0x3FA6] =	sst s9;
	s0 =	simm.s32 @!p0 $0x0  }
0x12: {  	s1 =	sld [smem:$0x3F8C];
	s0 =	simm.s32 @p0 $0x1  }
0x13: {  	[smem:$0x3FA7] =	sst s0;
	s0 =	simm.s32 @!p1 $0x0  }
0x14: {  	s2 =	sld [smem:$0x3F8B];
	s0 =	simm.s32 @p1 $0x1  }
0x15: {  	[smem:$0x3FA8] =	sst s0;
	s0 =	simm.s32 @!p2 $0x0  }
0x16: {  	s3 =	sld [smem:$0x3FDB];
	s0 =	simm.s32 @p2 $0x1  }
0x17: {  	s4 =	simm.s32 $0x1BF5;
	[smem:$0x3FAA] =	sst s0  }
0x18: {  	s0 =	sld [smem:$0x3F8D];
	_ =	swait.ge [sflag:s4], $0x0  }
0x19: {  	s7 =	sld [smem:$0x3F8E]  }
0x1a: {  	s8 =	sadd.s32 $0xFFFFE003, lr  }
0x1b: {  	s9 =	sadd.s32 $0xFFFFFEF7, lr;
	s5 =	simm.s32 $0xFFFFFFFF;
	p2 =	slt.u32 s8, $0xFFFFF086  }
0x1c: {  	p1 =	slt.u32 s9, $0xF7A;
	s5 =	simm.s32 @!p2 $0x0  }
0x1d: {  	s5 =	simm.s32 @p1 $0x1;
	p0 =	seq.s32 s7, s2  }
0x1e: {  	s7 =	smul.u32 @!p0 $0xF7A, s2;
	p2 =	seq.s32 @!p0 s5, $0x0  }
0x1f: {  	s9 =	smul.u32 $0xF7A, s1;
	s8 =	simm.s32 @!p0 $0x1BF5;
	p2 =	por !p2, p0  }
0x20: {  	[sflag:s8] =	ssyncset.s32 @!p0 $0xFFFFF086;
	s6 =	sadd.s32 @!p0 s3, s7;
	s7 =	simm.s32 @!p0 $0x108  }
0x21: {  	s3 =	sadd.s32 s3, s9;
	s6 =	sadd.s32 @!p0 $0x88, s6;
	s7 =	simm.s32 @p2 $0x1082  }
0x22: {  	[simem:s7], [sflag:s8] =	dma.local @!p0 [hbm:s6], $0xF7A  }
0x23: {  	s9 =	sor.u32 $0xD0000000, s2;
	s6 =	simm.s32 $0x108;
	_ =	swait.ge @!p0 [sflag:s8], $0x0  }
0x24: {  	s3 =	sadd.s32 $0x88, s3;
	s6 =	simm.s32 @!p1 $0x1082;
	[sflag:s4] =	ssyncset.s32 $0xFFFFF086  }
0x25: {  	[simem:s6], [sflag:s4] =	dma.local [hbm:s3], $0xF7A  }
0x26: {  	[smem:$0x3F8E] =	sst s1;
	(tag) =	ssettag s2;
	_ =	strace s9  }
0x27: {  	s1 =	sld [smem:$0x3F9E]  }
0x28: {  	s2 =	sld [smem:$0x3F9F]  }
0x29: {  	s4 =	sld [smem:$0x3FA1]  }
0x2a: {  	p0 =	seq.s32 s5, $0x0;
	s5 =	sld [smem:$0x3FA2]  }
0x2b: {  	s6 =	sld [smem:$0x3FA3]  }
0x2c: {  	s7 =	sld [smem:$0x3FA4]  }
0x2d: {  	s3 =	simm.s32 $0x108;
	s8 =	sld [smem:$0x3FA5]  }
0x2e: {  	s3 =	simm.s32 @!p0 $0x1082;
	s9 =	sld [smem:$0x3FA6]  }
0x2f: {  	lr =	sadd.s32 s0, s3;
	s0 =	sld [smem:$0x3F9D]  }
0x30: {  	s3 =	sld [smem:$0x3FA0]  }
0x31: {  	[smem:$0x3FA9] =	sst s10  }
0x32: {  	s10 =	sld [smem:$0x3FA7];
	_ =	sdelay $0x3  }
0x33: {  	p0 =	seq.s32 s10, $0x1;
	s10 =	sld [smem:$0x3FA9];
	_ =	sdelay $0x3  }
0x34: {  	[smem:$0x3FA9] =	sst s10  }
0x35: {  	s10 =	sld [smem:$0x3FA8];
	_ =	sdelay $0x3  }
0x36: {  	p1 =	seq.s32 s10, $0x1;
	s10 =	sld [smem:$0x3FA9];
	_ =	sdelay $0x3  }
0x37: {  	[smem:$0x3FA9] =	sst s10  }
0x38: {  	s10 =	sld [smem:$0x3FAA]  }
0x39: {  	_ = 	snop;
	(pc) =	sbr.ind lr, $3  }
0x3a: {  	_ = 	snop  }
0x3b: {  	_ = 	snop  }
0x3c: {  	p2 =	seq.s32 s10, $0x1;
	s10 =	sld [smem:$0x3FA9]  }
0x3d: {  	_ =	shalt  }
0x3e: {  	_ =	shalt  }
0x3f: {  	_ =	shalt  }
0x40: {  	_ =	shalt  }
0x41: {  	_ =	shalt  }
0x42: {  	_ =	shalt  }
0x43: {  	_ =	shalt  }
0x44: {  	_ =	shalt  }
0x45: {  	_ =	shalt  }
0x46: {  	_ =	shalt  }
0x47: {  	_ =	shalt  }
0x48: {  	_ =	shalt  }
0x49: {  	_ =	shalt  }
0x4a: {  	_ =	shalt  }
0x4b: {  	_ =	shalt  }
0x4c: {  	_ =	shalt  }
0x4d: {  	_ =	shalt  }
0x4e: {  	_ =	shalt  }
0x4f: {  	_ =	shalt  }
0x50: {  	_ =	shalt  }
0x51: {  	_ =	shalt  }
0x52: {  	_ =	shalt  }
0x53: {  	_ =	shalt  }
0x54: {  	_ =	shalt  }
0x55: {  	_ =	shalt  }
0x56: {  	_ =	shalt  }
0x57: {  	_ =	shalt  }
0x58: {  	_ =	shalt  }
0x59: {  	_ =	shalt  }
0x5a: {  	_ =	shalt  }
0x5b: {  	_ =	shalt  }
0x5c: {  	_ =	shalt  }
0x5d: {  	_ =	shalt  }
0x5e: {  	_ =	shalt  }
0x5f: {  	_ =	shalt  }
0x60: {  	_ =	shalt  }
0x61: {  	_ =	shalt  }
0x62: {  	_ =	shalt  }
0x63: {  	_ =	shalt  }
0x64: {  	_ =	shalt  }
0x65: {  	_ =	shalt  }
0x66: {  	_ =	shalt  }
0x67: {  	_ =	shalt  }
0x68: {  	_ =	shalt  }
0x69: {  	_ =	shalt  }
0x6a: {  	_ =	shalt  }
0x6b: {  	_ =	shalt  }
0x6c: {  	_ =	shalt  }
0x6d: {  	_ =	shalt  }
0x6e: {  	_ =	shalt  }
0x6f: {  	_ =	shalt  }
0x70: {  	_ =	shalt  }
0x71: {  	_ =	shalt  }
0x72: {  	_ =	shalt  }
0x73: {  	_ =	shalt  }
0x74: {  	_ =	shalt  }
0x75: {  	_ =	shalt  }
0x76: {  	_ =	shalt  }
0x77: {  	_ =	shalt  }
0x78: {  	_ =	shalt  }
0x79: {  	_ =	shalt  }
0x7a: {  	_ =	shalt  }
0x7b: {  	_ =	shalt  }
0x7c: {  	_ =	shalt  }
0x7d: {  	_ =	shalt  }
0x7e: {  	_ =	shalt  }
0x7f: {  	_ =	shalt  }
0x80: {  	_ =	shalt  }
0x81: {  	_ =	shalt  }
0x82: {  	_ =	shalt  }
0x83: {  	_ =	shalt  }
0x84: {  	_ =	shalt  }
0x85: {  	_ =	shalt  }
0x86: {  	_ =	shalt  }
0x87: {  	_ =	shalt  }
.Lfunc_end0:
.L_simem_size_0:
called_computation_lowered:
.L_overlay_start_0:
0x88: {  	s2 =	sld [smem:$0x3FD9]  }
0x89: {  	s3 =	sld [smem:$0x3FFE];
	_ =	sdelay $0x1  }
0x8a: {  	s1 =	srdreg.scid  }
0x8b: {  	s0 =	sand.u32 $0x1, s1  }
0x8c: {  	s14 =	sshll.u32 s0, $0xA;
	s2 =	sadd.s32 s3, s2  }
0x8d: {  	s2 =	sadd.s32 s2, s14  }
0x8e: {  	[smem:$0x3FB5] =	sst s2  }
0x8f: {  	_ = 	snop  }
0x90: {  	s2 =	sld [smem:$0x3FD0];
	_ =	sdelay $0x2  }
0x91: {  	s4 =	simm.s32 $0xD;
	s5 =	simm.s32 $0x10;
	s15 =	sld [smem:$0x3FC9]  }
0x92: {  	[smem:s5], [sflag:s4] =	dma.local [hbm:s2], $0x1  }
0x93: {  	_ =	swait.eq [sflag:s4], $0x1  }
0x94: {  	[sflag:s4] =	ssyncset.done $0x0  }
0x95: {  	[sflag:s4] =	ssyncadd.s32 $0xFFFFFFFF  }
0x96: {  	s16 =	sld [smem:$0x10];
	(tm) =	ssettm $0x1  }
0x97: {  	s17 =	sld [smem:$0x3FFB];
	_ =	sdelay $0x3  }
0x98: {  	_ =	strace s17  }
0x99: {  	s4 =	sld [smem:$0x3FFC];
	_ =	sdelay $0x3  }
0x9a: {  	_ =	strace s4  }
0x9b: {  	s4 =	sld [smem:$0x3FFD];
	_ =	sdelay $0x3  }
0x9c: {  	_ =	strace s4  }
0x9d: {  	_ =	strace $0x8FFFFFFF  }
0x9e: {  	s18 =	sld [smem:$0x3FDB];
	_ =	sdelay $0x1  }
0x9f: {  	s19 =	simm.s32 $_scs_section_size  }
0xa0: {  	s6 =	simm.s32 $_size__tile_overlayer_lowered;
	s7 =	simm.s32 $_tile_overlayer_lowered  }
0xa1: {  	s22 =	simm.s32 $0x1BFF;
	s21 =	sshll.u32 s7, $0x1;
	s4 =	sadd.s32 s19, s18  }
0xa2: {  	s8 =	simm.s32 $0x0;
	s20 =	sshll.u32 s6, $0x1;
	s6 =	sadd.s32 s21, s4  }
0xa3: {  	[timem:s8], [sflag:s22] =	dma.local [hbm:s6], s20  }
0xa4: {  	_ =	swait.ge [sflag:s22], s20  }
0xa5: {  	s5 =	ssub.s32 $0x0, s20;
	[sflag:s22] =	ssyncset.done $0x0  }
0xa6: {  	[sflag:s22] =	ssyncadd.s32 s5;
	_ =	sdelay $0x1  }
0xa7: {  	s23 =	simm.s32 $0x1B8B  }
0xa8: {  	_ =	swait.ge [sflag:s23], $0x1  }
0xa9: {  	[sflag:s23] =	ssyncset.done $0x0  }
0xaa: {  	s25 =	simm.s32 $0x1B8E;
	s24 =	sld [smem:$0x3FFE];
	[sflag:s23] =	ssyncadd.s32 $0xFFFFFFFF  }
0xab: {  	s26 =	simm.s32 $execute0_lowered;
	[smem:$0x3FD2] =	sst s25  }
0xac: {  	s6 =	sshll.u32 s26, $0x1;
	_ =	strace $0x80000046;
	[dreg:$0x1] =	wrdreg $0xFFFFFFFF  }
0xad: {  	s28 =	simm.s32 $_size_execute0_lowered;
	s4 =	sadd.s32 s4, s6;
	[dreg:$0x0] =	wrdreg $0x0  }
0xae: {  	s6 =	sshll.u32 s28, $0x1;
	[dreg:$0x2] =	wrdreg s4  }
0xaf: {  	[dreg:$0x3] =	wrdreg s6  }
0xb0: {  	[dreg:$0x4] =	wrdreg $0xC0  }
0xb1: {  	_ =	task [dreg:s8], $0x5FFFF  }
0xb2: {  	[dreg:$0x1] =	wrdreg $0xFFFFFFFF  }
0xb3: {  	[dreg:$0x0] =	wrdreg $0x60  }
0xb4: {  	[dreg:$0x2] =	wrdreg s15  }
0xb5: {  	[dreg:$0x3] =	wrdreg s16  }
0xb6: {  	[dreg:$0x4] =	wrdreg s24  }
0xb7: {  	[dreg:$0x5] =	wrdreg $0x9  }
0xb8: {  	_ =	task.clear_ibuf [dreg:s8], $0x6FFFF;
	_ =	strace $0x90000046  }
0xb9: {  	s29 =	simm.s32 $0x9;
	_ =	strace $0x80000048  }
0xba: {  	_ =	swait.ge [sflag:s29], $0x1  }
0xbb: {  	[sflag:s29] =	ssyncadd.s32 $0xFFFFFFFF  }
0xbc: {  	_ =	strace $0x90000048  }
0xbd: {  	_ =	sfence  }
0xbe: {  	s30 =	sld [smem:$0x0];
	_ =	sdelay $0x2  }
0xbf: {  	s31 =	sshll.u32 s1, $0xD;
	s1 =	sshrl.u32 s1, $0x2  }
0xc0: {  	s3 =	sand.u32 $0x4000, s31;
	s1 =	sadd.s32 s1, s30  }
0xc1: {  	s0 =	sor.u32 s3, s0;
	s1 =	sshll.u32 s1, $0x11  }
0xc2: {  	s0 =	sor.u32 s1, s0  }
0xc3: {  	s0 =	sadd.s32 $0x8F2B, s0  }
0xc4: {  	[sflag:s0] =	ssyncadd.remote.s32 $0x1  }
0xc5: {  	_ =	sfence.sel $0xFFFF  }
0xc6: {  	[dreg:$0x0] =	wrdreg $0xFFFFFFFF;
	(pc) =	sbr.abs _section_cstart, $3  }
0xc7: {  	[dreg:$0x1] =	wrdreg $0xFFFFFFFF  }
0xc8: {  	_ =	task.clear_ibuf [dreg:s8], $0x2FFFF;
	_ =	strace $0x9FFFFFFF  }
0xc9: {  	(tm) =	ssettm $0x7FFFFFFF  }
tec
execute0_lowered:
.L_overlay_start_1:
0x0: {  	(tag) =	ssettag $0x1  }
0x1: {  	s1 =	rddreg [dreg:$0x0]  }
0x2: {  	s8 =	rddreg [dreg:$0x1]  }
0x3: {  	s4 =	rddreg [dreg:$0x2]  }
0x4: {  	s0 =	rddreg [dreg:$0x3]  }
0x5: {  	s5 =	srdreg.scid;
	s2 =	stileid.u32;
	s3 =	simm.s32 $0x0  }
0x6: {  	s12 =	simm.s32 $0x4100;
	s13 =	simm.s32 $0x1;
	s6 =	smul.u32 $0x1400, s2  }
0x7: {  	s14 =	simm.s32 $0x2;
	s5 =	sand.u32 $0x1, s5;
	s9 =	smul.u32 $0x14000, s2  }
0x8: {  	s15 =	simm.s32 $0x0;
	[smem:$0x7FF] =	sst s3;
	s7 =	smul.u32 $0xA00, s5  }
0x9: {  	_ =	strace $0x80000047;
	s28 =	ssub.s32 $0x2, s5;
	s5 =	smul.u32 $0xA000, s5  }
0xa: {  	s29 =	sadd.s32 s9, s4;
	s30 =	sshrl.u32 s28, $0x1;
	s6 =	sadd.s32 s7, s6  }
0xb: {  	s9 =	simm.s32 $0x3;
	s31 =	ssub.s32 s28, s30;
	s10 =	sshrl.u32 s6, $0x3  }
0xc: {  	s6 =	sadd.s32 s5, s29;
	s11 =	sadd.s32 s10, s4;
	s4 =	smax.u32 s31, $0x1  }
0xd: {  	s5 =	sadd.s32 $0x14FE00, s6;
	s6 =	sadd.s32 $0xFE00, s6;
	s8 =	sadd.s32 s10, s8  }
0xe: {  	s10 =	simm.s32 $0x80;
	s7 =	sadd.s32 $0x5E00, s11;
	s11 =	simm.s32 $0x100  }
.LBB2_1:
0xf: {  	s16 =	sadd.s32 $0x0, s8  }
0x10: {  	[tilespmem:s3], [sflag:$0x3] =	stream.linear.gather [hbm4b:s16+s3], $0x80, $0x38;
	[tilespmem:$0x8100] =	vst v63  }
0x11: {  	_ =	swait.ge [sflag:s9], $0x80  }
0x12: {  	[sflag:s9] =	ssyncset.done $0x0  }
0x13: {  	s31 =	sadd.s32 $0x0, s7;
	[sflag:s9] =	ssyncadd.s32 $0xFFFFFF80  }
0x14: {  	[tilespmem:s10], [sflag:$0x3] =	stream.linear.gather [hbm4b:s31+s3], $0x80, $0x38;
	[tilespmem:$0x8100] =	vst v63  }
0x15: {  	_ =	swait.ge [sflag:s9], $0x80  }
0x16: {  	[sflag:s9] =	ssyncset.done $0x0  }
0x17: {  	[sflag:s9] =	ssyncadd.s32 $0xFFFFFF80  }
0x18: {  	[tilespmem:s11], [sflag:$0x1] =	stream.indirect.gather [hbm4b:s1+s10], $0x80, s3, s10, $0xb8;
	[tilespmem:$0x8100] =	vst v63  }
0x19: {  	_ = 	snop  }
0x1a: {  	[tilespmem:s12], [sflag:$0x2] =	stream.indirect.gather [hbm4b:s1+s10], $0x80, s10, s10, $0xb8;
	[tilespmem:$0x8100] =	vst v63  }
0x1b: {  	_ =	swait.ge [sflag:s13], $0x4000  }
0x1c: {  	[sflag:s13] =	ssyncset.done $0x0  }
0x1d: {  	[sflag:s13] =	ssyncadd.s32 $0xFFFFC000  }
0x1e: {  	[hbm4b:s6+s3] =	stream.linear.scatter [tilespmem:s11], [sflag:$0x3], $0x4000, $0x38;
	[tilespmem:$0x8100] =	vst v63  }
0x1f: {  	_ =	swait.ge [sflag:s9], $0x4000  }
0x20: {  	[sflag:s9] =	ssyncset.done $0x0  }
0x21: {  	[sflag:s9] =	ssyncadd.s32 $0xFFFFC000  }
0x22: {  	_ =	swait.ge [sflag:s14], $0x4000  }
0x23: {  	[sflag:s14] =	ssyncset.done $0x0  }
0x24: {  	[sflag:s14] =	ssyncadd.s32 $0xFFFFC000  }
0x25: {  	[hbm4b:s5+s3] =	stream.linear.scatter [tilespmem:s12], [sflag:$0x3], $0x4000, $0x38;
	[tilespmem:$0x8100] =	vst v63  }
0x26: {  	s18 =	simm.s32 $0x10;
	s19 =	simm.s32 $0x20;
	_ =	swait.ge [sflag:s9], $0x4000  }
0x27: {  	s17 =	sadd.s32 $0x800, s6;
	s16 =	sadd.s32 $0x800, s5;
	[sflag:s9] =	ssyncset.done $0x0  }
.LBB2_2:
0x28: {  	s20 =	sadd.s32 s18, s8  }
0x29: {  	[sflag:s9] =	ssyncadd.s32 $0xFFFFC000;
	s21 =	smov.u32 s19;
	s22 =	sadd.s32 $0x10, s19  }
0x2a: {  	[tilespmem:s3], [sflag:$0x3] =	stream.linear.gather [hbm4b:s20+s3], $0x80, $0x38;
	[tilespmem:$0x8100] =	vst v63  }
0x2b: {  	p0 =	sne.s32 s19, $0x130;
	_ =	swait.ge [sflag:s9], $0x80  }
0x2c: {  	[sflag:s9] =	ssyncset.done $0x0  }
0x2d: {  	s19 =	sadd.s32 s18, s7;
	s18 =	smov.u32 s21;
	[sflag:s9] =	ssyncadd.s32 $0xFFFFFF80  }
0x2e: {  	[tilespmem:s10], [sflag:$0x3] =	stream.linear.gather [hbm4b:s19+s3], $0x80, $0x38;
	[tilespmem:$0x8100] =	vst v63  }
0x2f: {  	_ =	swait.ge [sflag:s9], $0x80  }
0x30: {  	[sflag:s9] =	ssyncset.done $0x0  }
0x31: {  	[sflag:s9] =	ssyncadd.s32 $0xFFFFFF80  }
0x32: {  	[tilespmem:s11], [sflag:$0x1] =	stream.indirect.gather [hbm4b:s1+s10], $0x80, s3, s10, $0xb8;
	[tilespmem:$0x8100] =	vst v63  }
0x33: {  	_ = 	snop  }
0x34: {  	[tilespmem:s12], [sflag:$0x2] =	stream.indirect.gather [hbm4b:s1+s10], $0x80, s10, s10, $0xb8;
	[tilespmem:$0x8100] =	vst v63  }
0x35: {  	_ =	swait.ge [sflag:s13], $0x4000  }
0x36: {  	[sflag:s13] =	ssyncset.done $0x0  }
0x37: {  	[sflag:s13] =	ssyncadd.s32 $0xFFFFC000  }
0x38: {  	[hbm4b:s17+s3] =	stream.linear.scatter [tilespmem:s11], [sflag:$0x3], $0x4000, $0x38;
	[tilespmem:$0x8100] =	vst v63  }
0x39: {  	_ =	swait.ge [sflag:s9], $0x4000  }
0x3a: {  	[sflag:s9] =	ssyncset.done $0x0  }
0x3b: {  	[sflag:s9] =	ssyncadd.s32 $0xFFFFC000  }
0x3c: {  	_ =	swait.ge [sflag:s14], $0x4000  }
.Ltmp0:
0x3d: {  	[sflag:s14] =	ssyncset.done $0x0;
	(pc) =	sbr.rel @p0 .LBB2_2-.Ltmp0, $4  }
0x3e: {  	[sflag:s14] =	ssyncadd.s32 $0xFFFFC000  }
0x3f: {  	[hbm4b:s16+s3] =	stream.linear.scatter [tilespmem:s12], [sflag:$0x3], $0x4000, $0x38;
	[tilespmem:$0x8100] =	vst v63  }
0x40: {  	s19 =	smov.u32 s22;
	_ =	swait.ge [sflag:s9], $0x4000  }
0x41: {  	s17 =	sadd.s32 $0x800, s17;
	s16 =	sadd.s32 $0x800, s16;
	[sflag:s9] =	ssyncset.done $0x0  }
0x42: {  	s19 =	sadd.s32 s18, s8;
	[sflag:s9] =	ssyncadd.s32 $0xFFFFC000  }
0x43: {  	[tilespmem:s3], [sflag:$0x3] =	stream.linear.gather [hbm4b:s19+s3], $0x80, $0x38;
	[tilespmem:$0x8100] =	vst v63  }
0x44: {  	_ =	swait.ge [sflag:s9], $0x80  }
0x45: {  	[sflag:s9] =	ssyncset.done $0x0  }
0x46: {  	s31 =	sadd.s32 s18, s7;
	[sflag:s9] =	ssyncadd.s32 $0xFFFFFF80  }
0x47: {  	[tilespmem:s10], [sflag:$0x3] =	stream.linear.gather [hbm4b:s31+s3], $0x80, $0x38;
	[tilespmem:$0x8100] =	vst v63  }
0x48: {  	_ =	swait.ge [sflag:s9], $0x80  }
0x49: {  	[sflag:s9] =	ssyncset.done $0x0  }
0x4a: {  	[sflag:s9] =	ssyncadd.s32 $0xFFFFFF80  }
0x4b: {  	[tilespmem:s11], [sflag:$0x1] =	stream.indirect.gather [hbm4b:s1+s10], $0x80, s3, s10, $0xb8;
	[tilespmem:$0x8100] =	vst v63  }
0x4c: {  	_ = 	snop  }
0x4d: {  	[tilespmem:s12], [sflag:$0x2] =	stream.indirect.gather [hbm4b:s1+s10], $0x80, s10, s10, $0xb8;
	[tilespmem:$0x8100] =	vst v63  }
0x4e: {  	_ =	swait.ge [sflag:s13], $0x4000  }
0x4f: {  	[sflag:s13] =	ssyncset.done $0x0  }
0x50: {  	[sflag:s13] =	ssyncadd.s32 $0xFFFFC000  }
0x51: {  	[hbm4b:s17+s3] =	stream.linear.scatter [tilespmem:s11], [sflag:$0x3], $0x4000, $0x38;
	[tilespmem:$0x8100] =	vst v63  }
0x52: {  	_ =	swait.ge [sflag:s9], $0x4000  }
0x53: {  	[sflag:s9] =	ssyncset.done $0x0  }
0x54: {  	[sflag:s9] =	ssyncadd.s32 $0xFFFFC000  }
0x55: {  	s15 =	sadd.s32 $0x1, s15;
	_ =	swait.ge [sflag:s14], $0x4000  }
0x56: {  	p0 =	sne.s32 s15, s4;
	[sflag:s14] =	ssyncset.done $0x0  }
.Ltmp1:
0x57: {  	[sflag:s14] =	ssyncadd.s32 $0xFFFFC000;
	(pc) =	sbr.rel @p0 .LBB2_1-.Ltmp1, $4  }
0x58: {  	[hbm4b:s16+s3] =	stream.linear.scatter [tilespmem:s12], [sflag:$0x3], $0x4000, $0x38;
	[tilespmem:$0x8100] =	vst v63  }
0x59: {  	_ =	swait.ge [sflag:s9], $0x4000  }
0x5a: {  	[sflag:s9] =	ssyncset.done $0x0  }
0x5b: {  	[sflag:s9] =	ssyncadd.s32 $0xFFFFC000  }
0x5c: {  	_ =	sfence.sel $0x180000  }
0x5d: {  	[bflag:$0x0] =	sbarrier.arrive $0xFFFF  }
0x5e: {  	p0 =	sne.s32 s2, $0x0;
	_ =	strace $0x90000047  }
0x5f: {  	s0 =	sadd.s32 @!p0 $0x100000, s0;
	[bflag:$0x2] =	sbarrier.arrive $0xFFFF  }
0x60: {  	[sflag:s0] =	ssyncadd.tile.s32 @!p0 $0x1;
	_ =	shalt  }
.Lfunc_end2:
_tile_overlayer_lowered:
.L_overlay_start_2:
0x61: {  	(tag) =	ssettag $0x2  }
0x62: {  	s0 =	rddreg [dreg:$0x0];
	s2 =	stileid.u32  }
0x63: {  	s1 =	rddreg [dreg:$0x1];
	p0 =	sne.s32 s2, $0x0  }
0x64: {  	s3 =	rddreg [dreg:$0x2];
	[bflag:$0x3] =	sbarrier.arrive $0xFFFF;
	s2 =	simm.s32 @!p0 $0x1C03  }
0x65: {  	[timem:s3], [sflag:s2] =	dma.local @!p0 [hbm:s0], s1  }
0x66: {  	s0 =	simm.s32 @!p0 $0x3  }
0x67: {  	_ =	swait.ge @!p0 [sflag:s0], s1  }
0x68: {  	s1 =	ssub.s32 @!p0 $0x0, s1;
	[sflag:s0] =	ssyncset.done @!p0 $0x0  }
0x69: {  	[sflag:s0] =	ssyncadd.s32 @!p0 s1  }
0x6a: {  	[bflag:$0x3] =	sbarrier.arrive $0xFFFF  }
0x6b: {  	_ =	shalt  }

// kernel: kernel.15.cloned.1.call-start
scs
__scs_entry_jumppad:
0x0: {  	(pc) =	sbr.rel $0x88, $3  }
0x1: {  	(tag) =	ssettag $0x0;
	lr =	simm.s32 $0x1  }
0x2: {  	[smem:$0x3F8E] =	sst lr;
	_ =	strace $0xD0000000  }
0x3: {  	_ = 	snop  }
0x4: {  	_ = 	snop  }
0x5: {  	_ = 	snop  }
0x6: {  	_ = 	snop  }
0x7: {  	_ = 	snop  }
__scs_overlays_trampoline_lowered:
0x8: {  	[smem:$0x3F9D] =	sst s0  }
0x9: {  	[smem:$0x3F9E] =	sst s1  }
0xa: {  	[smem:$0x3F9F] =	sst s2  }
0xb: {  	[smem:$0x3FA0] =	sst s3  }
0xc: {  	[smem:$0x3FA1] =	sst s4  }
0xd: {  	[smem:$0x3FA2] =	sst s5  }
0xe: {  	[smem:$0x3FA3] =	sst s6  }
0xf: {  	[smem:$0x3FA4] =	sst s7  }
0x10: {  	[smem:$0x3FA5] =	sst s8  }
0x11: {  	[smem:$0x3FA6] =	sst s9;
	s0 =	simm.s32 @!p0 $0x0  }
0x12: {  	s1 =	sld [smem:$0x3F8C];
	s0 =	simm.s32 @p0 $0x1  }
0x13: {  	[smem:$0x3FA7] =	sst s0;
	s0 =	simm.s32 @!p1 $0x0  }
0x14: {  	s2 =	sld [smem:$0x3F8B];
	s0 =	simm.s32 @p1 $0x1  }
0x15: {  	[smem:$0x3FA8] =	sst s0;
	s0 =	simm.s32 @!p2 $0x0  }
0x16: {  	s3 =	sld [smem:$0x3FDB];
	s0 =	simm.s32 @p2 $0x1  }
0x17: {  	s4 =	simm.s32 $0x1BF5;
	[smem:$0x3FAA] =	sst s0  }
0x18: {  	s0 =	sld [smem:$0x3F8D];
	_ =	swait.ge [sflag:s4], $0x0  }
0x19: {  	s7 =	sld [smem:$0x3F8E]  }
0x1a: {  	s8 =	sadd.s32 $0xFFFFE003, lr  }
0x1b: {  	s9 =	sadd.s32 $0xFFFFFEF7, lr;
	s5 =	simm.s32 $0xFFFFFFFF;
	p2 =	slt.u32 s8, $0xFFFFF086  }
0x1c: {  	p1 =	slt.u32 s9, $0xF7A;
	s5 =	simm.s32 @!p2 $0x0  }
0x1d: {  	s5 =	simm.s32 @p1 $0x1;
	p0 =	seq.s32 s7, s2  }
0x1e: {  	s7 =	smul.u32 @!p0 $0xF7A, s2;
	p2 =	seq.s32 @!p0 s5, $0x0  }
0x1f: {  	s9 =	smul.u32 $0xF7A, s1;
	s8 =	simm.s32 @!p0 $0x1BF5;
	p2 =	por !p2, p0  }
0x20: {  	[sflag:s8] =	ssyncset.s32 @!p0 $0xFFFFF086;
	s6 =	sadd.s32 @!p0 s3, s7;
	s7 =	simm.s32 @!p0 $0x108  }
0x21: {  	s3 =	sadd.s32 s3, s9;
	s6 =	sadd.s32 @!p0 $0x88, s6;
	s7 =	simm.s32 @p2 $0x1082  }
0x22: {  	[simem:s7], [sflag:s8] =	dma.local @!p0 [hbm:s6], $0xF7A  }
0x23: {  	s9 =	sor.u32 $0xD0000000, s2;
	s6 =	simm.s32 $0x108;
	_ =	swait.ge @!p0 [sflag:s8], $0x0  }
0x24: {  	s3 =	sadd.s32 $0x88, s3;
	s6 =	simm.s32 @!p1 $0x1082;
	[sflag:s4] =	ssyncset.s32 $0xFFFFF086  }
0x25: {  	[simem:s6], [sflag:s4] =	dma.local [hbm:s3], $0xF7A  }
0x26: {  	[smem:$0x3F8E] =	sst s1;
	(tag) =	ssettag s2;
	_ =	strace s9  }
0x27: {  	s1 =	sld [smem:$0x3F9E]  }
0x28: {  	s2 =	sld [smem:$0x3F9F]  }
0x29: {  	s4 =	sld [smem:$0x3FA1]  }
0x2a: {  	p0 =	seq.s32 s5, $0x0;
	s5 =	sld [smem:$0x3FA2]  }
0x2b: {  	s6 =	sld [smem:$0x3FA3]  }
0x2c: {  	s7 =	sld [smem:$0x3FA4]  }
0x2d: {  	s3 =	simm.s32 $0x108;
	s8 =	sld [smem:$0x3FA5]  }
0x2e: {  	s3 =	simm.s32 @!p0 $0x1082;
	s9 =	sld [smem:$0x3FA6]  }
0x2f: {  	lr =	sadd.s32 s0, s3;
	s0 =	sld [smem:$0x3F9D]  }
0x30: {  	s3 =	sld [smem:$0x3FA0]  }
0x31: {  	[smem:$0x3FA9] =	sst s10  }
0x32: {  	s10 =	sld [smem:$0x3FA7];
	_ =	sdelay $0x3  }
0x33: {  	p0 =	seq.s32 s10, $0x1;
	s10 =	sld [smem:$0x3FA9];
	_ =	sdelay $0x3  }
0x34: {  	[smem:$0x3FA9] =	sst s10  }
0x35: {  	s10 =	sld [smem:$0x3FA8];
	_ =	sdelay $0x3  }
0x36: {  	p1 =	seq.s32 s10, $0x1;
	s10 =	sld [smem:$0x3FA9];
	_ =	sdelay $0x3  }
0x37: {  	[smem:$0x3FA9] =	sst s10  }
0x38: {  	s10 =	sld [smem:$0x3FAA]  }
0x39: {  	_ = 	snop;
	(pc) =	sbr.ind lr, $3  }
0x3a: {  	_ = 	snop  }
0x3b: {  	_ = 	snop  }
0x3c: {  	p2 =	seq.s32 s10, $0x1;
	s10 =	sld [smem:$0x3FA9]  }
0x3d: {  	_ =	shalt  }
0x3e: {  	_ =	shalt  }
0x3f: {  	_ =	shalt  }
0x40: {  	_ =	shalt  }
0x41: {  	_ =	shalt  }
0x42: {  	_ =	shalt  }
0x43: {  	_ =	shalt  }
0x44: {  	_ =	shalt  }
0x45: {  	_ =	shalt  }
0x46: {  	_ =	shalt  }
0x47: {  	_ =	shalt  }
0x48: {  	_ =	shalt  }
0x49: {  	_ =	shalt  }
0x4a: {  	_ =	shalt  }
0x4b: {  	_ =	shalt  }
0x4c: {  	_ =	shalt  }
0x4d: {  	_ =	shalt  }
0x4e: {  	_ =	shalt  }
0x4f: {  	_ =	shalt  }
0x50: {  	_ =	shalt  }
0x51: {  	_ =	shalt  }
0x52: {  	_ =	shalt  }
0x53: {  	_ =	shalt  }
0x54: {  	_ =	shalt  }
0x55: {  	_ =	shalt  }
0x56: {  	_ =	shalt  }
0x57: {  	_ =	shalt  }
0x58: {  	_ =	shalt  }
0x59: {  	_ =	shalt  }
0x5a: {  	_ =	shalt  }
0x5b: {  	_ =	shalt  }
0x5c: {  	_ =	shalt  }
0x5d: {  	_ =	shalt  }
0x5e: {  	_ =	shalt  }
0x5f: {  	_ =	shalt  }
0x60: {  	_ =	shalt  }
0x61: {  	_ =	shalt  }
0x62: {  	_ =	shalt  }
0x63: {  	_ =	shalt  }
0x64: {  	_ =	shalt  }
0x65: {  	_ =	shalt  }
0x66: {  	_ =	shalt  }
0x67: {  	_ =	shalt  }
0x68: {  	_ =	shalt  }
0x69: {  	_ =	shalt  }
0x6a: {  	_ =	shalt  }
0x6b: {  	_ =	shalt  }
0x6c: {  	_ =	shalt  }
0x6d: {  	_ =	shalt  }
0x6e: {  	_ =	shalt  }
0x6f: {  	_ =	shalt  }
0x70: {  	_ =	shalt  }
0x71: {  	_ =	shalt  }
0x72: {  	_ =	shalt  }
0x73: {  	_ =	shalt  }
0x74: {  	_ =	shalt  }
0x75: {  	_ =	shalt  }
0x76: {  	_ =	shalt  }
0x77: {  	_ =	shalt  }
0x78: {  	_ =	shalt  }
0x79: {  	_ =	shalt  }
0x7a: {  	_ =	shalt  }
0x7b: {  	_ =	shalt  }
0x7c: {  	_ =	shalt  }
0x7d: {  	_ =	shalt  }
0x7e: {  	_ =	shalt  }
0x7f: {  	_ =	shalt  }
0x80: {  	_ =	shalt  }
0x81: {  	_ =	shalt  }
0x82: {  	_ =	shalt  }
0x83: {  	_ =	shalt  }
0x84: {  	_ =	shalt  }
0x85: {  	_ =	shalt  }
0x86: {  	_ =	shalt  }
0x87: {  	_ =	shalt  }
.Lfunc_end0:
.L_simem_size_0:
called_computation.1_lowered:
.L_overlay_start_0:
0x88: {  	s2 =	sld [smem:$0x3FD9]  }
0x89: {  	s3 =	sld [smem:$0x3FFE];
	_ =	sdelay $0x1  }
0x8a: {  	s1 =	srdreg.scid  }
0x8b: {  	s0 =	sand.u32 $0x1, s1  }
0x8c: {  	s15 =	sshll.u32 s0, $0xA;
	s2 =	sadd.s32 s3, s2  }
0x8d: {  	s2 =	sadd.s32 s2, s15  }
0x8e: {  	[smem:$0x3FB5] =	sst s2  }
0x8f: {  	_ = 	snop  }
0x90: {  	s16 =	sld [smem:$0x3FD0];
	_ =	sdelay $0x2  }
0x91: {  	s4 =	simm.s32 $0xD;
	s5 =	simm.s32 $0x10;
	s2 =	sld [smem:$0x3FC9]  }
0x92: {  	[smem:s5], [sflag:s4] =	dma.local [hbm:s16], $0x1  }
0x93: {  	_ =	swait.eq [sflag:s4], $0x1  }
0x94: {  	[sflag:s4] =	ssyncset.done $0x0  }
0x95: {  	[sflag:s4] =	ssyncadd.s32 $0xFFFFFFFF  }
0x96: {  	s17 =	sld [smem:$0x10];
	(tm) =	ssettm $0x1  }
0x97: {  	s18 =	sld [smem:$0x3FFB];
	_ =	sdelay $0x3  }
0x98: {  	_ =	strace s18  }
0x99: {  	s3 =	sld [smem:$0x3FFC];
	_ =	sdelay $0x3  }
0x9a: {  	_ =	strace s3  }
0x9b: {  	s3 =	sld [smem:$0x3FFD];
	_ =	sdelay $0x3  }
0x9c: {  	_ =	strace s3  }
0x9d: {  	_ =	strace $0x8FFFFFFF  }
0x9e: {  	s19 =	sld [smem:$0x3FDB];
	_ =	sdelay $0x1  }
0x9f: {  	s20 =	simm.s32 $_scs_section_size  }
0xa0: {  	s6 =	simm.s32 $_size__tile_overlayer_lowered;
	s7 =	simm.s32 $_tile_overlayer_lowered  }
0xa1: {  	s8 =	simm.s32 $0x1BFF;
	s21 =	sshll.u32 s7, $0x1;
	s5 =	sadd.s32 s20, s19  }
0xa2: {  	s22 =	simm.s32 $0x0;
	s6 =	sshll.u32 s6, $0x1;
	s7 =	sadd.s32 s21, s5  }
0xa3: {  	[timem:s22], [sflag:s8] =	dma.local [hbm:s7], s6  }
0xa4: {  	_ =	swait.ge [sflag:s8], s6  }
0xa5: {  	s6 =	ssub.s32 $0x0, s6;
	[sflag:s8] =	ssyncset.done $0x0  }
0xa6: {  	[sflag:s8] =	ssyncadd.s32 s6;
	_ =	sdelay $0x1  }
0xa7: {  	s23 =	simm.s32 $0x1B8B  }
0xa8: {  	_ =	swait.ge [sflag:s23], $0x1  }
0xa9: {  	[sflag:s23] =	ssyncset.done $0x0  }
0xaa: {  	[sflag:s23] =	ssyncadd.s32 $0xFFFFFFFF  }
0xab: {  	s6 =	sld [smem:$0x0]  }
0xac: {  	s7 =	sand.u32 $0xFFFFFFFE, s1  }
0xad: {  	p0 =	sne.s32 s1, s7  }
0xae: {  	s7 =	sshll.u32 @p0 s7, $0xE  }
0xaf: {  	s7 =	sadd.s32 @p0 $0x11B8D, s7;
	s8 =	sshll.u32 @p0 s6, $0x11  }
0xb0: {  	s7 =	sor.u32 @p0 s8, s7  }
0xb1: {  	[sflag:s7] =	ssyncadd.remote.s32 @p0 $0x1;
	_ =	sdelay $0x1  }
0xb2: {  	s7 =	simm.s32 @p0 $0x1B8D  }
0xb3: {  	_ =	swait.eq @p0 [sflag:s7], $0x1  }
0xb4: {  	[sflag:s7] =	ssyncadd.s32 @p0 $0xFFFFFFFF  }
0xb5: {  	s8 =	sshll.u32 @!p0 s1, $0xE  }
0xb6: {  	s8 =	sor.u32 @!p0 $0x4000, s8;
	s7 =	simm.s32 @!p0 $0x1B8D  }
0xb7: {  	s6 =	sshll.u32 @!p0 s6, $0x11;
	s8 =	sadd.s32 @!p0 $0x11B8D, s8;
	_ =	swait.eq @!p0 [sflag:s7], $0x1  }
0xb8: {  	s6 =	sor.u32 @!p0 s6, s8;
	[sflag:s7] =	ssyncadd.s32 @!p0 $0xFFFFFFFF  }
0xb9: {  	s25 =	simm.s32 $0x1B8E;
	s24 =	sld [smem:$0x3FFE];
	[sflag:s6] =	ssyncadd.remote.s32 @!p0 $0x1  }
0xba: {  	s26 =	simm.s32 $execute0_lowered;
	[smem:$0x3FD2] =	sst s25  }
0xbb: {  	s7 =	sshll.u32 s26, $0x1;
	_ =	strace $0x80000049;
	[dreg:$0x1] =	wrdreg $0xFFFFFFFF  }
0xbc: {  	s28 =	simm.s32 $_size_execute0_lowered;
	s5 =	sadd.s32 s5, s7;
	[dreg:$0x0] =	wrdreg $0x0  }
0xbd: {  	s7 =	sshll.u32 s28, $0x1;
	[dreg:$0x2] =	wrdreg s5  }
0xbe: {  	[dreg:$0x3] =	wrdreg s7  }
0xbf: {  	[dreg:$0x4] =	wrdreg $0xC0  }
0xc0: {  	_ =	task [dreg:s22], $0x5FFFF  }
0xc1: {  	[dreg:$0x1] =	wrdreg $0xFFFFFFFF  }
0xc2: {  	[dreg:$0x0] =	wrdreg $0x60  }
0xc3: {  	[dreg:$0x2] =	wrdreg s2  }
0xc4: {  	[dreg:$0x3] =	wrdreg s17  }
0xc5: {  	[dreg:$0x4] =	wrdreg s24  }
0xc6: {  	[dreg:$0x5] =	wrdreg $0xA  }
0xc7: {  	_ =	task.clear_ibuf [dreg:s22], $0x6FFFF;
	_ =	strace $0x90000049  }
0xc8: {  	s29 =	simm.s32 $0xA;
	_ =	strace $0x8000004B  }
0xc9: {  	_ =	swait.ge [sflag:s29], $0x1  }
0xca: {  	[sflag:s29] =	ssyncadd.s32 $0xFFFFFFFF  }
0xcb: {  	_ =	strace $0x9000004B  }
0xcc: {  	_ =	sfence  }
0xcd: {  	s30 =	sld [smem:$0x0];
	_ =	sdelay $0x2  }
0xce: {  	s31 =	sshll.u32 s1, $0xD;
	s1 =	sshrl.u32 s1, $0x2  }
0xcf: {  	s4 =	sand.u32 $0x4000, s31;
	s1 =	sadd.s32 s1, s30  }
0xd0: {  	s0 =	sor.u32 s4, s0;
	s1 =	sshll.u32 s1, $0x11  }
0xd1: {  	s0 =	sor.u32 s1, s0  }
0xd2: {  	s0 =	sadd.s32 $0x8F2B, s0  }
0xd3: {  	[sflag:s0] =	ssyncadd.remote.s32 $0x1  }
0xd4: {  	_ =	sfence.sel $0xFFFF  }
0xd5: {  	[dreg:$0x0] =	wrdreg $0xFFFFFFFF;
	(pc) =	sbr.abs _section_cstart, $3  }
0xd6: {  	[dreg:$0x1] =	wrdreg $0xFFFFFFFF  }
0xd7: {  	_ =	task.clear_ibuf [dreg:s22], $0x2FFFF;
	_ =	strace $0x9FFFFFFF  }
0xd8: {  	(tm) =	ssettm $0x7FFFFFFF  }
0xd9: {  	_ =	shalt  }
tec
execute0_lowered:
.L_overlay_start_1:
0x0: {  	(tag) =	ssettag $0x1  }
0x1: {  	s1 =	rddreg [dreg:$0x0]  }
0x2: {  	s8 =	rddreg [dreg:$0x1];
	s2 =	srdreg.scid  }
0x3: {  	s0 =	stileid.u32;
	s4 =	rddreg [dreg:$0x2]  }
0x4: {  	s3 =	simm.s32 $0x0;
	s12 =	simm.s32 $0x4100;
	s13 =	simm.s32 $0x1  }
0x5: {  	s14 =	simm.s32 $0x2;
	s5 =	sand.u32 $0x1, s2;
	s6 =	smul.u32 $0x1400, s0  }
0x6: {  	s15 =	simm.s32 $0x0;
	[smem:$0x7FF] =	sst s3;
	s7 =	smul.u32 $0xA00, s5  }
0x7: {  	s2 =	rddreg [dreg:$0x3];
	s28 =	smul.u32 $0x14000, s0;
	_ =	strace $0x8000004A  }
0x8: {  	s9 =	ssub.s32 $0x2, s5;
	s5 =	smul.u32 $0xA000, s5;
	s6 =	sadd.s32 s7, s6  }
0x9: {  	s29 =	sadd.s32 s28, s4;
	s30 =	sshrl.u32 s9, $0x1;
	s6 =	sadd.s32 $0x14000, s6  }
0xa: {  	s31 =	ssub.s32 s9, s30;
	s9 =	simm.s32 $0x3;
	s10 =	sshrl.u32 s6, $0x3  }
0xb: {  	s6 =	sadd.s32 s5, s29;
	s11 =	sadd.s32 s10, s4;
	s4 =	smax.u32 s31, $0x1  }
0xc: {  	s5 =	sadd.s32 $0x3CFE00, s6;
	s6 =	sadd.s32 $0x28FE00, s6;
	s8 =	sadd.s32 s10, s8  }
0xd: {  	s10 =	simm.s32 $0x80;
	s7 =	sadd.s32 $0x5E00, s11;
	s11 =	simm.s32 $0x100  }
.LBB2_1:
0xe: {  	s16 =	sadd.s32 $0x0, s8  }
0xf: {  	[tilespmem:s3], [sflag:$0x3] =	stream.linear.gather [hbm4b:s16+s3], $0x80, $0x38;
	[tilespmem:$0x8100] =	vst v63  }
0x10: {  	_ =	swait.ge [sflag:s9], $0x80  }
0x11: {  	[sflag:s9] =	ssyncset.done $0x0  }
0x12: {  	s31 =	sadd.s32 $0x0, s7;
	[sflag:s9] =	ssyncadd.s32 $0xFFFFFF80  }
0x13: {  	[tilespmem:s10], [sflag:$0x3] =	stream.linear.gather [hbm4b:s31+s3], $0x80, $0x38;
	[tilespmem:$0x8100] =	vst v63  }
0x14: {  	_ =	swait.ge [sflag:s9], $0x80  }
0x15: {  	[sflag:s9] =	ssyncset.done $0x0  }
0x16: {  	[sflag:s9] =	ssyncadd.s32 $0xFFFFFF80  }
0x17: {  	[tilespmem:s11], [sflag:$0x1] =	stream.indirect.gather [hbm4b:s1+s10], $0x80, s3, s10, $0xb8;
	[tilespmem:$0x8100] =	vst v63  }
0x18: {  	_ = 	snop  }
0x19: {  	[tilespmem:s12], [sflag:$0x2] =	stream.indirect.gather [hbm4b:s1+s10], $0x80, s10, s10, $0xb8;
	[tilespmem:$0x8100] =	vst v63  }
0x1a: {  	_ =	swait.ge [sflag:s13], $0x4000  }
0x1b: {  	[sflag:s13] =	ssyncset.done $0x0  }
0x1c: {  	[sflag:s13] =	ssyncadd.s32 $0xFFFFC000  }
0x1d: {  	[hbm4b:s6+s3] =	stream.linear.scatter [tilespmem:s11], [sflag:$0x3], $0x4000, $0x38;
	[tilespmem:$0x8100] =	vst v63  }
0x1e: {  	_ =	swait.ge [sflag:s9], $0x4000  }
0x1f: {  	[sflag:s9] =	ssyncset.done $0x0  }
0x20: {  	[sflag:s9] =	ssyncadd.s32 $0xFFFFC000  }
0x21: {  	_ =	swait.ge [sflag:s14], $0x4000  }
0x22: {  	[sflag:s14] =	ssyncset.done $0x0  }
0x23: {  	[sflag:s14] =	ssyncadd.s32 $0xFFFFC000  }
0x24: {  	[hbm4b:s5+s3] =	stream.linear.scatter [tilespmem:s12], [sflag:$0x3], $0x4000, $0x38;
	[tilespmem:$0x8100] =	vst v63  }
0x25: {  	s18 =	simm.s32 $0x10;
	s19 =	simm.s32 $0x20;
	_ =	swait.ge [sflag:s9], $0x4000  }
0x26: {  	s17 =	sadd.s32 $0x800, s6;
	s16 =	sadd.s32 $0x800, s5;
	[sflag:s9] =	ssyncset.done $0x0  }
.LBB2_2:
0x27: {  	s20 =	sadd.s32 s18, s8  }
0x28: {  	[sflag:s9] =	ssyncadd.s32 $0xFFFFC000;
	s21 =	smov.u32 s19;
	s22 =	sadd.s32 $0x10, s19  }
0x29: {  	[tilespmem:s3], [sflag:$0x3] =	stream.linear.gather [hbm4b:s20+s3], $0x80, $0x38;
	[tilespmem:$0x8100] =	vst v63  }
0x2a: {  	p0 =	sne.s32 s19, $0x130;
	_ =	swait.ge [sflag:s9], $0x80  }
0x2b: {  	[sflag:s9] =	ssyncset.done $0x0  }
0x2c: {  	s19 =	sadd.s32 s18, s7;
	s18 =	smov.u32 s21;
	[sflag:s9] =	ssyncadd.s32 $0xFFFFFF80  }
0x2d: {  	[tilespmem:s10], [sflag:$0x3] =	stream.linear.gather [hbm4b:s19+s3], $0x80, $0x38;
	[tilespmem:$0x8100] =	vst v63  }
0x2e: {  	_ =	swait.ge [sflag:s9], $0x80  }
0x2f: {  	[sflag:s9] =	ssyncset.done $0x0  }
0x30: {  	[sflag:s9] =	ssyncadd.s32 $0xFFFFFF80  }
0x31: {  	[tilespmem:s11], [sflag:$0x1] =	stream.indirect.gather [hbm4b:s1+s10], $0x80, s3, s10, $0xb8;
	[tilespmem:$0x8100] =	vst v63  }
0x32: {  	_ = 	snop  }
0x33: {  	[tilespmem:s12], [sflag:$0x2] =	stream.indirect.gather [hbm4b:s1+s10], $0x80, s10, s10, $0xb8;
	[tilespmem:$0x8100] =	vst v63  }
0x34: {  	_ =	swait.ge [sflag:s13], $0x4000  }
0x35: {  	[sflag:s13] =	ssyncset.done $0x0  }
0x36: {  	[sflag:s13] =	ssyncadd.s32 $0xFFFFC000  }
0x37: {  	[hbm4b:s17+s3] =	stream.linear.scatter [tilespmem:s11], [sflag:$0x3], $0x4000, $0x38;
	[tilespmem:$0x8100] =	vst v63  }
0x38: {  	_ =	swait.ge [sflag:s9], $0x4000  }
0x39: {  	[sflag:s9] =	ssyncset.done $0x0  }
0x3a: {  	[sflag:s9] =	ssyncadd.s32 $0xFFFFC000  }
0x3b: {  	_ =	swait.ge [sflag:s14], $0x4000  }
.Ltmp0:
0x3c: {  	[sflag:s14] =	ssyncset.done $0x0;
	(pc) =	sbr.rel @p0 .LBB2_2-.Ltmp0, $4  }
0x3d: {  	[sflag:s14] =	ssyncadd.s32 $0xFFFFC000  }
0x3e: {  	[hbm4b:s16+s3] =	stream.linear.scatter [tilespmem:s12], [sflag:$0x3], $0x4000, $0x38;
	[tilespmem:$0x8100] =	vst v63  }
0x3f: {  	s19 =	smov.u32 s22;
	_ =	swait.ge [sflag:s9], $0x4000  }
0x40: {  	s17 =	sadd.s32 $0x800, s17;
	s16 =	sadd.s32 $0x800, s16;
	[sflag:s9] =	ssyncset.done $0x0  }
0x41: {  	s19 =	sadd.s32 s18, s8;
	[sflag:s9] =	ssyncadd.s32 $0xFFFFC000  }
0x42: {  	[tilespmem:s3], [sflag:$0x3] =	stream.linear.gather [hbm4b:s19+s3], $0x80, $0x38;
	[tilespmem:$0x8100] =	vst v63  }
0x43: {  	_ =	swait.ge [sflag:s9], $0x80  }
0x44: {  	[sflag:s9] =	ssyncset.done $0x0  }
0x45: {  	s31 =	sadd.s32 s18, s7;
	[sflag:s9] =	ssyncadd.s32 $0xFFFFFF80  }
0x46: {  	[tilespmem:s10], [sflag:$0x3] =	stream.linear.gather [hbm4b:s31+s3], $0x80, $0x38;
	[tilespmem:$0x8100] =	vst v63  }
0x47: {  	_ =	swait.ge [sflag:s9], $0x80  }
0x48: {  	[sflag:s9] =	ssyncset.done $0x0  }
0x49: {  	[sflag:s9] =	ssyncadd.s32 $0xFFFFFF80  }
0x4a: {  	[tilespmem:s11], [sflag:$0x1] =	stream.indirect.gather [hbm4b:s1+s10], $0x80, s3, s10, $0xb8;
	[tilespmem:$0x8100] =	vst v63  }
0x4b: {  	_ = 	snop  }
0x4c: {  	[tilespmem:s12], [sflag:$0x2] =	stream.indirect.gather [hbm4b:s1+s10], $0x80, s10, s10, $0xb8;
	[tilespmem:$0x8100] =	vst v63  }
0x4d: {  	_ =	swait.ge [sflag:s13], $0x4000  }
0x4e: {  	[sflag:s13] =	ssyncset.done $0x0  }
0x4f: {  	[sflag:s13] =	ssyncadd.s32 $0xFFFFC000  }
0x50: {  	[hbm4b:s17+s3] =	stream.linear.scatter [tilespmem:s11], [sflag:$0x3], $0x4000, $0x38;
	[tilespmem:$0x8100] =	vst v63  }
0x51: {  	_ =	swait.ge [sflag:s9], $0x4000  }
0x52: {  	[sflag:s9] =	ssyncset.done $0x0  }
0x53: {  	[sflag:s9] =	ssyncadd.s32 $0xFFFFC000  }
0x54: {  	s15 =	sadd.s32 $0x1, s15;
	_ =	swait.ge [sflag:s14], $0x4000  }
0x55: {  	p0 =	sne.s32 s15, s4;
	[sflag:s14] =	ssyncset.done $0x0  }
.Ltmp1:
0x56: {  	[sflag:s14] =	ssyncadd.s32 $0xFFFFC000;
	(pc) =	sbr.rel @p0 .LBB2_1-.Ltmp1, $4  }
0x57: {  	[hbm4b:s16+s3] =	stream.linear.scatter [tilespmem:s12], [sflag:$0x3], $0x4000, $0x38;
	[tilespmem:$0x8100] =	vst v63  }
0x58: {  	_ =	swait.ge [sflag:s9], $0x4000  }
0x59: {  	[sflag:s9] =	ssyncset.done $0x0  }
0x5a: {  	[sflag:s9] =	ssyncadd.s32 $0xFFFFC000  }
0x5b: {  	_ =	sfence.sel $0x180000  }
0x5c: {  	[bflag:$0x0] =	sbarrier.arrive $0xFFFF  }
0x5d: {  	p0 =	sne.s32 s0, $0x0;
	_ =	strace $0x9000004A  }
0x5e: {  	s0 =	sadd.s32 @!p0 $0x100000, s2;
	[bflag:$0x2] =	sbarrier.arrive $0xFFFF  }
0x5f: {  	[sflag:s0] =	ssyncadd.tile.s32 @!p0 $0x1;
	_ =	shalt  }
.Lfunc_end2:
_tile_overlayer_lowered:
.L_overlay_start_2:
0x60: {  	(tag) =	ssettag $0x2  }
0x61: {  	s0 =	rddreg [dreg:$0x0];
	s2 =	stileid.u32  }
0x62: {  	s1 =	rddreg [dreg:$0x1];
	p0 =	sne.s32 s2, $0x0  }
0x63: {  	s3 =	rddreg [dreg:$0x2];
	[bflag:$0x3] =	sbarrier.arrive $0xFFFF;
	s2 =	simm.s32 @!p0 $0x1C03  }
0x64: {  	[timem:s3], [sflag:s2] =	dma.local @!p0 [hbm:s0], s1  }
0x65: {  	s0 =	simm.s32 @!p0 $0x3  }
0x66: {  	_ =	swait.ge @!p0 [sflag:s0], s1  }
0x67: {  	s1 =	ssub.s32 @!p0 $0x0, s1;
	[sflag:s0] =	ssyncset.done @!p0 $0x0  }
0x68: {  	[sflag:s0] =	ssyncadd.s32 @!p0 s1  }
0x69: {  	[bflag:$0x3] =	sbarrier.arrive $0xFFFF  }
0x6a: {  	_ =	shalt  }

// kernel: kernel.18.cloned.1.call-start
scs
__scs_entry_jumppad:
0x0: {  	(pc) =	sbr.rel $0x88, $3  }
0x1: {  	(tag) =	ssettag $0x0;
	lr =	simm.s32 $0x1  }
0x2: {  	[smem:$0x3F8E] =	sst lr;
	_ =	strace $0xD0000000  }
0x3: {  	_ = 	snop  }
0x4: {  	_ = 	snop  }
0x5: {  	_ = 	snop  }
0x6: {  	_ = 	snop  }
0x7: {  	_ = 	snop  }
__scs_overlays_trampoline_lowered:
0x8: {  	[smem:$0x3F9D] =	sst s0  }
0x9: {  	[smem:$0x3F9E] =	sst s1  }
0xa: {  	[smem:$0x3F9F] =	sst s2  }
0xb: {  	[smem:$0x3FA0] =	sst s3  }
0xc: {  	[smem:$0x3FA1] =	sst s4  }
0xd: {  	[smem:$0x3FA2] =	sst s5  }
0xe: {  	[smem:$0x3FA3] =	sst s6  }
0xf: {  	[smem:$0x3FA4] =	sst s7  }
0x10: {  	[smem:$0x3FA5] =	sst s8  }
0x11: {  	[smem:$0x3FA6] =	sst s9;
	s0 =	simm.s32 @!p0 $0x0  }
0x12: {  	s1 =	sld [smem:$0x3F8C];
	s0 =	simm.s32 @p0 $0x1  }
0x13: {  	[smem:$0x3FA7] =	sst s0;
	s0 =	simm.s32 @!p1 $0x0  }
0x14: {  	s2 =	sld [smem:$0x3F8B];
	s0 =	simm.s32 @p1 $0x1  }
0x15: {  	[smem:$0x3FA8] =	sst s0;
	s0 =	simm.s32 @!p2 $0x0  }
0x16: {  	s3 =	sld [smem:$0x3FDB];
	s0 =	simm.s32 @p2 $0x1  }
0x17: {  	s4 =	simm.s32 $0x1BF5;
	[smem:$0x3FAA] =	sst s0  }
0x18: {  	s0 =	sld [smem:$0x3F8D];
	_ =	swait.ge [sflag:s4], $0x0  }
0x19: {  	s7 =	sld [smem:$0x3F8E]  }
0x1a: {  	s8 =	sadd.s32 $0xFFFFE003, lr  }
0x1b: {  	s9 =	sadd.s32 $0xFFFFFEF7, lr;
	s5 =	simm.s32 $0xFFFFFFFF;
	p2 =	slt.u32 s8, $0xFFFFF086  }
0x1c: {  	p1 =	slt.u32 s9, $0xF7A;
	s5 =	simm.s32 @!p2 $0x0  }
0x1d: {  	s5 =	simm.s32 @p1 $0x1;
	p0 =	seq.s32 s7, s2  }
0x1e: {  	s7 =	smul.u32 @!p0 $0xF7A, s2;
	p2 =	seq.s32 @!p0 s5, $0x0  }
0x1f: {  	s9 =	smul.u32 $0xF7A, s1;
	s8 =	simm.s32 @!p0 $0x1BF5;
	p2 =	por !p2, p0  }
0x20: {  	[sflag:s8] =	ssyncset.s32 @!p0 $0xFFFFF086;
	s6 =	sadd.s32 @!p0 s3, s7;
	s7 =	simm.s32 @!p0 $0x108  }
0x21: {  	s3 =	sadd.s32 s3, s9;
	s6 =	sadd.s32 @!p0 $0x88, s6;
	s7 =	simm.s32 @p2 $0x1082  }
0x22: {  	[simem:s7], [sflag:s8] =	dma.local @!p0 [hbm:s6], $0xF7A  }
0x23: {  	s9 =	sor.u32 $0xD0000000, s2;
	s6 =	simm.s32 $0x108;
	_ =	swait.ge @!p0 [sflag:s8], $0x0  }
0x24: {  	s3 =	sadd.s32 $0x88, s3;
	s6 =	simm.s32 @!p1 $0x1082;
	[sflag:s4] =	ssyncset.s32 $0xFFFFF086  }
0x25: {  	[simem:s6], [sflag:s4] =	dma.local [hbm:s3], $0xF7A  }
0x26: {  	[smem:$0x3F8E] =	sst s1;
	(tag) =	ssettag s2;
	_ =	strace s9  }
0x27: {  	s1 =	sld [smem:$0x3F9E]  }
0x28: {  	s2 =	sld [smem:$0x3F9F]  }
0x29: {  	s4 =	sld [smem:$0x3FA1]  }
0x2a: {  	p0 =	seq.s32 s5, $0x0;
	s5 =	sld [smem:$0x3FA2]  }
0x2b: {  	s6 =	sld [smem:$0x3FA3]  }
0x2c: {  	s7 =	sld [smem:$0x3FA4]  }
0x2d: {  	s3 =	simm.s32 $0x108;
	s8 =	sld [smem:$0x3FA5]  }
0x2e: {  	s3 =	simm.s32 @!p0 $0x1082;
	s9 =	sld [smem:$0x3FA6]  }
0x2f: {  	lr =	sadd.s32 s0, s3;
	s0 =	sld [smem:$0x3F9D]  }
0x30: {  	s3 =	sld [smem:$0x3FA0]  }
0x31: {  	[smem:$0x3FA9] =	sst s10  }
0x32: {  	s10 =	sld [smem:$0x3FA7];
	_ =	sdelay $0x3  }
0x33: {  	p0 =	seq.s32 s10, $0x1;
	s10 =	sld [smem:$0x3FA9];
	_ =	sdelay $0x3  }
0x34: {  	[smem:$0x3FA9] =	sst s10  }
0x35: {  	s10 =	sld [smem:$0x3FA8];
	_ =	sdelay $0x3  }
0x36: {  	p1 =	seq.s32 s10, $0x1;
	s10 =	sld [smem:$0x3FA9];
	_ =	sdelay $0x3  }
0x37: {  	[smem:$0x3FA9] =	sst s10  }
0x38: {  	s10 =	sld [smem:$0x3FAA]  }
0x39: {  	_ = 	snop;
	(pc) =	sbr.ind lr, $3  }
0x3a: {  	_ = 	snop  }
0x3b: {  	_ = 	snop  }
0x3c: {  	p2 =	seq.s32 s10, $0x1;
	s10 =	sld [smem:$0x3FA9]  }
0x3d: {  	_ =	shalt  }
0x3e: {  	_ =	shalt  }
0x3f: {  	_ =	shalt  }
0x40: {  	_ =	shalt  }
0x41: {  	_ =	shalt  }
0x42: {  	_ =	shalt  }
0x43: {  	_ =	shalt  }
0x44: {  	_ =	shalt  }
0x45: {  	_ =	shalt  }
0x46: {  	_ =	shalt  }
0x47: {  	_ =	shalt  }
0x48: {  	_ =	shalt  }
0x49: {  	_ =	shalt  }
0x4a: {  	_ =	shalt  }
0x4b: {  	_ =	shalt  }
0x4c: {  	_ =	shalt  }
0x4d: {  	_ =	shalt  }
0x4e: {  	_ =	shalt  }
0x4f: {  	_ =	shalt  }
0x50: {  	_ =	shalt  }
0x51: {  	_ =	shalt  }
0x52: {  	_ =	shalt  }
0x53: {  	_ =	shalt  }
0x54: {  	_ =	shalt  }
0x55: {  	_ =	shalt  }
0x56: {  	_ =	shalt  }
0x57: {  	_ =	shalt  }
0x58: {  	_ =	shalt  }
0x59: {  	_ =	shalt  }
0x5a: {  	_ =	shalt  }
0x5b: {  	_ =	shalt  }
0x5c: {  	_ =	shalt  }
0x5d: {  	_ =	shalt  }
0x5e: {  	_ =	shalt  }
0x5f: {  	_ =	shalt  }
0x60: {  	_ =	shalt  }
0x61: {  	_ =	shalt  }
0x62: {  	_ =	shalt  }
0x63: {  	_ =	shalt  }
0x64: {  	_ =	shalt  }
0x65: {  	_ =	shalt  }
0x66: {  	_ =	shalt  }
0x67: {  	_ =	shalt  }
0x68: {  	_ =	shalt  }
0x69: {  	_ =	shalt  }
0x6a: {  	_ =	shalt  }
0x6b: {  	_ =	shalt  }
0x6c: {  	_ =	shalt  }
0x6d: {  	_ =	shalt  }
0x6e: {  	_ =	shalt  }
0x6f: {  	_ =	shalt  }
0x70: {  	_ =	shalt  }
0x71: {  	_ =	shalt  }
0x72: {  	_ =	shalt  }
0x73: {  	_ =	shalt  }
0x74: {  	_ =	shalt  }
0x75: {  	_ =	shalt  }
0x76: {  	_ =	shalt  }
0x77: {  	_ =	shalt  }
0x78: {  	_ =	shalt  }
0x79: {  	_ =	shalt  }
0x7a: {  	_ =	shalt  }
0x7b: {  	_ =	shalt  }
0x7c: {  	_ =	shalt  }
0x7d: {  	_ =	shalt  }
0x7e: {  	_ =	shalt  }
0x7f: {  	_ =	shalt  }
0x80: {  	_ =	shalt  }
0x81: {  	_ =	shalt  }
0x82: {  	_ =	shalt  }
0x83: {  	_ =	shalt  }
0x84: {  	_ =	shalt  }
0x85: {  	_ =	shalt  }
0x86: {  	_ =	shalt  }
0x87: {  	_ =	shalt  }
.Lfunc_end0:
.L_simem_size_0:
called_computation.2_lowered:
.L_overlay_start_0:
0x88: {  	s2 =	sld [smem:$0x3FD9]  }
0x89: {  	s3 =	sld [smem:$0x3FFE];
	_ =	sdelay $0x1  }
0x8a: {  	s1 =	srdreg.scid  }
0x8b: {  	s0 =	sand.u32 $0x1, s1  }
0x8c: {  	s15 =	sshll.u32 s0, $0xA;
	s2 =	sadd.s32 s3, s2  }
0x8d: {  	s2 =	sadd.s32 s2, s15  }
0x8e: {  	[smem:$0x3FB5] =	sst s2  }
0x8f: {  	_ = 	snop  }
0x90: {  	s16 =	sld [smem:$0x3FD0];
	_ =	sdelay $0x2  }
0x91: {  	s4 =	simm.s32 $0xD;
	s5 =	simm.s32 $0x10;
	s2 =	sld [smem:$0x3FC9]  }
0x92: {  	[smem:s5], [sflag:s4] =	dma.local [hbm:s16], $0x1  }
0x93: {  	_ =	swait.eq [sflag:s4], $0x1  }
0x94: {  	[sflag:s4] =	ssyncset.done $0x0  }
0x95: {  	[sflag:s4] =	ssyncadd.s32 $0xFFFFFFFF  }
0x96: {  	s17 =	sld [smem:$0x10];
	(tm) =	ssettm $0x1  }
0x97: {  	s18 =	sld [smem:$0x3FFB];
	_ =	sdelay $0x3  }
0x98: {  	_ =	strace s18  }
0x99: {  	s3 =	sld [smem:$0x3FFC];
	_ =	sdelay $0x3  }
0x9a: {  	_ =	strace s3  }
0x9b: {  	s3 =	sld [smem:$0x3FFD];
	_ =	sdelay $0x3  }
0x9c: {  	_ =	strace s3  }
0x9d: {  	_ =	strace $0x8FFFFFFF  }
0x9e: {  	s19 =	sld [smem:$0x3FDB];
	_ =	sdelay $0x1  }
0x9f: {  	s20 =	simm.s32 $_scs_section_size  }
0xa0: {  	s6 =	simm.s32 $_size__tile_overlayer_lowered;
	s7 =	simm.s32 $_tile_overlayer_lowered  }
0xa1: {  	s8 =	simm.s32 $0x1BFF;
	s21 =	sshll.u32 s7, $0x1;
	s5 =	sadd.s32 s20, s19  }
0xa2: {  	s22 =	simm.s32 $0x0;
	s6 =	sshll.u32 s6, $0x1;
	s7 =	sadd.s32 s21, s5  }
0xa3: {  	[timem:s22], [sflag:s8] =	dma.local [hbm:s7], s6  }
0xa4: {  	_ =	swait.ge [sflag:s8], s6  }
0xa5: {  	s6 =	ssub.s32 $0x0, s6;
	[sflag:s8] =	ssyncset.done $0x0  }
0xa6: {  	[sflag:s8] =	ssyncadd.s32 s6;
	_ =	sdelay $0x1  }
0xa7: {  	s23 =	simm.s32 $0x1B8B  }
0xa8: {  	_ =	swait.ge [sflag:s23], $0x1  }
0xa9: {  	[sflag:s23] =	ssyncset.done $0x0  }
0xaa: {  	[sflag:s23] =	ssyncadd.s32 $0xFFFFFFFF  }
0xab: {  	s6 =	sld [smem:$0x0]  }
0xac: {  	s7 =	sand.u32 $0xFFFFFFFE, s1  }
0xad: {  	p0 =	sne.s32 s1, s7  }
0xae: {  	s7 =	sshll.u32 @p0 s7, $0xE  }
0xaf: {  	s7 =	sadd.s32 @p0 $0x11B8D, s7;
	s8 =	sshll.u32 @p0 s6, $0x11  }
0xb0: {  	s7 =	sor.u32 @p0 s8, s7  }
0xb1: {  	[sflag:s7] =	ssyncadd.remote.s32 @p0 $0x1;
	_ =	sdelay $0x1  }
0xb2: {  	s7 =	simm.s32 @p0 $0x1B8D  }
0xb3: {  	_ =	swait.eq @p0 [sflag:s7], $0x1  }
0xb4: {  	[sflag:s7] =	ssyncadd.s32 @p0 $0xFFFFFFFF  }
0xb5: {  	s8 =	sshll.u32 @!p0 s1, $0xE  }
0xb6: {  	s8 =	sor.u32 @!p0 $0x4000, s8;
	s7 =	simm.s32 @!p0 $0x1B8D  }
0xb7: {  	s6 =	sshll.u32 @!p0 s6, $0x11;
	s8 =	sadd.s32 @!p0 $0x11B8D, s8;
	_ =	swait.eq @!p0 [sflag:s7], $0x1  }
0xb8: {  	s6 =	sor.u32 @!p0 s6, s8;
	[sflag:s7] =	ssyncadd.s32 @!p0 $0xFFFFFFFF  }
0xb9: {  	s25 =	simm.s32 $0x1B8E;
	s24 =	sld [smem:$0x3FFE];
	[sflag:s6] =	ssyncadd.remote.s32 @!p0 $0x1  }
0xba: {  	s26 =	simm.s32 $execute0_lowered;
	[smem:$0x3FD2] =	sst s25  }
0xbb: {  	s7 =	sshll.u32 s26, $0x1;
	_ =	strace $0x8000004C;
	[dreg:$0x1] =	wrdreg $0xFFFFFFFF  }
0xbc: {  	s28 =	simm.s32 $_size_execute0_lowered;
	s5 =	sadd.s32 s5, s7;
	[dreg:$0x0] =	wrdreg $0x0  }
0xbd: {  	s7 =	sshll.u32 s28, $0x1;
	[dreg:$0x2] =	wrdreg s5  }
0xbe: {  	[dreg:$0x3] =	wrdreg s7  }
0xbf: {  	[dreg:$0x4] =	wrdreg $0xC0  }
0xc0: {  	_ =	task [dreg:s22], $0x5FFFF  }
0xc1: {  	[dreg:$0x1] =	wrdreg $0xFFFFFFFF  }
0xc2: {  	[dreg:$0x0] =	wrdreg $0x60  }
0xc3: {  	[dreg:$0x2] =	wrdreg s2  }
0xc4: {  	[dreg:$0x3] =	wrdreg s17  }
0xc5: {  	[dreg:$0x4] =	wrdreg s24  }
0xc6: {  	[dreg:$0x5] =	wrdreg $0xB  }
0xc7: {  	_ =	task.clear_ibuf [dreg:s22], $0x6FFFF;
	_ =	strace $0x9000004C  }
0xc8: {  	s29 =	simm.s32 $0xB;
	_ =	strace $0x8000004E  }
0xc9: {  	_ =	swait.ge [sflag:s29], $0x1  }
0xca: {  	[sflag:s29] =	ssyncadd.s32 $0xFFFFFFFF  }
0xcb: {  	_ =	strace $0x9000004E  }
0xcc: {  	_ =	sfence  }
0xcd: {  	s30 =	sld [smem:$0x0];
	_ =	sdelay $0x2  }
0xce: {  	s31 =	sshll.u32 s1, $0xD;
	s1 =	sshrl.u32 s1, $0x2  }
0xcf: {  	s4 =	sand.u32 $0x4000, s31;
	s1 =	sadd.s32 s1, s30  }
0xd0: {  	s0 =	sor.u32 s4, s0;
	s1 =	sshll.u32 s1, $0x11  }
0xd1: {  	s0 =	sor.u32 s1, s0  }
0xd2: {  	s0 =	sadd.s32 $0x8F2B, s0  }
0xd3: {  	[sflag:s0] =	ssyncadd.remote.s32 $0x1  }
0xd4: {  	_ =	sfence.sel $0xFFFF  }
0xd5: {  	[dreg:$0x0] =	wrdreg $0xFFFFFFFF;
	(pc) =	sbr.abs _section_cstart, $3  }
0xd6: {  	[dreg:$0x1] =	wrdreg $0xFFFFFFFF  }
0xd7: {  	_ =	task.clear_ibuf [dreg:s22], $0x2FFFF;
	_ =	strace $0x9FFFFFFF  }
0xd8: {  	(tm) =	ssettm $0x7FFFFFFF  }
0xd9: {  	_ =	shalt  }
tec
execute0_lowered:
.L_overlay_start_1:
0x0: {  	(tag) =	ssettag $0x1  }
0x1: {  	s1 =	rddreg [dreg:$0x0]  }
0x2: {  	s8 =	rddreg [dreg:$0x1];
	s2 =	srdreg.scid  }
0x3: {  	s0 =	stileid.u32;
	s4 =	rddreg [dreg:$0x2]  }
0x4: {  	s3 =	simm.s32 $0x0;
	s12 =	simm.s32 $0x4100;
	s13 =	simm.s32 $0x1  }
0x5: {  	s14 =	simm.s32 $0x2;
	s5 =	sand.u32 $0x1, s2;
	s6 =	smul.u32 $0x1400, s0  }
0x6: {  	s15 =	simm.s32 $0x0;
	[smem:$0x7FF] =	sst s3;
	s7 =	smul.u32 $0xA00, s5  }
0x7: {  	s2 =	rddreg [dreg:$0x3];
	s28 =	smul.u32 $0x14000, s0;
	_ =	strace $0x8000004D  }
0x8: {  	s9 =	ssub.s32 $0x2, s5;
	s5 =	smul.u32 $0xA000, s5;
	s6 =	sadd.s32 s7, s6  }
0x9: {  	s29 =	sadd.s32 s28, s4;
	s30 =	sshrl.u32 s9, $0x1;
	s6 =	sadd.s32 $0x28000, s6  }
0xa: {  	s31 =	ssub.s32 s9, s30;
	s9 =	simm.s32 $0x3;
	s10 =	sshrl.u32 s6, $0x3  }
0xb: {  	s6 =	sadd.s32 s5, s29;
	s11 =	sadd.s32 s10, s4;
	s4 =	smax.u32 s31, $0x1  }
0xc: {  	s5 =	sadd.s32 $0x64FE00, s6;
	s6 =	sadd.s32 $0x50FE00, s6;
	s8 =	sadd.s32 s10, s8  }
0xd: {  	s10 =	simm.s32 $0x80;
	s7 =	sadd.s32 $0x5E00, s11;
	s11 =	simm.s32 $0x100  }
.LBB2_1:
0xe: {  	s16 =	sadd.s32 $0x0, s8  }
0xf: {  	[tilespmem:s3], [sflag:$0x3] =	stream.linear.gather [hbm4b:s16+s3], $0x80, $0x38;
	[tilespmem:$0x8100] =	vst v63  }
0x10: {  	_ =	swait.ge [sflag:s9], $0x80  }
0x11: {  	[sflag:s9] =	ssyncset.done $0x0  }
0x12: {  	s31 =	sadd.s32 $0x0, s7;
	[sflag:s9] =	ssyncadd.s32 $0xFFFFFF80  }
0x13: {  	[tilespmem:s10], [sflag:$0x3] =	stream.linear.gather [hbm4b:s31+s3], $0x80, $0x38;
	[tilespmem:$0x8100] =	vst v63  }
0x14: {  	_ =	swait.ge [sflag:s9], $0x80  }
0x15: {  	[sflag:s9] =	ssyncset.done $0x0  }
0x16: {  	[sflag:s9] =	ssyncadd.s32 $0xFFFFFF80  }
0x17: {  	[tilespmem:s11], [sflag:$0x1] =	stream.indirect.gather [hbm4b:s1+s10], $0x80, s3, s10, $0xb8;
	[tilespmem:$0x8100] =	vst v63  }
0x18: {  	_ = 	snop  }
0x19: {  	[tilespmem:s12], [sflag:$0x2] =	stream.indirect.gather [hbm4b:s1+s10], $0x80, s10, s10, $0xb8;
	[tilespmem:$0x8100] =	vst v63  }
0x1a: {  	_ =	swait.ge [sflag:s13], $0x4000  }
0x1b: {  	[sflag:s13] =	ssyncset.done $0x0  }
0x1c: {  	[sflag:s13] =	ssyncadd.s32 $0xFFFFC000  }
0x1d: {  	[hbm4b:s6+s3] =	stream.linear.scatter [tilespmem:s11], [sflag:$0x3], $0x4000, $0x38;
	[tilespmem:$0x8100] =	vst v63  }
0x1e: {  	_ =	swait.ge [sflag:s9], $0x4000  }
0x1f: {  	[sflag:s9] =	ssyncset.done $0x0  }
0x20: {  	[sflag:s9] =	ssyncadd.s32 $0xFFFFC000  }
0x21: {  	_ =	swait.ge [sflag:s14], $0x4000  }
0x22: {  	[sflag:s14] =	ssyncset.done $0x0  }
0x23: {  	[sflag:s14] =	ssyncadd.s32 $0xFFFFC000  }
0x24: {  	[hbm4b:s5+s3] =	stream.linear.scatter [tilespmem:s12], [sflag:$0x3], $0x4000, $0x38;
	[tilespmem:$0x8100] =	vst v63  }
0x25: {  	s18 =	simm.s32 $0x10;
	s19 =	simm.s32 $0x20;
	_ =	swait.ge [sflag:s9], $0x4000  }
0x26: {  	s17 =	sadd.s32 $0x800, s6;
	s16 =	sadd.s32 $0x800, s5;
	[sflag:s9] =	ssyncset.done $0x0  }
.LBB2_2:
0x27: {  	s20 =	sadd.s32 s18, s8  }
0x28: {  	[sflag:s9] =	ssyncadd.s32 $0xFFFFC000;
	s21 =	smov.u32 s19;
	s22 =	sadd.s32 $0x10, s19  }
0x29: {  	[tilespmem:s3], [sflag:$0x3] =	stream.linear.gather [hbm4b:s20+s3], $0x80, $0x38;
	[tilespmem:$0x8100] =	vst v63  }
0x2a: {  	p0 =	sne.s32 s19, $0x130;
	_ =	swait.ge [sflag:s9], $0x80  }
0x2b: {  	[sflag:s9] =	ssyncset.done $0x0  }
0x2c: {  	s19 =	sadd.s32 s18, s7;
	s18 =	smov.u32 s21;
	[sflag:s9] =	ssyncadd.s32 $0xFFFFFF80  }
0x2d: {  	[tilespmem:s10], [sflag:$0x3] =	stream.linear.gather [hbm4b:s19+s3], $0x80, $0x38;
	[tilespmem:$0x8100] =	vst v63  }
0x2e: {  	_ =	swait.ge [sflag:s9], $0x80  }
0x2f: {  	[sflag:s9] =	ssyncset.done $0x0  }
0x30: {  	[sflag:s9] =	ssyncadd.s32 $0xFFFFFF80  }
0x31: {  	[tilespmem:s11], [sflag:$0x1] =	stream.indirect.gather [hbm4b:s1+s10], $0x80, s3, s10, $0xb8;
	[tilespmem:$0x8100] =	vst v63  }
0x32: {  	_ = 	snop  }
0x33: {  	[tilespmem:s12], [sflag:$0x2] =	stream.indirect.gather [hbm4b:s1+s10], $0x80, s10, s10, $0xb8;
	[tilespmem:$0x8100] =	vst v63  }
0x34: {  	_ =	swait.ge [sflag:s13], $0x4000  }
0x35: {  	[sflag:s13] =	ssyncset.done $0x0  }
0x36: {  	[sflag:s13] =	ssyncadd.s32 $0xFFFFC000  }
0x37: {  	[hbm4b:s17+s3] =	stream.linear.scatter [tilespmem:s11], [sflag:$0x3], $0x4000, $0x38;
	[tilespmem:$0x8100] =	vst v63  }
0x38: {  	_ =	swait.ge [sflag:s9], $0x4000  }
0x39: {  	[sflag:s9] =	ssyncset.done $0x0  }
0x3a: {  	[sflag:s9] =	ssyncadd.s32 $0xFFFFC000  }
0x3b: {  	_ =	swait.ge [sflag:s14], $0x4000  }
.Ltmp0:
0x3c: {  	[sflag:s14] =	ssyncset.done $0x0;
	(pc) =	sbr.rel @p0 .LBB2_2-.Ltmp0, $4  }
0x3d: {  	[sflag:s14] =	ssyncadd.s32 $0xFFFFC000  }
0x3e: {  	[hbm4b:s16+s3] =	stream.linear.scatter [tilespmem:s12], [sflag:$0x3], $0x4000, $0x38;
	[tilespmem:$0x8100] =	vst v63  }
0x3f: {  	s19 =	smov.u32 s22;
	_ =	swait.ge [sflag:s9], $0x4000  }
0x40: {  	s17 =	sadd.s32 $0x800, s17;
	s16 =	sadd.s32 $0x800, s16;
	[sflag:s9] =	ssyncset.done $0x0  }
0x41: {  	s19 =	sadd.s32 s18, s8;
	[sflag:s9] =	ssyncadd.s32 $0xFFFFC000  }
0x42: {  	[tilespmem:s3], [sflag:$0x3] =	stream.linear.gather [hbm4b:s19+s3], $0x80, $0x38;
	[tilespmem:$0x8100] =	vst v63  }
0x43: {  	_ =	swait.ge [sflag:s9], $0x80  }
0x44: {  	[sflag:s9] =	ssyncset.done $0x0  }
0x45: {  	s31 =	sadd.s32 s18, s7;
	[sflag:s9] =	ssyncadd.s32 $0xFFFFFF80  }
0x46: {  	[tilespmem:s10], [sflag:$0x3] =	stream.linear.gather [hbm4b:s31+s3], $0x80, $0x38;
	[tilespmem:$0x8100] =	vst v63  }
0x47: {  	_ =	swait.ge [sflag:s9], $0x80  }
0x48: {  	[sflag:s9] =	ssyncset.done $0x0  }
0x49: {  	[sflag:s9] =	ssyncadd.s32 $0xFFFFFF80  }
0x4a: {  	[tilespmem:s11], [sflag:$0x1] =	stream.indirect.gather [hbm4b:s1+s10], $0x80, s3, s10, $0xb8;
	[tilespmem:$0x8100] =	vst v63  }
0x4b: {  	_ = 	snop  }
0x4c: {  	[tilespmem:s12], [sflag:$0x2] =	stream.indirect.gather [hbm4b:s1+s10], $0x80, s10, s10, $0xb8;
	[tilespmem:$0x8100] =	vst v63  }
0x4d: {  	_ =	swait.ge [sflag:s13], $0x4000  }
0x4e: {  	[sflag:s13] =	ssyncset.done $0x0  }
0x4f: {  	[sflag:s13] =	ssyncadd.s32 $0xFFFFC000  }
0x50: {  	[hbm4b:s17+s3] =	stream.linear.scatter [tilespmem:s11], [sflag:$0x3], $0x4000, $0x38;
	[tilespmem:$0x8100] =	vst v63  }
0x51: {  	_ =	swait.ge [sflag:s9], $0x4000  }
0x52: {  	[sflag:s9] =	ssyncset.done $0x0  }
0x53: {  	[sflag:s9] =	ssyncadd.s32 $0xFFFFC000  }
0x54: {  	s15 =	sadd.s32 $0x1, s15;
	_ =	swait.ge [sflag:s14], $0x4000  }
0x55: {  	p0 =	sne.s32 s15, s4;
	[sflag:s14] =	ssyncset.done $0x0  }
.Ltmp1:
0x56: {  	[sflag:s14] =	ssyncadd.s32 $0xFFFFC000;
	(pc) =	sbr.rel @p0 .LBB2_1-.Ltmp1, $4  }
0x57: {  	[hbm4b:s16+s3] =	stream.linear.scatter [tilespmem:s12], [sflag:$0x3], $0x4000, $0x38;
	[tilespmem:$0x8100] =	vst v63  }
0x58: {  	_ =	swait.ge [sflag:s9], $0x4000  }
0x59: {  	[sflag:s9] =	ssyncset.done $0x0  }
0x5a: {  	[sflag:s9] =	ssyncadd.s32 $0xFFFFC000  }
0x5b: {  	_ =	sfence.sel $0x180000  }
0x5c: {  	[bflag:$0x0] =	sbarrier.arrive $0xFFFF  }
0x5d: {  	p0 =	sne.s32 s0, $0x0;
	_ =	strace $0x9000004D  }
0x5e: {  	s0 =	sadd.s32 @!p0 $0x100000, s2;
	[bflag:$0x2] =	sbarrier.arrive $0xFFFF  }
0x5f: {  	[sflag:s0] =	ssyncadd.tile.s32 @!p0 $0x1;
	_ =	shalt  }
.Lfunc_end2:
_tile_overlayer_lowered:
.L_overlay_start_2:
0x60: {  	(tag) =	ssettag $0x2  }
0x61: {  	s0 =	rddreg [dreg:$0x0];
	s2 =	stileid.u32  }
0x62: {  	s1 =	rddreg [dreg:$0x1];
	p0 =	sne.s32 s2, $0x0  }
0x63: {  	s3 =	rddreg [dreg:$0x2];
	[bflag:$0x3] =	sbarrier.arrive $0xFFFF;
	s2 =	simm.s32 @!p0 $0x1C03  }
0x64: {  	[timem:s3], [sflag:s2] =	dma.local @!p0 [hbm:s0], s1  }
0x65: {  	s0 =	simm.s32 @!p0 $0x3  }
0x66: {  	_ =	swait.ge @!p0 [sflag:s0], s1  }
0x67: {  	s1 =	ssub.s32 @!p0 $0x0, s1;
	[sflag:s0] =	ssyncset.done @!p0 $0x0  }
0x68: {  	[sflag:s0] =	ssyncadd.s32 @!p0 s1  }
0x69: {  	[bflag:$0x3] =	sbarrier.arrive $0xFFFF  }
0x6a: {  	_ =	shalt  }

// kernel: kernel.21.cloned.1.call-start
scs
__scs_entry_jumppad:
0x0: {  	(pc) =	sbr.rel $0x88, $3  }
0x1: {  	(tag) =	ssettag $0x0;
	lr =	simm.s32 $0x1  }
0x2: {  	[smem:$0x3F8E] =	sst lr;
	_ =	strace $0xD0000000  }
0x3: {  	_ = 	snop  }
0x4: {  	_ = 	snop  }
0x5: {  	_ = 	snop  }
0x6: {  	_ = 	snop  }
0x7: {  	_ = 	snop  }
__scs_overlays_trampoline_lowered:
0x8: {  	[smem:$0x3F9D] =	sst s0  }
0x9: {  	[smem:$0x3F9E] =	sst s1  }
0xa: {  	[smem:$0x3F9F] =	sst s2  }
0xb: {  	[smem:$0x3FA0] =	sst s3  }
0xc: {  	[smem:$0x3FA1] =	sst s4  }
0xd: {  	[smem:$0x3FA2] =	sst s5  }
0xe: {  	[smem:$0x3FA3] =	sst s6  }
0xf: {  	[smem:$0x3FA4] =	sst s7  }
0x10: {  	[smem:$0x3FA5] =	sst s8  }
0x11: {  	[smem:$0x3FA6] =	sst s9;
	s0 =	simm.s32 @!p0 $0x0  }
0x12: {  	s1 =	sld [smem:$0x3F8C];
	s0 =	simm.s32 @p0 $0x1  }
0x13: {  	[smem:$0x3FA7] =	sst s0;
	s0 =	simm.s32 @!p1 $0x0  }
0x14: {  	s2 =	sld [smem:$0x3F8B];
	s0 =	simm.s32 @p1 $0x1  }
0x15: {  	[smem:$0x3FA8] =	sst s0;
	s0 =	simm.s32 @!p2 $0x0  }
0x16: {  	s3 =	sld [smem:$0x3FDB];
	s0 =	simm.s32 @p2 $0x1  }
0x17: {  	s4 =	simm.s32 $0x1BF5;
	[smem:$0x3FAA] =	sst s0  }
0x18: {  	s0 =	sld [smem:$0x3F8D];
	_ =	swait.ge [sflag:s4], $0x0  }
0x19: {  	s7 =	sld [smem:$0x3F8E]  }
0x1a: {  	s8 =	sadd.s32 $0xFFFFE003, lr  }
0x1b: {  	s9 =	sadd.s32 $0xFFFFFEF7, lr;
	s5 =	simm.s32 $0xFFFFFFFF;
	p2 =	slt.u32 s8, $0xFFFFF086  }
0x1c: {  	p1 =	slt.u32 s9, $0xF7A;
	s5 =	simm.s32 @!p2 $0x0  }
0x1d: {  	s5 =	simm.s32 @p1 $0x1;
	p0 =	seq.s32 s7, s2  }
0x1e: {  	s7 =	smul.u32 @!p0 $0xF7A, s2;
	p2 =	seq.s32 @!p0 s5, $0x0  }
0x1f: {  	s9 =	smul.u32 $0xF7A, s1;
	s8 =	simm.s32 @!p0 $0x1BF5;
	p2 =	por !p2, p0  }
0x20: {  	[sflag:s8] =	ssyncset.s32 @!p0 $0xFFFFF086;
	s6 =	sadd.s32 @!p0 s3, s7;
	s7 =	simm.s32 @!p0 $0x108  }
0x21: {  	s3 =	sadd.s32 s3, s9;
	s6 =	sadd.s32 @!p0 $0x88, s6;
	s7 =	simm.s32 @p2 $0x1082  }
0x22: {  	[simem:s7], [sflag:s8] =	dma.local @!p0 [hbm:s6], $0xF7A  }
0x23: {  	s9 =	sor.u32 $0xD0000000, s2;
	s6 =	simm.s32 $0x108;
	_ =	swait.ge @!p0 [sflag:s8], $0x0  }
0x24: {  	s3 =	sadd.s32 $0x88, s3;
	s6 =	simm.s32 @!p1 $0x1082;
	[sflag:s4] =	ssyncset.s32 $0xFFFFF086  }
0x25: {  	[simem:s6], [sflag:s4] =	dma.local [hbm:s3], $0xF7A  }
0x26: {  	[smem:$0x3F8E] =	sst s1;
	(tag) =	ssettag s2;
	_ =	strace s9  }
0x27: {  	s1 =	sld [smem:$0x3F9E]  }
0x28: {  	s2 =	sld [smem:$0x3F9F]  }
0x29: {  	s4 =	sld [smem:$0x3FA1]  }
0x2a: {  	p0 =	seq.s32 s5, $0x0;
	s5 =	sld [smem:$0x3FA2]  }
0x2b: {  	s6 =	sld [smem:$0x3FA3]  }
0x2c: {  	s7 =	sld [smem:$0x3FA4]  }
0x2d: {  	s3 =	simm.s32 $0x108;
	s8 =	sld [smem:$0x3FA5]  }
0x2e: {  	s3 =	simm.s32 @!p0 $0x1082;
	s9 =	sld [smem:$0x3FA6]  }
0x2f: {  	lr =	sadd.s32 s0, s3;
	s0 =	sld [smem:$0x3F9D]  }
0x30: {  	s3 =	sld [smem:$0x3FA0]  }
0x31: {  	[smem:$0x3FA9] =	sst s10  }
0x32: {  	s10 =	sld [smem:$0x3FA7];
	_ =	sdelay $0x3  }
0x33: {  	p0 =	seq.s32 s10, $0x1;
	s10 =	sld [smem:$0x3FA9];
	_ =	sdelay $0x3  }
0x34: {  	[smem:$0x3FA9] =	sst s10  }
0x35: {  	s10 =	sld [smem:$0x3FA8];
	_ =	sdelay $0x3  }
0x36: {  	p1 =	seq.s32 s10, $0x1;
	s10 =	sld [smem:$0x3FA9];
	_ =	sdelay $0x3  }
0x37: {  	[smem:$0x3FA9] =	sst s10  }
0x38: {  	s10 =	sld [smem:$0x3FAA]  }
0x39: {  	_ = 	snop;
	(pc) =	sbr.ind lr, $3  }
0x3a: {  	_ = 	snop  }
0x3b: {  	_ = 	snop  }
0x3c: {  	p2 =	seq.s32 s10, $0x1;
	s10 =	sld [smem:$0x3FA9]  }
0x3d: {  	_ =	shalt  }
0x3e: {  	_ =	shalt  }
0x3f: {  	_ =	shalt  }
0x40: {  	_ =	shalt  }
0x41: {  	_ =	shalt  }
0x42: {  	_ =	shalt  }
0x43: {  	_ =	shalt  }
0x44: {  	_ =	shalt  }
0x45: {  	_ =	shalt  }
0x46: {  	_ =	shalt  }
0x47: {  	_ =	shalt  }
0x48: {  	_ =	shalt  }
0x49: {  	_ =	shalt  }
0x4a: {  	_ =	shalt  }
0x4b: {  	_ =	shalt  }
0x4c: {  	_ =	shalt  }
0x4d: {  	_ =	shalt  }
0x4e: {  	_ =	shalt  }
0x4f: {  	_ =	shalt  }
0x50: {  	_ =	shalt  }
0x51: {  	_ =	shalt  }
0x52: {  	_ =	shalt  }
0x53: {  	_ =	shalt  }
0x54: {  	_ =	shalt  }
0x55: {  	_ =	shalt  }
0x56: {  	_ =	shalt  }
0x57: {  	_ =	shalt  }
0x58: {  	_ =	shalt  }
0x59: {  	_ =	shalt  }
0x5a: {  	_ =	shalt  }
0x5b: {  	_ =	shalt  }
0x5c: {  	_ =	shalt  }
0x5d: {  	_ =	shalt  }
0x5e: {  	_ =	shalt  }
0x5f: {  	_ =	shalt  }
0x60: {  	_ =	shalt  }
0x61: {  	_ =	shalt  }
0x62: {  	_ =	shalt  }
0x63: {  	_ =	shalt  }
0x64: {  	_ =	shalt  }
0x65: {  	_ =	shalt  }
0x66: {  	_ =	shalt  }
0x67: {  	_ =	shalt  }
0x68: {  	_ =	shalt  }
0x69: {  	_ =	shalt  }
0x6a: {  	_ =	shalt  }
0x6b: {  	_ =	shalt  }
0x6c: {  	_ =	shalt  }
0x6d: {  	_ =	shalt  }
0x6e: {  	_ =	shalt  }
0x6f: {  	_ =	shalt  }
0x70: {  	_ =	shalt  }
0x71: {  	_ =	shalt  }
0x72: {  	_ =	shalt  }
0x73: {  	_ =	shalt  }
0x74: {  	_ =	shalt  }
0x75: {  	_ =	shalt  }
0x76: {  	_ =	shalt  }
0x77: {  	_ =	shalt  }
0x78: {  	_ =	shalt  }
0x79: {  	_ =	shalt  }
0x7a: {  	_ =	shalt  }
0x7b: {  	_ =	shalt  }
0x7c: {  	_ =	shalt  }
0x7d: {  	_ =	shalt  }
0x7e: {  	_ =	shalt  }
0x7f: {  	_ =	shalt  }
0x80: {  	_ =	shalt  }
0x81: {  	_ =	shalt  }
0x82: {  	_ =	shalt  }
0x83: {  	_ =	shalt  }
0x84: {  	_ =	shalt  }
0x85: {  	_ =	shalt  }
0x86: {  	_ =	shalt  }
0x87: {  	_ =	shalt  }
.Lfunc_end0:
.L_simem_size_0:
called_computation.3_lowered:
.L_overlay_start_0:
0x88: {  	s2 =	sld [smem:$0x3FD9]  }
0x89: {  	s3 =	sld [smem:$0x3FFE];
	_ =	sdelay $0x1  }
0x8a: {  	s1 =	srdreg.scid  }
0x8b: {  	s0 =	sand.u32 $0x1, s1  }
0x8c: {  	s15 =	sshll.u32 s0, $0xA;
	s2 =	sadd.s32 s3, s2  }
0x8d: {  	s2 =	sadd.s32 s2, s15  }
0x8e: {  	[smem:$0x3FB5] =	sst s2  }
0x8f: {  	_ = 	snop  }
0x90: {  	s16 =	sld [smem:$0x3FD0];
	_ =	sdelay $0x2  }
0x91: {  	s4 =	simm.s32 $0xD;
	s5 =	simm.s32 $0x10;
	s2 =	sld [smem:$0x3FC9]  }
0x92: {  	[smem:s5], [sflag:s4] =	dma.local [hbm:s16], $0x1  }
0x93: {  	_ =	swait.eq [sflag:s4], $0x1  }
0x94: {  	[sflag:s4] =	ssyncset.done $0x0  }
0x95: {  	[sflag:s4] =	ssyncadd.s32 $0xFFFFFFFF  }
0x96: {  	s17 =	sld [smem:$0x10];
	(tm) =	ssettm $0x1  }
0x97: {  	s18 =	sld [smem:$0x3FFB];
	_ =	sdelay $0x3  }
0x98: {  	_ =	strace s18  }
0x99: {  	s3 =	sld [smem:$0x3FFC];
	_ =	sdelay $0x3  }
0x9a: {  	_ =	strace s3  }
0x9b: {  	s3 =	sld [smem:$0x3FFD];
	_ =	sdelay $0x3  }
0x9c: {  	_ =	strace s3  }
0x9d: {  	_ =	strace $0x8FFFFFFF  }
0x9e: {  	s19 =	sld [smem:$0x3FDB];
	_ =	sdelay $0x1  }
0x9f: {  	s20 =	simm.s32 $_scs_section_size  }
0xa0: {  	s6 =	simm.s32 $_size__tile_overlayer_lowered;
	s7 =	simm.s32 $_tile_overlayer_lowered  }
0xa1: {  	s8 =	simm.s32 $0x1BFF;
	s21 =	sshll.u32 s7, $0x1;
	s5 =	sadd.s32 s20, s19  }
0xa2: {  	s22 =	simm.s32 $0x0;
	s6 =	sshll.u32 s6, $0x1;
	s7 =	sadd.s32 s21, s5  }
0xa3: {  	[timem:s22], [sflag:s8] =	dma.local [hbm:s7], s6  }
0xa4: {  	_ =	swait.ge [sflag:s8], s6  }
0xa5: {  	s6 =	ssub.s32 $0x0, s6;
	[sflag:s8] =	ssyncset.done $0x0  }
0xa6: {  	[sflag:s8] =	ssyncadd.s32 s6;
	_ =	sdelay $0x1  }
0xa7: {  	s23 =	simm.s32 $0x1B8B  }
0xa8: {  	_ =	swait.ge [sflag:s23], $0x1  }
0xa9: {  	[sflag:s23] =	ssyncset.done $0x0  }
0xaa: {  	[sflag:s23] =	ssyncadd.s32 $0xFFFFFFFF  }
0xab: {  	s6 =	sld [smem:$0x0]  }
0xac: {  	s7 =	sand.u32 $0xFFFFFFFE, s1  }
0xad: {  	p0 =	sne.s32 s1, s7  }
0xae: {  	s7 =	sshll.u32 @p0 s7, $0xE  }
0xaf: {  	s7 =	sadd.s32 @p0 $0x11B8D, s7;
	s8 =	sshll.u32 @p0 s6, $0x11  }
0xb0: {  	s7 =	sor.u32 @p0 s8, s7  }
0xb1: {  	[sflag:s7] =	ssyncadd.remote.s32 @p0 $0x1;
	_ =	sdelay $0x1  }
0xb2: {  	s7 =	simm.s32 @p0 $0x1B8D  }
0xb3: {  	_ =	swait.eq @p0 [sflag:s7], $0x1  }
0xb4: {  	[sflag:s7] =	ssyncadd.s32 @p0 $0xFFFFFFFF  }
0xb5: {  	s8 =	sshll.u32 @!p0 s1, $0xE  }
0xb6: {  	s8 =	sor.u32 @!p0 $0x4000, s8;
	s7 =	simm.s32 @!p0 $0x1B8D  }
0xb7: {  	s6 =	sshll.u32 @!p0 s6, $0x11;
	s8 =	sadd.s32 @!p0 $0x11B8D, s8;
	_ =	swait.eq @!p0 [sflag:s7], $0x1  }
0xb8: {  	s6 =	sor.u32 @!p0 s6, s8;
	[sflag:s7] =	ssyncadd.s32 @!p0 $0xFFFFFFFF  }
0xb9: {  	s25 =	simm.s32 $0x1B8E;
	s24 =	sld [smem:$0x3FFE];
	[sflag:s6] =	ssyncadd.remote.s32 @!p0 $0x1  }
0xba: {  	s26 =	simm.s32 $execute0_lowered;
	[smem:$0x3FD2] =	sst s25  }
0xbb: {  	s7 =	sshll.u32 s26, $0x1;
	_ =	strace $0x8000004F;
	[dreg:$0x1] =	wrdreg $0xFFFFFFFF  }
0xbc: {  	s28 =	simm.s32 $_size_execute0_lowered;
	s5 =	sadd.s32 s5, s7;
	[dreg:$0x0] =	wrdreg $0x0  }
0xbd: {  	s7 =	sshll.u32 s28, $0x1;
	[dreg:$0x2] =	wrdreg s5  }
0xbe: {  	[dreg:$0x3] =	wrdreg s7  }
0xbf: {  	[dreg:$0x4] =	wrdreg $0xC0  }
0xc0: {  	_ =	task [dreg:s22], $0x5FFFF  }
0xc1: {  	[dreg:$0x1] =	wrdreg $0xFFFFFFFF  }
0xc2: {  	[dreg:$0x0] =	wrdreg $0x60  }
0xc3: {  	[dreg:$0x2] =	wrdreg s2  }
0xc4: {  	[dreg:$0x3] =	wrdreg s17  }
0xc5: {  	[dreg:$0x4] =	wrdreg s24  }
0xc6: {  	[dreg:$0x5] =	wrdreg $0xC  }
0xc7: {  	_ =	task.clear_ibuf [dreg:s22], $0x6FFFF;
	_ =	strace $0x9000004F  }
0xc8: {  	s29 =	simm.s32 $0xC;
	_ =	strace $0x80000051  }
0xc9: {  	_ =	swait.ge [sflag:s29], $0x1  }
0xca: {  	[sflag:s29] =	ssyncadd.s32 $0xFFFFFFFF  }
0xcb: {  	_ =	strace $0x90000051  }
0xcc: {  	_ =	sfence  }
0xcd: {  	s30 =	sld [smem:$0x0];
	_ =	sdelay $0x2  }
0xce: {  	s31 =	sshll.u32 s1, $0xD;
	s1 =	sshrl.u32 s1, $0x2  }
0xcf: {  	s4 =	sand.u32 $0x4000, s31;
	s1 =	sadd.s32 s1, s30  }
0xd0: {  	s0 =	sor.u32 s4, s0;
	s1 =	sshll.u32 s1, $0x11  }
0xd1: {  	s0 =	sor.u32 s1, s0  }
0xd2: {  	s0 =	sadd.s32 $0x8F2B, s0  }
0xd3: {  	[sflag:s0] =	ssyncadd.remote.s32 $0x1  }
0xd4: {  	_ =	sfence.sel $0xFFFF  }
0xd5: {  	[dreg:$0x0] =	wrdreg $0xFFFFFFFF;
	(pc) =	sbr.abs _section_cstart, $3  }
0xd6: {  	[dreg:$0x1] =	wrdreg $0xFFFFFFFF  }
0xd7: {  	_ =	task.clear_ibuf [dreg:s22], $0x2FFFF;
	_ =	strace $0x9FFFFFFF  }
0xd8: {  	(tm) =	ssettm $0x7FFFFFFF  }
0xd9: {  	_ =	shalt  }
tec
execute0_lowered:
.L_overlay_start_1:
0x0: {  	(tag) =	ssettag $0x1  }
0x1: {  	s1 =	rddreg [dreg:$0x0]  }
0x2: {  	s8 =	rddreg [dreg:$0x1];
	s2 =	srdreg.scid  }
0x3: {  	s0 =	stileid.u32;
	s4 =	rddreg [dreg:$0x2]  }
0x4: {  	s3 =	simm.s32 $0x0;
	s12 =	simm.s32 $0x4100;
	s13 =	simm.s32 $0x1  }
0x5: {  	s14 =	simm.s32 $0x2;
	s5 =	sand.u32 $0x1, s2;
	s6 =	smul.u32 $0x1400, s0  }
0x6: {  	s15 =	simm.s32 $0x0;
	[smem:$0x7FF] =	sst s3;
	s7 =	smul.u32 $0xA00, s5  }
0x7: {  	s2 =	rddreg [dreg:$0x3];
	s28 =	smul.u32 $0x14000, s0;
	_ =	strace $0x80000050  }
0x8: {  	s9 =	ssub.s32 $0x2, s5;
	s5 =	smul.u32 $0xA000, s5;
	s6 =	sadd.s32 s7, s6  }
0x9: {  	s29 =	sadd.s32 s28, s4;
	s30 =	sshrl.u32 s9, $0x1;
	s6 =	sadd.s32 $0x3C000, s6  }
0xa: {  	s31 =	ssub.s32 s9, s30;
	s9 =	simm.s32 $0x3;
	s10 =	sshrl.u32 s6, $0x3  }
0xb: {  	s6 =	sadd.s32 s5, s29;
	s11 =	sadd.s32 s10, s4;
	s4 =	smax.u32 s31, $0x1  }
0xc: {  	s5 =	sadd.s32 $0x8CFE00, s6;
	s6 =	sadd.s32 $0x78FE00, s6;
	s8 =	sadd.s32 s10, s8  }
0xd: {  	s10 =	simm.s32 $0x80;
	s7 =	sadd.s32 $0x5E00, s11;
	s11 =	simm.s32 $0x100  }
.LBB2_1:
0xe: {  	s16 =	sadd.s32 $0x0, s8  }
0xf: {  	[tilespmem:s3], [sflag:$0x3] =	stream.linear.gather [hbm4b:s16+s3], $0x80, $0x38;
	[tilespmem:$0x8100] =	vst v63  }
0x10: {  	_ =	swait.ge [sflag:s9], $0x80  }
0x11: {  	[sflag:s9] =	ssyncset.done $0x0  }
0x12: {  	s31 =	sadd.s32 $0x0, s7;
	[sflag:s9] =	ssyncadd.s32 $0xFFFFFF80  }
0x13: {  	[tilespmem:s10], [sflag:$0x3] =	stream.linear.gather [hbm4b:s31+s3], $0x80, $0x38;
	[tilespmem:$0x8100] =	vst v63  }
0x14: {  	_ =	swait.ge [sflag:s9], $0x80  }
0x15: {  	[sflag:s9] =	ssyncset.done $0x0  }
0x16: {  	[sflag:s9] =	ssyncadd.s32 $0xFFFFFF80  }
0x17: {  	[tilespmem:s11], [sflag:$0x1] =	stream.indirect.gather [hbm4b:s1+s10], $0x80, s3, s10, $0xb8;
	[tilespmem:$0x8100] =	vst v63  }
0x18: {  	_ = 	snop  }
0x19: {  	[tilespmem:s12], [sflag:$0x2] =	stream.indirect.gather [hbm4b:s1+s10], $0x80, s10, s10, $0xb8;
	[tilespmem:$0x8100] =	vst v63  }
0x1a: {  	_ =	swait.ge [sflag:s13], $0x4000  }
0x1b: {  	[sflag:s13] =	ssyncset.done $0x0  }
0x1c: {  	[sflag:s13] =	ssyncadd.s32 $0xFFFFC000  }
0x1d: {  	[hbm4b:s6+s3] =	stream.linear.scatter [tilespmem:s11], [sflag:$0x3], $0x4000, $0x38;
	[tilespmem:$0x8100] =	vst v63  }
0x1e: {  	_ =	swait.ge [sflag:s9], $0x4000  }
0x1f: {  	[sflag:s9] =	ssyncset.done $0x0  }
0x20: {  	[sflag:s9] =	ssyncadd.s32 $0xFFFFC000  }
0x21: {  	_ =	swait.ge [sflag:s14], $0x4000  }
0x22: {  	[sflag:s14] =	ssyncset.done $0x0  }
0x23: {  	[sflag:s14] =	ssyncadd.s32 $0xFFFFC000  }
0x24: {  	[hbm4b:s5+s3] =	stream.linear.scatter [tilespmem:s12], [sflag:$0x3], $0x4000, $0x38;
	[tilespmem:$0x8100] =	vst v63  }
0x25: {  	s18 =	simm.s32 $0x10;
	s19 =	simm.s32 $0x20;
	_ =	swait.ge [sflag:s9], $0x4000  }
0x26: {  	s17 =	sadd.s32 $0x800, s6;
	s16 =	sadd.s32 $0x800, s5;
	[sflag:s9] =	ssyncset.done $0x0  }
.LBB2_2:
0x27: {  	s20 =	sadd.s32 s18, s8  }
0x28: {  	[sflag:s9] =	ssyncadd.s32 $0xFFFFC000;
	s21 =	smov.u32 s19;
	s22 =	sadd.s32 $0x10, s19  }
0x29: {  	[tilespmem:s3], [sflag:$0x3] =	stream.linear.gather [hbm4b:s20+s3], $0x80, $0x38;
	[tilespmem:$0x8100] =	vst v63  }
0x2a: {  	p0 =	sne.s32 s19, $0x130;
	_ =	swait.ge [sflag:s9], $0x80  }
0x2b: {  	[sflag:s9] =	ssyncset.done $0x0  }
0x2c: {  	s19 =	sadd.s32 s18, s7;
	s18 =	smov.u32 s21;
	[sflag:s9] =	ssyncadd.s32 $0xFFFFFF80  }
0x2d: {  	[tilespmem:s10], [sflag:$0x3] =	stream.linear.gather [hbm4b:s19+s3], $0x80, $0x38;
	[tilespmem:$0x8100] =	vst v63  }
0x2e: {  	_ =	swait.ge [sflag:s9], $0x80  }
0x2f: {  	[sflag:s9] =	ssyncset.done $0x0  }
0x30: {  	[sflag:s9] =	ssyncadd.s32 $0xFFFFFF80  }
0x31: {  	[tilespmem:s11], [sflag:$0x1] =	stream.indirect.gather [hbm4b:s1+s10], $0x80, s3, s10, $0xb8;
	[tilespmem:$0x8100] =	vst v63  }
0x32: {  	_ = 	snop  }
0x33: {  	[tilespmem:s12], [sflag:$0x2] =	stream.indirect.gather [hbm4b:s1+s10], $0x80, s10, s10, $0xb8;
	[tilespmem:$0x8100] =	vst v63  }
0x34: {  	_ =	swait.ge [sflag:s13], $0x4000  }
0x35: {  	[sflag:s13] =	ssyncset.done $0x0  }
0x36: {  	[sflag:s13] =	ssyncadd.s32 $0xFFFFC000  }
0x37: {  	[hbm4b:s17+s3] =	stream.linear.scatter [tilespmem:s11], [sflag:$0x3], $0x4000, $0x38;
	[tilespmem:$0x8100] =	vst v63  }
0x38: {  	_ =	swait.ge [sflag:s9], $0x4000  }
0x39: {  	[sflag:s9] =	ssyncset.done $0x0  }
0x3a: {  	[sflag:s9] =	ssyncadd.s32 $0xFFFFC000  }
0x3b: {  	_ =	swait.ge [sflag:s14], $0x4000  }
.Ltmp0:
0x3c: {  	[sflag:s14] =	ssyncset.done $0x0;
	(pc) =	sbr.rel @p0 .LBB2_2-.Ltmp0, $4  }
0x3d: {  	[sflag:s14] =	ssyncadd.s32 $0xFFFFC000  }
0x3e: {  	[hbm4b:s16+s3] =	stream.linear.scatter [tilespmem:s12], [sflag:$0x3], $0x4000, $0x38;
	[tilespmem:$0x8100] =	vst v63  }
0x3f: {  	s19 =	smov.u32 s22;
	_ =	swait.ge [sflag:s9], $0x4000  }
0x40: {  	s17 =	sadd.s32 $0x800, s17;
	s16 =	sadd.s32 $0x800, s16;
	[sflag:s9] =	ssyncset.done $0x0  }
0x41: {  	s19 =	sadd.s32 s18, s8;
	[sflag:s9] =	ssyncadd.s32 $0xFFFFC000  }
0x42: {  	[tilespmem:s3], [sflag:$0x3] =	stream.linear.gather [hbm4b:s19+s3], $0x80, $0x38;
	[tilespmem:$0x8100] =	vst v63  }
0x43: {  	_ =	swait.ge [sflag:s9], $0x80  }
0x44: {  	[sflag:s9] =	ssyncset.done $0x0  }
0x45: {  	s31 =	sadd.s32 s18, s7;
	[sflag:s9] =	ssyncadd.s32 $0xFFFFFF80  }
0x46: {  	[tilespmem:s10], [sflag:$0x3] =	stream.linear.gather [hbm4b:s31+s3], $0x80, $0x38;
	[tilespmem:$0x8100] =	vst v63  }
0x47: {  	_ =	swait.ge [sflag:s9], $0x80  }
0x48: {  	[sflag:s9] =	ssyncset.done $0x0  }
0x49: {  	[sflag:s9] =	ssyncadd.s32 $0xFFFFFF80  }
0x4a: {  	[tilespmem:s11], [sflag:$0x1] =	stream.indirect.gather [hbm4b:s1+s10], $0x80, s3, s10, $0xb8;
	[tilespmem:$0x8100] =	vst v63  }
0x4b: {  	_ = 	snop  }
0x4c: {  	[tilespmem:s12], [sflag:$0x2] =	stream.indirect.gather [hbm4b:s1+s10], $0x80, s10, s10, $0xb8;
	[tilespmem:$0x8100] =	vst v63  }
0x4d: {  	_ =	swait.ge [sflag:s13], $0x4000  }
0x4e: {  	[sflag:s13] =	ssyncset.done $0x0  }
0x4f: {  	[sflag:s13] =	ssyncadd.s32 $0xFFFFC000  }
0x50: {  	[hbm4b:s17+s3] =	stream.linear.scatter [tilespmem:s11], [sflag:$0x3], $0x4000, $0x38;
	[tilespmem:$0x8100] =	vst v63  }
0x51: {  	_ =	swait.ge [sflag:s9], $0x4000  }
0x52: {  	[sflag:s9] =	ssyncset.done $0x0  }
0x53: {  	[sflag:s9] =	ssyncadd.s32 $0xFFFFC000  }
0x54: {  	s15 =	sadd.s32 $0x1, s15;
	_ =	swait.ge [sflag:s14], $0x4000  }
0x55: {  	p0 =	sne.s32 s15, s4;
	[sflag:s14] =	ssyncset.done $0x0  }
.Ltmp1:
0x56: {  	[sflag:s14] =	ssyncadd.s32 $0xFFFFC000;
	(pc) =	sbr.rel @p0 .LBB2_1-.Ltmp1, $4  }
0x57: {  	[hbm4b:s16+s3] =	stream.linear.scatter [tilespmem:s12], [sflag:$0x3], $0x4000, $0x38;
	[tilespmem:$0x8100] =	vst v63  }
0x58: {  	_ =	swait.ge [sflag:s9], $0x4000  }
0x59: {  	[sflag:s9] =	ssyncset.done $0x0  }
0x5a: {  	[sflag:s9] =	ssyncadd.s32 $0xFFFFC000  }
0x5b: {  	_ =	sfence.sel $0x180000  }
0x5c: {  	[bflag:$0x0] =	sbarrier.arrive $0xFFFF  }
0x5d: {  	p0 =	sne.s32 s0, $0x0;
	_ =	strace $0x90000050  }
0x5e: {  	s0 =	sadd.s32 @!p0 $0x100000, s2;
	[bflag:$0x2] =	sbarrier.arrive $0xFFFF  }
0x5f: {  	[sflag:s0] =	ssyncadd.tile.s32 @!p0 $0x1;
	_ =	shalt  }
.Lfunc_end2:
_tile_overlayer_lowered:
.L_overlay_start_2:
0x60: {  	(tag) =	ssettag $0x2  }
0x61: {  	s0 =	rddreg [dreg:$0x0];
	s2 =	stileid.u32  }
0x62: {  	s1 =	rddreg [dreg:$0x1];
	p0 =	sne.s32 s2, $0x0  }
0x63: {  	s3 =	rddreg [dreg:$0x2];
	[bflag:$0x3] =	sbarrier.arrive $0xFFFF;
	s2 =	simm.s32 @!p0 $0x1C03  }
0x64: {  	[timem:s3], [sflag:s2] =	dma.local @!p0 [hbm:s0], s1  }
0x65: {  	s0 =	simm.s32 @!p0 $0x3  }
0x66: {  	_ =	swait.ge @!p0 [sflag:s0], s1  }
0x67: {  	s1 =	ssub.s32 @!p0 $0x0, s1;
	[sflag:s0] =	ssyncset.done @!p0 $0x0  }
0x68: {  	[sflag:s0] =	ssyncadd.s32 @!p0 s1  }
0x69: {  	[bflag:$0x3] =	sbarrier.arrive $0xFFFF  }
0x6a: {  	_ =	shalt  }

// kernel: kernel.24.cloned.1.call-start
scs
__scs_entry_jumppad:
0x0: {  	(pc) =	sbr.rel $0x88, $3  }
0x1: {  	(tag) =	ssettag $0x0;
	lr =	simm.s32 $0x1  }
0x2: {  	[smem:$0x3F8E] =	sst lr;
	_ =	strace $0xD0000000  }
0x3: {  	_ = 	snop  }
0x4: {  	_ = 	snop  }
0x5: {  	_ = 	snop  }
0x6: {  	_ = 	snop  }
0x7: {  	_ = 	snop  }
__scs_overlays_trampoline_lowered:
0x8: {  	[smem:$0x3F9D] =	sst s0  }
0x9: {  	[smem:$0x3F9E] =	sst s1  }
0xa: {  	[smem:$0x3F9F] =	sst s2  }
0xb: {  	[smem:$0x3FA0] =	sst s3  }
0xc: {  	[smem:$0x3FA1] =	sst s4  }
0xd: {  	[smem:$0x3FA2] =	sst s5  }
0xe: {  	[smem:$0x3FA3] =	sst s6  }
0xf: {  	[smem:$0x3FA4] =	sst s7  }
0x10: {  	[smem:$0x3FA5] =	sst s8  }
0x11: {  	[smem:$0x3FA6] =	sst s9;
	s0 =	simm.s32 @!p0 $0x0  }
0x12: {  	s1 =	sld [smem:$0x3F8C];
	s0 =	simm.s32 @p0 $0x1  }
0x13: {  	[smem:$0x3FA7] =	sst s0;
	s0 =	simm.s32 @!p1 $0x0  }
0x14: {  	s2 =	sld [smem:$0x3F8B];
	s0 =	simm.s32 @p1 $0x1  }
0x15: {  	[smem:$0x3FA8] =	sst s0;
	s0 =	simm.s32 @!p2 $0x0  }
0x16: {  	s3 =	sld [smem:$0x3FDB];
	s0 =	simm.s32 @p2 $0x1  }
0x17: {  	s4 =	simm.s32 $0x1BF5;
	[smem:$0x3FAA] =	sst s0  }
0x18: {  	s0 =	sld [smem:$0x3F8D];
	_ =	swait.ge [sflag:s4], $0x0  }
0x19: {  	s7 =	sld [smem:$0x3F8E]  }
0x1a: {  	s8 =	sadd.s32 $0xFFFFE003, lr  }
0x1b: {  	s9 =	sadd.s32 $0xFFFFFEF7, lr;
	s5 =	simm.s32 $0xFFFFFFFF;
	p2 =	slt.u32 s8, $0xFFFFF086  }
0x1c: {  	p1 =	slt.u32 s9, $0xF7A;
	s5 =	simm.s32 @!p2 $0x0  }
0x1d: {  	s5 =	simm.s32 @p1 $0x1;
	p0 =	seq.s32 s7, s2  }
0x1e: {  	s7 =	smul.u32 @!p0 $0xF7A, s2;
	p2 =	seq.s32 @!p0 s5, $0x0  }
0x1f: {  	s9 =	smul.u32 $0xF7A, s1;
	s8 =	simm.s32 @!p0 $0x1BF5;
	p2 =	por !p2, p0  }
0x20: {  	[sflag:s8] =	ssyncset.s32 @!p0 $0xFFFFF086;
	s6 =	sadd.s32 @!p0 s3, s7;
	s7 =	simm.s32 @!p0 $0x108  }
0x21: {  	s3 =	sadd.s32 s3, s9;
	s6 =	sadd.s32 @!p0 $0x88, s6;
	s7 =	simm.s32 @p2 $0x1082  }
0x22: {  	[simem:s7], [sflag:s8] =	dma.local @!p0 [hbm:s6], $0xF7A  }
0x23: {  	s9 =	sor.u32 $0xD0000000, s2;
	s6 =	simm.s32 $0x108;
	_ =	swait.ge @!p0 [sflag:s8], $0x0  }
0x24: {  	s3 =	sadd.s32 $0x88, s3;
	s6 =	simm.s32 @!p1 $0x1082;
	[sflag:s4] =	ssyncset.s32 $0xFFFFF086  }
0x25: {  	[simem:s6], [sflag:s4] =	dma.local [hbm:s3], $0xF7A  }
0x26: {  	[smem:$0x3F8E] =	sst s1;
	(tag) =	ssettag s2;
	_ =	strace s9  }
0x27: {  	s1 =	sld [smem:$0x3F9E]  }
0x28: {  	s2 =	sld [smem:$0x3F9F]  }
0x29: {  	s4 =	sld [smem:$0x3FA1]  }
0x2a: {  	p0 =	seq.s32 s5, $0x0;
	s5 =	sld [smem:$0x3FA2]  }
0x2b: {  	s6 =	sld [smem:$0x3FA3]  }
0x2c: {  	s7 =	sld [smem:$0x3FA4]  }
0x2d: {  	s3 =	simm.s32 $0x108;
	s8 =	sld [smem:$0x3FA5]  }
0x2e: {  	s3 =	simm.s32 @!p0 $0x1082;
	s9 =	sld [smem:$0x3FA6]  }
0x2f: {  	lr =	sadd.s32 s0, s3;
	s0 =	sld [smem:$0x3F9D]  }
0x30: {  	s3 =	sld [smem:$0x3FA0]  }
0x31: {  	[smem:$0x3FA9] =	sst s10  }
0x32: {  	s10 =	sld [smem:$0x3FA7];
	_ =	sdelay $0x3  }
0x33: {  	p0 =	seq.s32 s10, $0x1;
	s10 =	sld [smem:$0x3FA9];
	_ =	sdelay $0x3  }
0x34: {  	[smem:$0x3FA9] =	sst s10  }
0x35: {  	s10 =	sld [smem:$0x3FA8];
	_ =	sdelay $0x3  }
0x36: {  	p1 =	seq.s32 s10, $0x1;
	s10 =	sld [smem:$0x3FA9];
	_ =	sdelay $0x3  }
0x37: {  	[smem:$0x3FA9] =	sst s10  }
0x38: {  	s10 =	sld [smem:$0x3FAA]  }
0x39: {  	_ = 	snop;
	(pc) =	sbr.ind lr, $3  }
0x3a: {  	_ = 	snop  }
0x3b: {  	_ = 	snop  }
0x3c: {  	p2 =	seq.s32 s10, $0x1;
	s10 =	sld [smem:$0x3FA9]  }
0x3d: {  	_ =	shalt  }
0x3e: {  	_ =	shalt  }
0x3f: {  	_ =	shalt  }
0x40: {  	_ =	shalt  }
0x41: {  	_ =	shalt  }
0x42: {  	_ =	shalt  }
0x43: {  	_ =	shalt  }
0x44: {  	_ =	shalt  }
0x45: {  	_ =	shalt  }
0x46: {  	_ =	shalt  }
0x47: {  	_ =	shalt  }
0x48: {  	_ =	shalt  }
0x49: {  	_ =	shalt  }
0x4a: {  	_ =	shalt  }
0x4b: {  	_ =	shalt  }
0x4c: {  	_ =	shalt  }
0x4d: {  	_ =	shalt  }
0x4e: {  	_ =	shalt  }
0x4f: {  	_ =	shalt  }
0x50: {  	_ =	shalt  }
0x51: {  	_ =	shalt  }
0x52: {  	_ =	shalt  }
0x53: {  	_ =	shalt  }
0x54: {  	_ =	shalt  }
0x55: {  	_ =	shalt  }
0x56: {  	_ =	shalt  }
0x57: {  	_ =	shalt  }
0x58: {  	_ =	shalt  }
0x59: {  	_ =	shalt  }
0x5a: {  	_ =	shalt  }
0x5b: {  	_ =	shalt  }
0x5c: {  	_ =	shalt  }
0x5d: {  	_ =	shalt  }
0x5e: {  	_ =	shalt  }
0x5f: {  	_ =	shalt  }
0x60: {  	_ =	shalt  }
0x61: {  	_ =	shalt  }
0x62: {  	_ =	shalt  }
0x63: {  	_ =	shalt  }
0x64: {  	_ =	shalt  }
0x65: {  	_ =	shalt  }
0x66: {  	_ =	shalt  }
0x67: {  	_ =	shalt  }
0x68: {  	_ =	shalt  }
0x69: {  	_ =	shalt  }
0x6a: {  	_ =	shalt  }
0x6b: {  	_ =	shalt  }
0x6c: {  	_ =	shalt  }
0x6d: {  	_ =	shalt  }
0x6e: {  	_ =	shalt  }
0x6f: {  	_ =	shalt  }
0x70: {  	_ =	shalt  }
0x71: {  	_ =	shalt  }
0x72: {  	_ =	shalt  }
0x73: {  	_ =	shalt  }
0x74: {  	_ =	shalt  }
0x75: {  	_ =	shalt  }
0x76: {  	_ =	shalt  }
0x77: {  	_ =	shalt  }
0x78: {  	_ =	shalt  }
0x79: {  	_ =	shalt  }
0x7a: {  	_ =	shalt  }
0x7b: {  	_ =	shalt  }
0x7c: {  	_ =	shalt  }
0x7d: {  	_ =	shalt  }
0x7e: {  	_ =	shalt  }
0x7f: {  	_ =	shalt  }
0x80: {  	_ =	shalt  }
0x81: {  	_ =	shalt  }
0x82: {  	_ =	shalt  }
0x83: {  	_ =	shalt  }
0x84: {  	_ =	shalt  }
0x85: {  	_ =	shalt  }
0x86: {  	_ =	shalt  }
0x87: {  	_ =	shalt  }
.Lfunc_end0:
.L_simem_size_0:
called_computation.4_lowered:
.L_overlay_start_0:
0x88: {  	s2 =	sld [smem:$0x3FD9]  }
0x89: {  	s3 =	sld [smem:$0x3FFE];
	_ =	sdelay $0x1  }
0x8a: {  	s1 =	srdreg.scid  }
0x8b: {  	s0 =	sand.u32 $0x1, s1  }
0x8c: {  	s14 =	sshll.u32 s0, $0xA;
	s2 =	sadd.s32 s3, s2  }
0x8d: {  	s2 =	sadd.s32 s2, s14  }
0x8e: {  	[smem:$0x3FB5] =	sst s2  }
0x8f: {  	_ = 	snop  }
0x90: {  	s2 =	sld [smem:$0x3FD0];
	_ =	sdelay $0x2  }
0x91: {  	s15 =	simm.s32 $0xD;
	s4 =	simm.s32 $0x10  }
0x92: {  	[smem:s4], [sflag:s15] =	dma.local [hbm:s2], $0x1  }
0x93: {  	_ =	swait.eq [sflag:s15], $0x1  }
0x94: {  	[sflag:s15] =	ssyncset.done $0x0  }
0x95: {  	[sflag:s15] =	ssyncadd.s32 $0xFFFFFFFF  }
0x96: {  	s16 =	sld [smem:$0x10];
	(tm) =	ssettm $0x1  }
0x97: {  	s17 =	sld [smem:$0x3FFB];
	_ =	sdelay $0x3  }
0x98: {  	_ =	strace s17  }
0x99: {  	s3 =	sld [smem:$0x3FFC];
	_ =	sdelay $0x3  }
0x9a: {  	_ =	strace s3  }
0x9b: {  	s3 =	sld [smem:$0x3FFD];
	_ =	sdelay $0x3  }
0x9c: {  	_ =	strace s3  }
0x9d: {  	_ =	strace $0x8FFFFFFF  }
0x9e: {  	s18 =	sld [smem:$0x3FDB];
	_ =	sdelay $0x1  }
0x9f: {  	s19 =	simm.s32 $_scs_section_size  }
0xa0: {  	s5 =	simm.s32 $_size__tile_overlayer_lowered;
	s6 =	simm.s32 $_tile_overlayer_lowered  }
0xa1: {  	s22 =	simm.s32 $0x1BFF;
	s21 =	sshll.u32 s6, $0x1;
	s3 =	sadd.s32 s19, s18  }
0xa2: {  	s7 =	simm.s32 $0x0;
	s20 =	sshll.u32 s5, $0x1;
	s5 =	sadd.s32 s21, s3  }
0xa3: {  	[timem:s7], [sflag:s22] =	dma.local [hbm:s5], s20  }
0xa4: {  	_ =	swait.ge [sflag:s22], s20  }
0xa5: {  	s4 =	ssub.s32 $0x0, s20;
	[sflag:s22] =	ssyncset.done $0x0  }
0xa6: {  	[sflag:s22] =	ssyncadd.s32 s4;
	_ =	sdelay $0x1  }
0xa7: {  	s23 =	simm.s32 $0x1B8B  }
0xa8: {  	_ =	swait.ge [sflag:s23], $0x1  }
0xa9: {  	[sflag:s23] =	ssyncset.done $0x0  }
0xaa: {  	s25 =	simm.s32 $0x1B8E;
	s24 =	sld [smem:$0x3FFE];
	[sflag:s23] =	ssyncadd.s32 $0xFFFFFFFF  }
0xab: {  	s26 =	simm.s32 $execute0_lowered;
	[smem:$0x3FD2] =	sst s25  }
0xac: {  	s5 =	sshll.u32 s26, $0x1;
	_ =	strace $0x80000052;
	[dreg:$0x1] =	wrdreg $0xFFFFFFFF  }
0xad: {  	s28 =	simm.s32 $_size_execute0_lowered;
	s3 =	sadd.s32 s3, s5;
	[dreg:$0x0] =	wrdreg $0x0  }
0xae: {  	s5 =	sshll.u32 s28, $0x1;
	[dreg:$0x2] =	wrdreg s3  }
0xaf: {  	[dreg:$0x3] =	wrdreg s5  }
0xb0: {  	[dreg:$0x4] =	wrdreg $0xC0  }
0xb1: {  	_ =	task [dreg:s7], $0x5FFFF  }
0xb2: {  	[dreg:$0x1] =	wrdreg $0xFFFFFFFF  }
0xb3: {  	[dreg:$0x0] =	wrdreg $0x60  }
0xb4: {  	[dreg:$0x2] =	wrdreg s24  }
0xb5: {  	[dreg:$0x3] =	wrdreg s16  }
0xb6: {  	[dreg:$0x4] =	wrdreg $0x6C000  }
0xb7: {  	[dreg:$0x5] =	wrdreg $0x9  }
0xb8: {  	_ =	task.clear_ibuf [dreg:s7], $0x6FFFF;
	_ =	strace $0x90000052  }
0xb9: {  	s29 =	simm.s32 $0x9;
	_ =	strace $0x80000054  }
0xba: {  	_ =	swait.ge [sflag:s29], $0x1  }
0xbb: {  	[sflag:s29] =	ssyncadd.s32 $0xFFFFFFFF  }
0xbc: {  	_ =	strace $0x90000054  }
0xbd: {  	_ =	sfence  }
0xbe: {  	s30 =	sld [smem:$0x0];
	_ =	sdelay $0x2  }
0xbf: {  	s31 =	sshll.u32 s1, $0xD;
	s1 =	sshrl.u32 s1, $0x2  }
0xc0: {  	s3 =	sand.u32 $0x4000, s31;
	s1 =	sadd.s32 s1, s30  }
0xc1: {  	s0 =	sor.u32 s3, s0;
	s1 =	sshll.u32 s1, $0x11  }
0xc2: {  	s0 =	sor.u32 s1, s0  }
0xc3: {  	s0 =	sadd.s32 $0x8F2B, s0  }
0xc4: {  	[sflag:s0] =	ssyncadd.remote.s32 $0x1  }
0xc5: {  	_ =	sfence.sel $0xFFFF  }
0xc6: {  	[dreg:$0x0] =	wrdreg $0xFFFFFFFF;
	(pc) =	sbr.abs _section_cstart, $3  }
0xc7: {  	[dreg:$0x1] =	wrdreg $0xFFFFFFFF  }
0xc8: {  	_ =	task.clear_ibuf [dreg:s7], $0x2FFFF;
	_ =	strace $0x9FFFFFFF  }
0xc9: {  	(tm) =	ssettm $0x7FFFFFFF  }
tec
execute0_lowered:
.L_overlay_start_1:
0x0: {  	(tag) =	ssettag $0x1  }
0x1: {  	s0 =	rddreg [dreg:$0x0]  }
0x2: {  	s1 =	rddreg [dreg:$0x1]  }
0x3: {  	s2 =	rddreg [dreg:$0x2];
	s16 =	stileid.u32;
	s3 =	simm.s32 $0x0  }
0x4: {  	s5 =	srdreg.scid;
	s17 =	simm.s32 $0xC00;
	s4 =	smul.u32 $0xA000, s16  }
0x5: {  	s18 =	simm.s32 $0x100;
	s19 =	simm.s32 $0x1400;
	s7 =	smul.u32 $0xA00, s16  }
0x6: {  	s20 =	simm.s32 $0x180;
	s21 =	simm.s32 $0x1C00;
	s9 =	smul.u32 $0x2800, s16  }
0x7: {  	s28 =	simm.s32 $0x300;
	s29 =	simm.s32 $0x3400;
	s12 =	smul.u32 $0x50000, s16  }
0x8: {  	s30 =	simm.s32 $0x380;
	s8 =	sand.u32 $0x1, s5;
	s16 =	smul.u32 $0xA0, s16  }
0x9: {  	s31 =	simm.s32 $0x3C00;
	s5 =	sadd.s32 $0x2DFE00, s0;
	s10 =	smul.u32 $0x5000, s8  }
0xa: {  	[smem:$0x7FF] =	sst s3;
	s6 =	sadd.s32 $0x447E00, s0;
	s14 =	smul.u32 $0x28000, s8  }
0xb: {  	_ =	strace $0x80000053;
	s13 =	ssub.s32 $0x2, s8;
	s22 =	smul.u32 $0x50, s8  }
0xc: {  	s8 =	smul.u32 $0x500, s8;
	s11 =	sadd.s32 s4, s0;
	s4 =	sadd.s32 $0x177E00, s0  }
0xd: {  	s15 =	sshrl.u32 s13, $0x1;
	s0 =	sadd.s32 s7, s0;
	s7 =	sadd.s32 s9, s2  }
0xe: {  	s24 =	sshrl.u32 s9, $0x3;
	s13 =	ssub.s32 s13, s15;
	s1 =	sadd.s32 s1, s10  }
0xf: {  	s9 =	sadd.s32 s14, s12;
	s25 =	sadd.s32 s22, s16;
	s10 =	sadd.s32 s10, s11  }
0x10: {  	s0 =	sadd.s32 s8, s0;
	s14 =	simm.s32 $0x1;
	s15 =	simm.s32 $0x400  }
0x11: {  	s16 =	simm.s32 $0x80;
	s23 =	smax.u32 s13, $0x1;
	[dreg:$0x5] =	wrdreg s25  }
0x12: {  	s22 =	simm.s32 $0x200;
	s26 =	sadd.s32 $0xFE00, s10;
	[dreg:$0x4] =	wrdreg s23  }
0x13: {  	s0 =	sadd.s32 $0x5E00, s0;
	s13 =	simm.s32 $0x4400;
	[dreg:$0x6] =	wrdreg s26  }
0x14: {  	s24 =	sadd.s32 s24, s1;
	s25 =	simm.s32 $0x280;
	[dreg:$0x7] =	wrdreg s0  }
0x15: {  	v0 =	vimm.f32 $0.0e+00;
	s23 =	simm.s32 $0x2400;
	s26 =	simm.s32 $0x2C00;
	s0 =	simm.s32 $0x0  }
.LBB2_1:
0x16: {  	s1 =	simm.s32 $0x40;
	s8 =	simm.s32 $0x0  }
.LBB2_2:
0x17: {  	p0 =	sne.s32 s1, $0x9FC0;
	[tilespmem:s8+$0x4400] =	vst v0;
	s8 =	smov.u32 s1;
	s1 =	sadd.s32 $0x40, s1  }
.Ltmp0:
0x18: {  	(pc) =	sbr.rel @p0 .LBB2_2-.Ltmp0, $2  }
0x19: {  	_ =	sdelay $0x2  }
0x1a: {  	s8 =	sshra.s32 s8, $0x2  }
0x1b: {  	[tilespmem:s8+$0x4400] =	vst v0  }
0x1c: {  	[spmem:s7] =	stream.linear.scatter [tilespmem:s13], [sflag:$0x1], $0x2800, $0x38;
	[tilespmem:$0x9400] =	vst v63  }
0x1d: {  	_ =	swait.ge [sflag:s14], $0x2800  }
0x1e: {  	[sflag:s14] =	ssyncset.done $0x0  }
0x1f: {  	[sflag:s14] =	ssyncadd.s32 $0xFFFFD800  }
0x20: {  	[bflag:$0x0] =	sbarrier.arrive $0xFFFF  }
0x21: {  	s12 =	rddreg [dreg:$0x7]  }
0x22: {  	s8 =	rddreg [dreg:$0x6]  }
0x23: {  	s1 =	simm.s32 $0x0;
	s10 =	rddreg [dreg:$0x5]  }
.LBB2_4:
0x24: {  	p0 =	slt.u32 s10, $0x280  }
.Ltmp1:
0x25: {  	_ = 	snop;
	(pc) =	sbr.rel @p0 .LBB2_11-.Ltmp1, $4  }
0x26: {  	[tilespmem:s3], [sflag:$0x1] =	stream.linear.gather [hbm4b:s12+s3], $0x400, $0x38;
	[tilespmem:$0x9400] =	vst v63  }
0x27: {  	_ =	swait.ge [sflag:s14], $0x400  }
0x28: {  	[sflag:s14] =	ssyncset.done $0x0  }
0x29: {  	s11 =	smov.u32 s8;
	[sflag:s14] =	ssyncadd.s32 $0xFFFFFC00  }
0x2a: {  	p0 =	sgt.u32 s10, $0x4FF  }
.Ltmp2:
0x2b: {  	_ = 	snop;
	(pc) =	sbr.rel @p0 .LBB2_7-.Ltmp2, $1  }
0x2c: {  	_ =	sdelay $0x3  }
.Ltmp3:
0x2d: {  	(pc) =	sbr.rel .LBB2_11-.Ltmp3, $4  }
0x2e: {  	s11 =	sadd.s32 s1, s9  }
0x2f: {  	s11 =	sadd.s32 $0xFFEC0000, s11  }
0x30: {  	s11 =	sshrl.u32 s11, $0x3  }
0x31: {  	s11 =	sadd.s32 s4, s11  }
.LBB2_7:
0x32: {  	s11 =	sadd.s32 $0xFFFFFB00, s10  }
0x33: {  	p0 =	sgt.u32 s11, $0x27F  }
.Ltmp4:
0x34: {  	_ = 	snop;
	(pc) =	sbr.rel @p0 .LBB2_9-.Ltmp4, $1  }
0x35: {  	_ =	sdelay $0x3  }
.Ltmp5:
0x36: {  	(pc) =	sbr.rel .LBB2_11-.Ltmp5, $4  }
0x37: {  	s11 =	sadd.s32 s1, s9  }
0x38: {  	s11 =	sadd.s32 $0xFFD80000, s11  }
0x39: {  	s11 =	sshrl.u32 s11, $0x3  }
0x3a: {  	s11 =	sadd.s32 s5, s11  }
.LBB2_9:
0x3b: {  	s11 =	sadd.s32 $0xFFFFF880, s10  }
0x3c: {  	p0 =	sgt.u32 s11, $0x27F  }
.Ltmp6:
0x3d: {  	_ = 	snop;
	(pc) =	sbr.rel @p0 .LBB2_12-.Ltmp6, $1  }
0x3e: {  	_ =	sdelay $0x3  }
0x3f: {  	s11 =	sadd.s32 s1, s9  }
0x40: {  	s11 =	sadd.s32 $0xFFC40000, s11  }
0x41: {  	s11 =	sshrl.u32 s11, $0x3  }
0x42: {  	s11 =	sadd.s32 s6, s11  }
.LBB2_11:
0x43: {  	[tilespmem:s15], [sflag:$0x1] =	stream.linear.gather [hbm4b:s11+s3], $0x4000, $0x38;
	[tilespmem:$0x9400] =	vst v63  }
0x44: {  	_ =	swait.ge [sflag:s14], $0x4000  }
0x45: {  	[sflag:s14] =	ssyncset.done $0x0  }
0x46: {  	[sflag:s14] =	ssyncadd.s32 $0xFFFFC000  }
.LBB2_12:
0x47: {  	[spmem:s2] =	stream.indirect.scatter.add.f32 [tilespmem:s15], [sflag:$0x1], $0x10, s3, s16, $0xb8;
	[tilespmem:$0x9400] =	vst v63  }
0x48: {  	_ =	swait.ge [sflag:s14], $0x800  }
0x49: {  	[sflag:s14] =	ssyncset.done $0x0  }
0x4a: {  	[sflag:s14] =	ssyncadd.s32 $0xFFFFF800  }
0x4b: {  	[spmem:s2] =	stream.indirect.scatter.add.f32 [tilespmem:s17], [sflag:$0x1], $0x10, s16, s16, $0xb8;
	[tilespmem:$0x9400] =	vst v63  }
0x4c: {  	_ =	swait.ge [sflag:s14], $0x800  }
0x4d: {  	[sflag:s14] =	ssyncset.done $0x0  }
0x4e: {  	[sflag:s14] =	ssyncadd.s32 $0xFFFFF800  }
0x4f: {  	[spmem:s2] =	stream.indirect.scatter.add.f32 [tilespmem:s19], [sflag:$0x1], $0x10, s18, s16, $0xb8;
	[tilespmem:$0x9400] =	vst v63  }
0x50: {  	_ =	swait.ge [sflag:s14], $0x800  }
0x51: {  	[sflag:s14] =	ssyncset.done $0x0  }
0x52: {  	[sflag:s14] =	ssyncadd.s32 $0xFFFFF800  }
0x53: {  	[spmem:s2] =	stream.indirect.scatter.add.f32 [tilespmem:s21], [sflag:$0x1], $0x10, s20, s16, $0xb8;
	[tilespmem:$0x9400] =	vst v63  }
0x54: {  	_ =	swait.ge [sflag:s14], $0x800  }
0x55: {  	[sflag:s14] =	ssyncset.done $0x0  }
0x56: {  	[sflag:s14] =	ssyncadd.s32 $0xFFFFF800  }
0x57: {  	[spmem:s2] =	stream.indirect.scatter.add.f32 [tilespmem:s23], [sflag:$0x1], $0x10, s22, s16, $0xb8;
	[tilespmem:$0x9400] =	vst v63  }
0x58: {  	_ =	swait.ge [sflag:s14], $0x800  }
0x59: {  	[sflag:s14] =	ssyncset.done $0x0  }
0x5a: {  	[sflag:s14] =	ssyncadd.s32 $0xFFFFF800  }
0x5b: {  	[spmem:s2] =	stream.indirect.scatter.add.f32 [tilespmem:s26], [sflag:$0x1], $0x10, s25, s16, $0xb8;
	[tilespmem:$0x9400] =	vst v63  }
0x5c: {  	_ =	swait.ge [sflag:s14], $0x800  }
0x5d: {  	[sflag:s14] =	ssyncset.done $0x0  }
0x5e: {  	[sflag:s14] =	ssyncadd.s32 $0xFFFFF800  }
0x5f: {  	[spmem:s2] =	stream.indirect.scatter.add.f32 [tilespmem:s29], [sflag:$0x1], $0x10, s28, s16, $0xb8;
	[tilespmem:$0x9400] =	vst v63  }
0x60: {  	s1 =	sadd.s32 $0x4000, s1;
	_ =	swait.ge [sflag:s14], $0x800  }
0x61: {  	p0 =	sne.s32 s1, $0x28000;
	[sflag:s14] =	ssyncset.done $0x0  }
.Ltmp7:
0x62: {  	[sflag:s14] =	ssyncadd.s32 $0xFFFFF800;
	(pc) =	sbr.rel @p0 .LBB2_4-.Ltmp7, $4  }
0x63: {  	[spmem:s2] =	stream.indirect.scatter.add.f32 [tilespmem:s31], [sflag:$0x1], $0x10, s30, s16, $0xb8;
	[tilespmem:$0x9400] =	vst v63  }
0x64: {  	_ =	swait.ge [sflag:s14], $0x800  }
0x65: {  	s10 =	sadd.s32 $0x8, s10;
	[sflag:s14] =	ssyncset.done $0x0  }
0x66: {  	s8 =	sadd.s32 $0x800, s8;
	s12 =	sadd.s32 $0x80, s12;
	[sflag:s14] =	ssyncadd.s32 $0xFFFFF800  }
0x67: {  	[bflag:$0x0] =	sbarrier.arrive $0xFFFF  }
0x68: {  	[tilespmem:s13], [sflag:$0x1] =	stream.linear.gather [spmem:s7], $0x2800, $0x38;
	[tilespmem:$0x9400] =	vst v63  }
0x69: {  	_ =	swait.ge [sflag:s14], $0x2800  }
0x6a: {  	[sflag:s14] =	ssyncset.done $0x0  }
0x6b: {  	[sflag:s14] =	ssyncadd.s32 $0xFFFFD800  }
0x6c: {  	[hbm4b:s24+s3] =	stream.linear.scatter [tilespmem:s13], [sflag:$0x1], $0x2800, $0x38;
	[tilespmem:$0x9400] =	vst v63  }
0x6d: {  	_ =	swait.ge [sflag:s14], $0x2800  }
0x6e: {  	s0 =	sadd.s32 $0x1, s0;
	s1 =	rddreg [dreg:$0x4]  }
0x6f: {  	p0 =	sne.s32 s0, s1  }
.Ltmp8:
0x70: {  	_ = 	snop;
	(pc) =	sbr.rel @p0 .LBB2_1-.Ltmp8, $3  }
0x71: {  	_ =	sdelay $0x1  }
0x72: {  	[sflag:s14] =	ssyncset.done $0x0  }
0x73: {  	[sflag:s14] =	ssyncadd.s32 $0xFFFFD800  }
0x74: {  	_ =	sfence.sel $0x180000  }
0x75: {  	[bflag:$0x0] =	sbarrier.arrive $0xFFFF  }
0x76: {  	_ =	strace $0x90000053  }
0x77: {  	s0 =	stileid.u32;
	[bflag:$0x2] =	sbarrier.arrive $0xFFFF  }
0x78: {  	p0 =	sne.s32 s0, $0x0;
	s0 =	rddreg [dreg:$0x3]  }
0x79: {  	s0 =	sadd.s32 @!p0 $0x100000, s0  }
0x7a: {  	[sflag:s0] =	ssyncadd.tile.s32 @!p0 $0x1;
	_ =	shalt  }
.Lfunc_end2:
_tile_overlayer_lowered:
.L_overlay_start_2:
0x7b: {  	(tag) =	ssettag $0x2  }
0x7c: {  	s0 =	rddreg [dreg:$0x0];
	s2 =	stileid.u32  }
0x7d: {  	s1 =	rddreg [dreg:$0x1];
	p0 =	sne.s32 s2, $0x0  }
0x7e: {  	s3 =	rddreg [dreg:$0x2];
	[bflag:$0x3] =	sbarrier.arrive $0xFFFF;
	s2 =	simm.s32 @!p0 $0x1C01  }
0x7f: {  	[timem:s3], [sflag:s2] =	dma.local @!p0 [hbm:s0], s1  }
0x80: {  	s0 =	simm.s32 @!p0 $0x1  }
0x81: {  	_ =	swait.ge @!p0 [sflag:s0], s1  }
0x82: {  	s1 =	ssub.s32 @!p0 $0x0, s1;
	[sflag:s0] =	ssyncset.done @!p0 $0x0  }
0x83: {  	[sflag:s0] =	ssyncadd.s32 @!p0 s1  }
0x84: {  	[bflag:$0x3] =	sbarrier.arrive $0xFFFF  }
0x85: {  	_ =	shalt  }

</sc_bundles>
